<compile_context>
chip_gen: v7x
topology: tpu7x:2x2x1
jax: 0.10.2.dev20260603
libtpu: 0.0.44.dev20260713+nightly
codegen_flags: <defaults>
</compile_context>

<pallas_src>
import functools

import jax
import jax.numpy as jnp
from jax import lax
from jax.experimental import pallas as pl
from jax.experimental.pallas import tpu as pltpu
from jax.experimental.pallas import tpu_sc as plsc

B = 16384
SEQ = 50
VOCAB = 100000
EMBED = 64
OUT = 128

NC = 2
NS = 16
NW = NC * NS

_TS_GRID = 25
_TS_ROWS = VOCAB // _TS_GRID


def _tc_scores_body(emb_ref, aw_ref, out_ref):
    i = pl.program_id(0)
    x = emb_ref[...]
    s = jnp.sum(x * aw_ref[...], axis=1)
    out_ref[pl.ds(i, 1), :] = s.reshape(1, _TS_ROWS)


def _tc_scores(token_embed, aw_row):
    out = pl.pallas_call(
        _tc_scores_body,
        grid=(_TS_GRID,),
        in_specs=[
            pl.BlockSpec((_TS_ROWS, EMBED), lambda i: (i, 0)),
            pl.BlockSpec((1, EMBED), lambda i: (0, 0)),
        ],
        out_specs=pl.BlockSpec((_TS_GRID, _TS_ROWS), lambda i: (0, 0)),
        out_shape=jax.ShapeDtypeStruct((_TS_GRID, _TS_ROWS), jnp.float32),
    )(token_embed, aw_row)
    return out.reshape(VOCAB)


_TOK_PER_W = B * SEQ // NW
_A_CHUNK = 6400
_A_NCHUNK = _TOK_PER_W // _A_CHUNK

_sc_mesh = plsc.VectorSubcoreMesh(
    core_axis_name="c", subcore_axis_name="s", num_cores=NC, num_subcores=NS)


@functools.partial(
    pl.kernel,
    out_type=jax.ShapeDtypeStruct((B * SEQ,), jnp.float32),
    mesh=_sc_mesh,
    compiler_params=pltpu.CompilerParams(needs_layout_passes=False, use_tc_tiling_on_sc=False),
    scratch_types=[
        pltpu.VMEM((VOCAB,), jnp.float32),
        pltpu.VMEM((_A_CHUNK,), jnp.int32),
        pltpu.VMEM((_A_CHUNK,), jnp.float32),
    ],
)
def _sc_score_gather(ts_hbm, tok_hbm, out_hbm, table_v, tok_v, out_v):
    wid = lax.axis_index("s") * NC + lax.axis_index("c")
    base = wid * _TOK_PER_W
    pltpu.sync_copy(ts_hbm, table_v)
    for c in range(_A_NCHUNK):
        off = base + c * _A_CHUNK
        pltpu.sync_copy(tok_hbm.at[pl.ds(off, _A_CHUNK)], tok_v)

        def body(i, _):
            idx = tok_v[pl.ds(i * 16, 16)]
            out_v[pl.ds(i * 16, 16)] = plsc.load_gather(table_v, [idx])
            return 0

        lax.fori_loop(0, _A_CHUNK // 16, body, 0)
        pltpu.sync_copy(out_v, out_hbm.at[pl.ds(off, _A_CHUNK)])


_MID_ROWS = 2048
_MID_GRID = B // _MID_ROWS


def _tc_mid_body(rawts_ref, pe_ref, aw_ref, w_ref, ppe_ref):
    pe50 = pe_ref[0:SEQ, :]
    ps = jnp.sum(pe50 * aw_ref[...], axis=1)
    scores = rawts_ref[...] + ps[None, :]
    m = jnp.max(scores, axis=1, keepdims=True)
    e = jnp.exp(scores - m)
    s = jnp.sum(e, axis=1, keepdims=True)
    w = e / s
    w_ref[...] = jnp.concatenate(
        [w, jnp.zeros((w.shape[0], 64 - SEQ), jnp.float32)], axis=1)
    ppe_ref[...] = jnp.dot(w, pe50, preferred_element_type=jnp.float32)


def _tc_mid(rawts, pos_embed, aw_row):
    return pl.pallas_call(
        _tc_mid_body,
        grid=(_MID_GRID,),
        in_specs=[
            pl.BlockSpec((_MID_ROWS, SEQ), lambda i: (i, 0)),
            pl.BlockSpec((64, EMBED), lambda i: (0, 0)),
            pl.BlockSpec((1, EMBED), lambda i: (0, 0)),
        ],
        out_specs=[
            pl.BlockSpec((_MID_ROWS, 64), lambda i: (i, 0)),
            pl.BlockSpec((_MID_ROWS, EMBED), lambda i: (i, 0)),
        ],
        out_shape=[
            jax.ShapeDtypeStruct((B, 64), jnp.float32),
            jax.ShapeDtypeStruct((B, EMBED), jnp.float32),
        ],
    )(rawts, pos_embed, aw_row)


_ROWS_PER_W = B // NW
_G = 16
_NGRP = _ROWS_PER_W // _G


@functools.partial(
    pl.kernel,
    out_type=jax.ShapeDtypeStruct((B, EMBED), jnp.float32),
    mesh=_sc_mesh,
    compiler_params=pltpu.CompilerParams(needs_layout_passes=False, use_tc_tiling_on_sc=False),
    scratch_types=[
        pltpu.VMEM((_G, SEQ), jnp.int32),
        pltpu.VMEM((_G, 64), jnp.float32),
        pltpu.VMEM((_G * SEQ, EMBED), jnp.float32),
        pltpu.VMEM((_G, EMBED), jnp.float32),
        pltpu.SemaphoreType.DMA,
    ],
)
def _sc_pool(table_hbm, tok_hbm, w_hbm, out_hbm, tok_v, w_v, rows_v, out_v,
             gsem):
    wid = lax.axis_index("s") * NC + lax.axis_index("c")
    rbase = wid * _ROWS_PER_W

    def grp(g, _):
        gb = rbase + g * _G
        pltpu.sync_copy(tok_hbm.at[pl.ds(gb, _G)], tok_v)
        pltpu.sync_copy(w_hbm.at[pl.ds(gb, _G)], w_v)
        copies = []
        for r in range(_G):
            copies.append(pltpu.async_copy(
                table_hbm.at[tok_v.at[r]],
                rows_v.at[pl.ds(r * SEQ, SEQ)], gsem))
        for cp in copies:
            cp.wait()

        def row(r, _):
            rb = r * SEQ
            accs = [jnp.zeros((16,), jnp.float32) for _ in range(4)]
            wrows = [w_v[r, pl.ds(k * 16, 16)] for k in range(4)]
            for t in range(SEQ):
                wv = jnp.full((16,), wrows[t // 16][t % 16], jnp.float32)
                for c4 in range(4):
                    accs[c4] = accs[c4] + rows_v[rb + t, pl.ds(c4 * 16, 16)] * wv
            for c4 in range(4):
                out_v[r, pl.ds(c4 * 16, 16)] = accs[c4]
            return 0

        lax.fori_loop(0, _G, row, 0)
        pltpu.sync_copy(out_v, out_hbm.at[pl.ds(gb, _G)])
        return 0

    lax.fori_loop(0, _NGRP, grp, 0)


_FIN_ROWS = 2048
_FIN_GRID = B // _FIN_ROWS


def _tc_final_body(ptok_ref, ppe_ref, pw_ref, pb_ref, lns_ref, lnb_ref,
                   p2w_ref, p2b_ref, out_ref):
    pooled = ptok_ref[...] + ppe_ref[...]
    h = jnp.dot(pooled, pw_ref[...], preferred_element_type=jnp.float32)
    h = h + pb_ref[...]
    mean = jnp.mean(h, axis=-1, keepdims=True)
    d = h - mean
    var = jnp.mean(d * d, axis=-1, keepdims=True)
    h = d / jnp.sqrt(var + 1e-6)
    h = h * lns_ref[...] + lnb_ref[...]
    h = jax.nn.gelu(h)
    out_ref[...] = jnp.dot(h, p2w_ref[...],
                           preferred_element_type=jnp.float32) + p2b_ref[...]


def _tc_final(ptok, ppe, proj_W, proj_b, ln_scale, ln_bias, proj2_W, proj2_b):
    return pl.pallas_call(
        _tc_final_body,
        grid=(_FIN_GRID,),
        in_specs=[
            pl.BlockSpec((_FIN_ROWS, EMBED), lambda i: (i, 0)),
            pl.BlockSpec((_FIN_ROWS, EMBED), lambda i: (i, 0)),
            pl.BlockSpec((EMBED, OUT), lambda i: (0, 0)),
            pl.BlockSpec((1, OUT), lambda i: (0, 0)),
            pl.BlockSpec((1, OUT), lambda i: (0, 0)),
            pl.BlockSpec((1, OUT), lambda i: (0, 0)),
            pl.BlockSpec((OUT, OUT), lambda i: (0, 0)),
            pl.BlockSpec((1, OUT), lambda i: (0, 0)),
        ],
        out_specs=pl.BlockSpec((_FIN_ROWS, OUT), lambda i: (i, 0)),
        out_shape=jax.ShapeDtypeStruct((B, OUT), jnp.float32),
    )(ptok, ppe, proj_W, proj_b, ln_scale, ln_bias, proj2_W, proj2_b)


def kernel(tokens, token_embed, pos_embed, attn_W, attn_b, proj_W, proj_b,
           ln_scale, ln_bias, proj2_W, proj2_b):
    aw_row = attn_W.reshape(1, EMBED)
    ts = _tc_scores(token_embed, aw_row)
    rawts = _sc_score_gather(ts, tokens.reshape(B * SEQ)).reshape(B, SEQ)
    w, pooled_pe = _tc_mid(rawts, pos_embed, aw_row)
    pooled_tok = _sc_pool(token_embed, tokens, w)
    return _tc_final(pooled_tok, pooled_pe, proj_W, proj_b.reshape(1, OUT),
                     ln_scale.reshape(1, OUT), ln_bias.reshape(1, OUT),
                     proj2_W, proj2_b.reshape(1, OUT))

# --- scband reference (transcript-rebuilt; emitter-appended) ---
"""Pipeline reference for scband-text-encoder-31421980738162 (READ-ONLY COPY).

The authoritative reference and input builder live on the scoring server;
editing this copy changes nothing except your own understanding.
"""

import jax, jax.numpy as jnp
import numpy as np

B = 16384
SEQ = 50
VOCAB = 100000
EMBED = 64
OUT = 128
MAXLEN = 64


def setup_inputs(seed: int = 0) -> dict:
    key = jax.random.key(seed)
    ks = jax.random.split(key, 12)
    tokens = jax.random.randint(ks[0], (B, SEQ), 0, VOCAB, dtype=jnp.int32)
    token_embed = jax.random.normal(ks[1], (VOCAB, EMBED), dtype=jnp.float32) * 0.02
    pos_embed = jax.random.normal(ks[2], (MAXLEN, EMBED), dtype=jnp.float32) * 0.02
    attn_W = jax.random.normal(ks[3], (EMBED, 1), dtype=jnp.float32) * (1.0 / np.sqrt(EMBED))
    attn_b = jnp.zeros((1,), dtype=jnp.float32)
    proj_W = jax.random.normal(ks[4], (EMBED, OUT), dtype=jnp.float32) * (1.0 / np.sqrt(EMBED))
    proj_b = jnp.zeros((OUT,), dtype=jnp.float32)
    ln_scale = jnp.ones((OUT,), dtype=jnp.float32)
    ln_bias = jnp.zeros((OUT,), dtype=jnp.float32)
    proj2_W = jax.random.normal(ks[5], (OUT, OUT), dtype=jnp.float32) * (1.0 / np.sqrt(OUT))
    proj2_b = jnp.zeros((OUT,), dtype=jnp.float32)
    return {
        "tokens": tokens,
        "token_embed": token_embed,
        "pos_embed": pos_embed,
        "attn_W": attn_W,
        "attn_b": attn_b,
        "proj_W": proj_W,
        "proj_b": proj_b,
        "ln_scale": ln_scale,
        "ln_bias": ln_bias,
        "proj2_W": proj2_W,
        "proj2_b": proj2_b,
    }


def reference(tokens, token_embed, pos_embed, attn_W, attn_b, proj_W, proj_b,
              ln_scale, ln_bias, proj2_W, proj2_b):
    # Token embedding lookup: [B, S, E]
    embed = jnp.take(token_embed, tokens, axis=0)
    # Positional embedding lookup for positions 0..S-1
    pos = jnp.arange(tokens.shape[1])
    pe = jnp.take(pos_embed, pos, axis=0)
    embed = embed + pe[None, :, :]
    # Attention pooling weights: Dense(embed_dim -> 1), softmax over seq axis
    attn_weights = embed @ attn_W + attn_b
    attn_weights = jax.nn.softmax(attn_weights, axis=1)
    pooled = jnp.sum(embed * attn_weights, axis=1)
    # Projection
    out = pooled @ proj_W + proj_b
    # LayerNorm (flax default eps=1e-6, with scale and bias)
    mean = jnp.mean(out, axis=-1, keepdims=True)
    var = jnp.var(out, axis=-1, keepdims=True)
    out = (out - mean) / jnp.sqrt(var + 1e-6)
    out = out * ln_scale + ln_bias
    out = jax.nn.gelu(out)
    out = out @ proj2_W + proj2_b
    return out

if __name__ == "__main__":
    import jax
    _d = setup_inputs()
    print(jax.jit(kernel)(*tuple(_d.values())))

</pallas_src>

<mosaic_0001>
#map = affine_map<(d0, d1) -> (0, 0)>
module attributes {stable_mosaic.version = 14 : i64} {
  func.func @_sc_pool(%arg0: i32, %arg1: i32, %arg2: memref<100000x64xf32, #tpu.memory_space<hbm>>, %arg3: memref<16384x50xi32, #tpu.memory_space<hbm>>, %arg4: memref<16384x64xf32, #tpu.memory_space<hbm>>, %arg5: memref<16384x64xf32, #tpu.memory_space<hbm>>, %arg6: memref<16x50xi32, #tpu.memory_space<vmem>>, %arg7: memref<16x64xf32, #tpu.memory_space<vmem>>, %arg8: memref<800x64xf32, #tpu.memory_space<vmem>>, %arg9: memref<16x64xf32, #tpu.memory_space<vmem>>, %arg10: memref<!tpu.dma_semaphore, #tpu.memory_space<semaphore_mem>>) attributes {dimension_semantics = [#tpu.dimension_semantics<core_parallel>, #tpu.dimension_semantics<subcore_parallel>], iteration_bounds = array<i64: 2, 16>, scalar_prefetch = 0 : i64, scratch_operands = 5 : i64, tpu.core_type = #tpu.core_type<sc_vector_subcore>, window_params = [{transform_indices = #map}, {transform_indices = #map}, {transform_indices = #map}, {transform_indices = #map}]} {
    %mul3A = arith.constant 2 : i32
    %mul3A_0 = arith.muli %arg1, %mul3A : i32
    %add3A = arith.addi %mul3A_0, %arg0 : i32
    %mul3A_1 = arith.constant 512 : i32
    %mul3A_2 = arith.muli %add3A, %mul3A_1 : i32
    %scan3A = arith.constant 0 : i32
    %scan3A_3 = arith.constant 0 : i32
    %scan3A_4 = arith.constant 32 : i32
    %scan3A_5 = arith.addi %scan3A_3, %scan3A_4 : i32
    %scan3A_6 = arith.constant 1 : i32
    %scan3A_7 = scf.for %scan3A_9 = %scan3A_3 to %scan3A_5 step %scan3A_6 iter_args(%scan3A_10 = %scan3A) -> (i32)  : i32 {
      %mul3A_11 = arith.constant 16 : i32
      %mul3A_12 = arith.muli %scan3A_9, %mul3A_11 : i32
      %add3A_13 = arith.addi %mul3A_2, %mul3A_12 : i32
      "tpu.region"() ({
        %run_scoped3A = tpu.sem_alloc : memref<!tpu.dma_semaphore, #tpu.memory_space<semaphore_mem>>
        %dma_start3A_340 = arith.constant 0 : i32
        %dma_start3A_341 = tpu.memref_slice %arg3[%add3A_13, %dma_start3A_340] : memref<16384x50xi32, #tpu.memory_space<hbm>> -> memref<16x50xi32, #tpu.memory_space<hbm>>
        %dma_start3A_342 = arith.constant 0 : i32
        %dma_start3A_343 = tpu.memref_slice %arg3[%add3A_13, %dma_start3A_342] : memref<16384x50xi32, #tpu.memory_space<hbm>> -> memref<16x50xi32, #tpu.memory_space<hbm>>
        tpu.enqueue_dma source(%dma_start3A_343 : memref<16x50xi32, #tpu.memory_space<hbm>>) target(%arg6 : memref<16x50xi32, #tpu.memory_space<vmem>>) target_semaphore(%run_scoped3A : memref<!tpu.dma_semaphore, #tpu.memory_space<semaphore_mem>>)
        %dma_wait3A_344 = arith.constant 0 : i32
        %dma_wait3A_345 = tpu.memref_slice %arg3[%add3A_13, %dma_wait3A_344] : memref<16384x50xi32, #tpu.memory_space<hbm>> -> memref<16x50xi32, #tpu.memory_space<hbm>>
        %dma_wait3A_346 = arith.constant 0 : i32
        %dma_wait3A_347 = tpu.memref_slice %arg3[%add3A_13, %dma_wait3A_346] : memref<16384x50xi32, #tpu.memory_space<hbm>> -> memref<16x50xi32, #tpu.memory_space<hbm>>
        tpu.wait_dma2 semaphore(%run_scoped3A : memref<!tpu.dma_semaphore, #tpu.memory_space<semaphore_mem>>) src(%dma_wait3A_347 : memref<16x50xi32, #tpu.memory_space<hbm>>) dst(%arg6 : memref<16x50xi32, #tpu.memory_space<vmem>>)
        tpu.yield
      }) : () -> ()
      "tpu.region"() ({
        %run_scoped3A = tpu.sem_alloc : memref<!tpu.dma_semaphore, #tpu.memory_space<semaphore_mem>>
        %dma_start3A_340 = arith.constant 0 : i32
        %dma_start3A_341 = tpu.memref_slice %arg4[%add3A_13, %dma_start3A_340] : memref<16384x64xf32, #tpu.memory_space<hbm>> -> memref<16x64xf32, #tpu.memory_space<hbm>>
        %dma_start3A_342 = arith.constant 0 : i32
        %dma_start3A_343 = tpu.memref_slice %arg4[%add3A_13, %dma_start3A_342] : memref<16384x64xf32, #tpu.memory_space<hbm>> -> memref<16x64xf32, #tpu.memory_space<hbm>>
        tpu.enqueue_dma source(%dma_start3A_343 : memref<16x64xf32, #tpu.memory_space<hbm>>) target(%arg7 : memref<16x64xf32, #tpu.memory_space<vmem>>) target_semaphore(%run_scoped3A : memref<!tpu.dma_semaphore, #tpu.memory_space<semaphore_mem>>)
        %dma_wait3A_344 = arith.constant 0 : i32
        %dma_wait3A_345 = tpu.memref_slice %arg4[%add3A_13, %dma_wait3A_344] : memref<16384x64xf32, #tpu.memory_space<hbm>> -> memref<16x64xf32, #tpu.memory_space<hbm>>
        %dma_wait3A_346 = arith.constant 0 : i32
        %dma_wait3A_347 = tpu.memref_slice %arg4[%add3A_13, %dma_wait3A_346] : memref<16384x64xf32, #tpu.memory_space<hbm>> -> memref<16x64xf32, #tpu.memory_space<hbm>>
        tpu.wait_dma2 semaphore(%run_scoped3A : memref<!tpu.dma_semaphore, #tpu.memory_space<semaphore_mem>>) src(%dma_wait3A_347 : memref<16x64xf32, #tpu.memory_space<hbm>>) dst(%arg7 : memref<16x64xf32, #tpu.memory_space<vmem>>)
        tpu.yield
      }) : () -> ()
      %dma_start3A = arith.constant 0 : i32
      %dma_start3A_14 = arith.constant 0 : i32
      %dma_start3A_15 = arith.constant 0 : i32
      %dma_start3A_16 = tpu.memref_slice %arg8[%dma_start3A_14, %dma_start3A_15] : memref<800x64xf32, #tpu.memory_space<vmem>> -> memref<50x64xf32, #tpu.memory_space<vmem>>
      %dma_start3A_17 = arith.constant 0 : i32
      %dma_start3A_18 = tpu.memref_slice %arg6[%dma_start3A, %dma_start3A_17] : memref<16x50xi32, #tpu.memory_space<vmem>> -> memref<1x50xi32, #tpu.memory_space<vmem>>
      %dma_start3A_19 = tpu.memref_squeeze %dma_start3A_18 : memref<1x50xi32, #tpu.memory_space<vmem>> -> memref<50xi32, #tpu.memory_space<vmem>>
      %dma_start3A_20 = arith.constant 0 : i32
      %dma_start3A_21 = arith.constant 0 : i32
      %dma_start3A_22 = tpu.memref_slice %arg2[%dma_start3A_20, %dma_start3A_21] : memref<100000x64xf32, #tpu.memory_space<hbm>> -> memref<100000x64xf32, #tpu.memory_space<hbm>>
      tpu.enqueue_indirect_dma source(%dma_start3A_22 : memref<100000x64xf32, #tpu.memory_space<hbm>>) target(%dma_start3A_16 : memref<50x64xf32, #tpu.memory_space<vmem>>) offsets(%dma_start3A_19 : memref<50xi32, #tpu.memory_space<vmem>>) semaphore(%arg10 : memref<!tpu.dma_semaphore, #tpu.memory_space<semaphore_mem>>)
      %dma_start3A_23 = arith.constant 1 : i32
      %dma_start3A_24 = arith.constant 50 : i32
      %dma_start3A_25 = arith.constant 0 : i32
      %dma_start3A_26 = tpu.memref_slice %arg8[%dma_start3A_24, %dma_start3A_25] : memref<800x64xf32, #tpu.memory_space<vmem>> -> memref<50x64xf32, #tpu.memory_space<vmem>>
      %dma_start3A_27 = arith.constant 0 : i32
      %dma_start3A_28 = tpu.memref_slice %arg6[%dma_start3A_23, %dma_start3A_27] : memref<16x50xi32, #tpu.memory_space<vmem>> -> memref<1x50xi32, #tpu.memory_space<vmem>>
      %dma_start3A_29 = tpu.memref_squeeze %dma_start3A_28 : memref<1x50xi32, #tpu.memory_space<vmem>> -> memref<50xi32, #tpu.memory_space<vmem>>
      %dma_start3A_30 = arith.constant 0 : i32
      %dma_start3A_31 = arith.constant 0 : i32
      %dma_start3A_32 = tpu.memref_slice %arg2[%dma_start3A_30, %dma_start3A_31] : memref<100000x64xf32, #tpu.memory_space<hbm>> -> memref<100000x64xf32, #tpu.memory_space<hbm>>
      tpu.enqueue_indirect_dma source(%dma_start3A_32 : memref<100000x64xf32, #tpu.memory_space<hbm>>) target(%dma_start3A_26 : memref<50x64xf32, #tpu.memory_space<vmem>>) offsets(%dma_start3A_29 : memref<50xi32, #tpu.memory_space<vmem>>) semaphore(%arg10 : memref<!tpu.dma_semaphore, #tpu.memory_space<semaphore_mem>>)
      %dma_start3A_33 = arith.constant 2 : i32
      %dma_start3A_34 = arith.constant 100 : i32
      %dma_start3A_35 = arith.constant 0 : i32
      %dma_start3A_36 = tpu.memref_slice %arg8[%dma_start3A_34, %dma_start3A_35] : memref<800x64xf32, #tpu.memory_space<vmem>> -> memref<50x64xf32, #tpu.memory_space<vmem>>
      %dma_start3A_37 = arith.constant 0 : i32
      %dma_start3A_38 = tpu.memref_slice %arg6[%dma_start3A_33, %dma_start3A_37] : memref<16x50xi32, #tpu.memory_space<vmem>> -> memref<1x50xi32, #tpu.memory_space<vmem>>
      %dma_start3A_39 = tpu.memref_squeeze %dma_start3A_38 : memref<1x50xi32, #tpu.memory_space<vmem>> -> memref<50xi32, #tpu.memory_space<vmem>>
      %dma_start3A_40 = arith.constant 0 : i32
      %dma_start3A_41 = arith.constant 0 : i32
      %dma_start3A_42 = tpu.memref_slice %arg2[%dma_start3A_40, %dma_start3A_41] : memref<100000x64xf32, #tpu.memory_space<hbm>> -> memref<100000x64xf32, #tpu.memory_space<hbm>>
      tpu.enqueue_indirect_dma source(%dma_start3A_42 : memref<100000x64xf32, #tpu.memory_space<hbm>>) target(%dma_start3A_36 : memref<50x64xf32, #tpu.memory_space<vmem>>) offsets(%dma_start3A_39 : memref<50xi32, #tpu.memory_space<vmem>>) semaphore(%arg10 : memref<!tpu.dma_semaphore, #tpu.memory_space<semaphore_mem>>)
      %dma_start3A_43 = arith.constant 3 : i32
      %dma_start3A_44 = arith.constant 150 : i32
      %dma_start3A_45 = arith.constant 0 : i32
      %dma_start3A_46 = tpu.memref_slice %arg8[%dma_start3A_44, %dma_start3A_45] : memref<800x64xf32, #tpu.memory_space<vmem>> -> memref<50x64xf32, #tpu.memory_space<vmem>>
      %dma_start3A_47 = arith.constant 0 : i32
      %dma_start3A_48 = tpu.memref_slice %arg6[%dma_start3A_43, %dma_start3A_47] : memref<16x50xi32, #tpu.memory_space<vmem>> -> memref<1x50xi32, #tpu.memory_space<vmem>>
      %dma_start3A_49 = tpu.memref_squeeze %dma_start3A_48 : memref<1x50xi32, #tpu.memory_space<vmem>> -> memref<50xi32, #tpu.memory_space<vmem>>
      %dma_start3A_50 = arith.constant 0 : i32
      %dma_start3A_51 = arith.constant 0 : i32
      %dma_start3A_52 = tpu.memref_slice %arg2[%dma_start3A_50, %dma_start3A_51] : memref<100000x64xf32, #tpu.memory_space<hbm>> -> memref<100000x64xf32, #tpu.memory_space<hbm>>
      tpu.enqueue_indirect_dma source(%dma_start3A_52 : memref<100000x64xf32, #tpu.memory_space<hbm>>) target(%dma_start3A_46 : memref<50x64xf32, #tpu.memory_space<vmem>>) offsets(%dma_start3A_49 : memref<50xi32, #tpu.memory_space<vmem>>) semaphore(%arg10 : memref<!tpu.dma_semaphore, #tpu.memory_space<semaphore_mem>>)
      %dma_start3A_53 = arith.constant 4 : i32
      %dma_start3A_54 = arith.constant 200 : i32
      %dma_start3A_55 = arith.constant 0 : i32
      %dma_start3A_56 = tpu.memref_slice %arg8[%dma_start3A_54, %dma_start3A_55] : memref<800x64xf32, #tpu.memory_space<vmem>> -> memref<50x64xf32, #tpu.memory_space<vmem>>
      %dma_start3A_57 = arith.constant 0 : i32
      %dma_start3A_58 = tpu.memref_slice %arg6[%dma_start3A_53, %dma_start3A_57] : memref<16x50xi32, #tpu.memory_space<vmem>> -> memref<1x50xi32, #tpu.memory_space<vmem>>
      %dma_start3A_59 = tpu.memref_squeeze %dma_start3A_58 : memref<1x50xi32, #tpu.memory_space<vmem>> -> memref<50xi32, #tpu.memory_space<vmem>>
      %dma_start3A_60 = arith.constant 0 : i32
      %dma_start3A_61 = arith.constant 0 : i32
      %dma_start3A_62 = tpu.memref_slice %arg2[%dma_start3A_60, %dma_start3A_61] : memref<100000x64xf32, #tpu.memory_space<hbm>> -> memref<100000x64xf32, #tpu.memory_space<hbm>>
      tpu.enqueue_indirect_dma source(%dma_start3A_62 : memref<100000x64xf32, #tpu.memory_space<hbm>>) target(%dma_start3A_56 : memref<50x64xf32, #tpu.memory_space<vmem>>) offsets(%dma_start3A_59 : memref<50xi32, #tpu.memory_space<vmem>>) semaphore(%arg10 : memref<!tpu.dma_semaphore, #tpu.memory_space<semaphore_mem>>)
      %dma_start3A_63 = arith.constant 5 : i32
      %dma_start3A_64 = arith.constant 250 : i32
      %dma_start3A_65 = arith.constant 0 : i32
      %dma_start3A_66 = tpu.memref_slice %arg8[%dma_start3A_64, %dma_start3A_65] : memref<800x64xf32, #tpu.memory_space<vmem>> -> memref<50x64xf32, #tpu.memory_space<vmem>>
      %dma_start3A_67 = arith.constant 0 : i32
      %dma_start3A_68 = tpu.memref_slice %arg6[%dma_start3A_63, %dma_start3A_67] : memref<16x50xi32, #tpu.memory_space<vmem>> -> memref<1x50xi32, #tpu.memory_space<vmem>>
      %dma_start3A_69 = tpu.memref_squeeze %dma_start3A_68 : memref<1x50xi32, #tpu.memory_space<vmem>> -> memref<50xi32, #tpu.memory_space<vmem>>
      %dma_start3A_70 = arith.constant 0 : i32
      %dma_start3A_71 = arith.constant 0 : i32
      %dma_start3A_72 = tpu.memref_slice %arg2[%dma_start3A_70, %dma_start3A_71] : memref<100000x64xf32, #tpu.memory_space<hbm>> -> memref<100000x64xf32, #tpu.memory_space<hbm>>
      tpu.enqueue_indirect_dma source(%dma_start3A_72 : memref<100000x64xf32, #tpu.memory_space<hbm>>) target(%dma_start3A_66 : memref<50x64xf32, #tpu.memory_space<vmem>>) offsets(%dma_start3A_69 : memref<50xi32, #tpu.memory_space<vmem>>) semaphore(%arg10 : memref<!tpu.dma_semaphore, #tpu.memory_space<semaphore_mem>>)
      %dma_start3A_73 = arith.constant 6 : i32
      %dma_start3A_74 = arith.constant 300 : i32
      %dma_start3A_75 = arith.constant 0 : i32
      %dma_start3A_76 = tpu.memref_slice %arg8[%dma_start3A_74, %dma_start3A_75] : memref<800x64xf32, #tpu.memory_space<vmem>> -> memref<50x64xf32, #tpu.memory_space<vmem>>
      %dma_start3A_77 = arith.constant 0 : i32
      %dma_start3A_78 = tpu.memref_slice %arg6[%dma_start3A_73, %dma_start3A_77] : memref<16x50xi32, #tpu.memory_space<vmem>> -> memref<1x50xi32, #tpu.memory_space<vmem>>
      %dma_start3A_79 = tpu.memref_squeeze %dma_start3A_78 : memref<1x50xi32, #tpu.memory_space<vmem>> -> memref<50xi32, #tpu.memory_space<vmem>>
      %dma_start3A_80 = arith.constant 0 : i32
      %dma_start3A_81 = arith.constant 0 : i32
      %dma_start3A_82 = tpu.memref_slice %arg2[%dma_start3A_80, %dma_start3A_81] : memref<100000x64xf32, #tpu.memory_space<hbm>> -> memref<100000x64xf32, #tpu.memory_space<hbm>>
      tpu.enqueue_indirect_dma source(%dma_start3A_82 : memref<100000x64xf32, #tpu.memory_space<hbm>>) target(%dma_start3A_76 : memref<50x64xf32, #tpu.memory_space<vmem>>) offsets(%dma_start3A_79 : memref<50xi32, #tpu.memory_space<vmem>>) semaphore(%arg10 : memref<!tpu.dma_semaphore, #tpu.memory_space<semaphore_mem>>)
      %dma_start3A_83 = arith.constant 7 : i32
      %dma_start3A_84 = arith.constant 350 : i32
      %dma_start3A_85 = arith.constant 0 : i32
      %dma_start3A_86 = tpu.memref_slice %arg8[%dma_start3A_84, %dma_start3A_85] : memref<800x64xf32, #tpu.memory_space<vmem>> -> memref<50x64xf32, #tpu.memory_space<vmem>>
      %dma_start3A_87 = arith.constant 0 : i32
      %dma_start3A_88 = tpu.memref_slice %arg6[%dma_start3A_83, %dma_start3A_87] : memref<16x50xi32, #tpu.memory_space<vmem>> -> memref<1x50xi32, #tpu.memory_space<vmem>>
      %dma_start3A_89 = tpu.memref_squeeze %dma_start3A_88 : memref<1x50xi32, #tpu.memory_space<vmem>> -> memref<50xi32, #tpu.memory_space<vmem>>
      %dma_start3A_90 = arith.constant 0 : i32
      %dma_start3A_91 = arith.constant 0 : i32
      %dma_start3A_92 = tpu.memref_slice %arg2[%dma_start3A_90, %dma_start3A_91] : memref<100000x64xf32, #tpu.memory_space<hbm>> -> memref<100000x64xf32, #tpu.memory_space<hbm>>
      tpu.enqueue_indirect_dma source(%dma_start3A_92 : memref<100000x64xf32, #tpu.memory_space<hbm>>) target(%dma_start3A_86 : memref<50x64xf32, #tpu.memory_space<vmem>>) offsets(%dma_start3A_89 : memref<50xi32, #tpu.memory_space<vmem>>) semaphore(%arg10 : memref<!tpu.dma_semaphore, #tpu.memory_space<semaphore_mem>>)
      %dma_start3A_93 = arith.constant 8 : i32
      %dma_start3A_94 = arith.constant 400 : i32
      %dma_start3A_95 = arith.constant 0 : i32
      %dma_start3A_96 = tpu.memref_slice %arg8[%dma_start3A_94, %dma_start3A_95] : memref<800x64xf32, #tpu.memory_space<vmem>> -> memref<50x64xf32, #tpu.memory_space<vmem>>
      %dma_start3A_97 = arith.constant 0 : i32
      %dma_start3A_98 = tpu.memref_slice %arg6[%dma_start3A_93, %dma_start3A_97] : memref<16x50xi32, #tpu.memory_space<vmem>> -> memref<1x50xi32, #tpu.memory_space<vmem>>
      %dma_start3A_99 = tpu.memref_squeeze %dma_start3A_98 : memref<1x50xi32, #tpu.memory_space<vmem>> -> memref<50xi32, #tpu.memory_space<vmem>>
      %dma_start3A_100 = arith.constant 0 : i32
      %dma_start3A_101 = arith.constant 0 : i32
      %dma_start3A_102 = tpu.memref_slice %arg2[%dma_start3A_100, %dma_start3A_101] : memref<100000x64xf32, #tpu.memory_space<hbm>> -> memref<100000x64xf32, #tpu.memory_space<hbm>>
      tpu.enqueue_indirect_dma source(%dma_start3A_102 : memref<100000x64xf32, #tpu.memory_space<hbm>>) target(%dma_start3A_96 : memref<50x64xf32, #tpu.memory_space<vmem>>) offsets(%dma_start3A_99 : memref<50xi32, #tpu.memory_space<vmem>>) semaphore(%arg10 : memref<!tpu.dma_semaphore, #tpu.memory_space<semaphore_mem>>)
      %dma_start3A_103 = arith.constant 9 : i32
      %dma_start3A_104 = arith.constant 450 : i32
      %dma_start3A_105 = arith.constant 0 : i32
      %dma_start3A_106 = tpu.memref_slice %arg8[%dma_start3A_104, %dma_start3A_105] : memref<800x64xf32, #tpu.memory_space<vmem>> -> memref<50x64xf32, #tpu.memory_space<vmem>>
      %dma_start3A_107 = arith.constant 0 : i32
      %dma_start3A_108 = tpu.memref_slice %arg6[%dma_start3A_103, %dma_start3A_107] : memref<16x50xi32, #tpu.memory_space<vmem>> -> memref<1x50xi32, #tpu.memory_space<vmem>>
      %dma_start3A_109 = tpu.memref_squeeze %dma_start3A_108 : memref<1x50xi32, #tpu.memory_space<vmem>> -> memref<50xi32, #tpu.memory_space<vmem>>
      %dma_start3A_110 = arith.constant 0 : i32
      %dma_start3A_111 = arith.constant 0 : i32
      %dma_start3A_112 = tpu.memref_slice %arg2[%dma_start3A_110, %dma_start3A_111] : memref<100000x64xf32, #tpu.memory_space<hbm>> -> memref<100000x64xf32, #tpu.memory_space<hbm>>
      tpu.enqueue_indirect_dma source(%dma_start3A_112 : memref<100000x64xf32, #tpu.memory_space<hbm>>) target(%dma_start3A_106 : memref<50x64xf32, #tpu.memory_space<vmem>>) offsets(%dma_start3A_109 : memref<50xi32, #tpu.memory_space<vmem>>) semaphore(%arg10 : memref<!tpu.dma_semaphore, #tpu.memory_space<semaphore_mem>>)
      %dma_start3A_113 = arith.constant 10 : i32
      %dma_start3A_114 = arith.constant 500 : i32
      %dma_start3A_115 = arith.constant 0 : i32
      %dma_start3A_116 = tpu.memref_slice %arg8[%dma_start3A_114, %dma_start3A_115] : memref<800x64xf32, #tpu.memory_space<vmem>> -> memref<50x64xf32, #tpu.memory_space<vmem>>
      %dma_start3A_117 = arith.constant 0 : i32
      %dma_start3A_118 = tpu.memref_slice %arg6[%dma_start3A_113, %dma_start3A_117] : memref<16x50xi32, #tpu.memory_space<vmem>> -> memref<1x50xi32, #tpu.memory_space<vmem>>
      %dma_start3A_119 = tpu.memref_squeeze %dma_start3A_118 : memref<1x50xi32, #tpu.memory_space<vmem>> -> memref<50xi32, #tpu.memory_space<vmem>>
      %dma_start3A_120 = arith.constant 0 : i32
      %dma_start3A_121 = arith.constant 0 : i32
      %dma_start3A_122 = tpu.memref_slice %arg2[%dma_start3A_120, %dma_start3A_121] : memref<100000x64xf32, #tpu.memory_space<hbm>> -> memref<100000x64xf32, #tpu.memory_space<hbm>>
      tpu.enqueue_indirect_dma source(%dma_start3A_122 : memref<100000x64xf32, #tpu.memory_space<hbm>>) target(%dma_start3A_116 : memref<50x64xf32, #tpu.memory_space<vmem>>) offsets(%dma_start3A_119 : memref<50xi32, #tpu.memory_space<vmem>>) semaphore(%arg10 : memref<!tpu.dma_semaphore, #tpu.memory_space<semaphore_mem>>)
      %dma_start3A_123 = arith.constant 11 : i32
      %dma_start3A_124 = arith.constant 550 : i32
      %dma_start3A_125 = arith.constant 0 : i32
      %dma_start3A_126 = tpu.memref_slice %arg8[%dma_start3A_124, %dma_start3A_125] : memref<800x64xf32, #tpu.memory_space<vmem>> -> memref<50x64xf32, #tpu.memory_space<vmem>>
      %dma_start3A_127 = arith.constant 0 : i32
      %dma_start3A_128 = tpu.memref_slice %arg6[%dma_start3A_123, %dma_start3A_127] : memref<16x50xi32, #tpu.memory_space<vmem>> -> memref<1x50xi32, #tpu.memory_space<vmem>>
      %dma_start3A_129 = tpu.memref_squeeze %dma_start3A_128 : memref<1x50xi32, #tpu.memory_space<vmem>> -> memref<50xi32, #tpu.memory_space<vmem>>
      %dma_start3A_130 = arith.constant 0 : i32
      %dma_start3A_131 = arith.constant 0 : i32
      %dma_start3A_132 = tpu.memref_slice %arg2[%dma_start3A_130, %dma_start3A_131] : memref<100000x64xf32, #tpu.memory_space<hbm>> -> memref<100000x64xf32, #tpu.memory_space<hbm>>
      tpu.enqueue_indirect_dma source(%dma_start3A_132 : memref<100000x64xf32, #tpu.memory_space<hbm>>) target(%dma_start3A_126 : memref<50x64xf32, #tpu.memory_space<vmem>>) offsets(%dma_start3A_129 : memref<50xi32, #tpu.memory_space<vmem>>) semaphore(%arg10 : memref<!tpu.dma_semaphore, #tpu.memory_space<semaphore_mem>>)
      %dma_start3A_133 = arith.constant 12 : i32
      %dma_start3A_134 = arith.constant 600 : i32
      %dma_start3A_135 = arith.constant 0 : i32
      %dma_start3A_136 = tpu.memref_slice %arg8[%dma_start3A_134, %dma_start3A_135] : memref<800x64xf32, #tpu.memory_space<vmem>> -> memref<50x64xf32, #tpu.memory_space<vmem>>
      %dma_start3A_137 = arith.constant 0 : i32
      %dma_start3A_138 = tpu.memref_slice %arg6[%dma_start3A_133, %dma_start3A_137] : memref<16x50xi32, #tpu.memory_space<vmem>> -> memref<1x50xi32, #tpu.memory_space<vmem>>
      %dma_start3A_139 = tpu.memref_squeeze %dma_start3A_138 : memref<1x50xi32, #tpu.memory_space<vmem>> -> memref<50xi32, #tpu.memory_space<vmem>>
      %dma_start3A_140 = arith.constant 0 : i32
      %dma_start3A_141 = arith.constant 0 : i32
      %dma_start3A_142 = tpu.memref_slice %arg2[%dma_start3A_140, %dma_start3A_141] : memref<100000x64xf32, #tpu.memory_space<hbm>> -> memref<100000x64xf32, #tpu.memory_space<hbm>>
      tpu.enqueue_indirect_dma source(%dma_start3A_142 : memref<100000x64xf32, #tpu.memory_space<hbm>>) target(%dma_start3A_136 : memref<50x64xf32, #tpu.memory_space<vmem>>) offsets(%dma_start3A_139 : memref<50xi32, #tpu.memory_space<vmem>>) semaphore(%arg10 : memref<!tpu.dma_semaphore, #tpu.memory_space<semaphore_mem>>)
      %dma_start3A_143 = arith.constant 13 : i32
      %dma_start3A_144 = arith.constant 650 : i32
      %dma_start3A_145 = arith.constant 0 : i32
      %dma_start3A_146 = tpu.memref_slice %arg8[%dma_start3A_144, %dma_start3A_145] : memref<800x64xf32, #tpu.memory_space<vmem>> -> memref<50x64xf32, #tpu.memory_space<vmem>>
      %dma_start3A_147 = arith.constant 0 : i32
      %dma_start3A_148 = tpu.memref_slice %arg6[%dma_start3A_143, %dma_start3A_147] : memref<16x50xi32, #tpu.memory_space<vmem>> -> memref<1x50xi32, #tpu.memory_space<vmem>>
      %dma_start3A_149 = tpu.memref_squeeze %dma_start3A_148 : memref<1x50xi32, #tpu.memory_space<vmem>> -> memref<50xi32, #tpu.memory_space<vmem>>
      %dma_start3A_150 = arith.constant 0 : i32
      %dma_start3A_151 = arith.constant 0 : i32
      %dma_start3A_152 = tpu.memref_slice %arg2[%dma_start3A_150, %dma_start3A_151] : memref<100000x64xf32, #tpu.memory_space<hbm>> -> memref<100000x64xf32, #tpu.memory_space<hbm>>
      tpu.enqueue_indirect_dma source(%dma_start3A_152 : memref<100000x64xf32, #tpu.memory_space<hbm>>) target(%dma_start3A_146 : memref<50x64xf32, #tpu.memory_space<vmem>>) offsets(%dma_start3A_149 : memref<50xi32, #tpu.memory_space<vmem>>) semaphore(%arg10 : memref<!tpu.dma_semaphore, #tpu.memory_space<semaphore_mem>>)
      %dma_start3A_153 = arith.constant 14 : i32
      %dma_start3A_154 = arith.constant 700 : i32
      %dma_start3A_155 = arith.constant 0 : i32
      %dma_start3A_156 = tpu.memref_slice %arg8[%dma_start3A_154, %dma_start3A_155] : memref<800x64xf32, #tpu.memory_space<vmem>> -> memref<50x64xf32, #tpu.memory_space<vmem>>
      %dma_start3A_157 = arith.constant 0 : i32
      %dma_start3A_158 = tpu.memref_slice %arg6[%dma_start3A_153, %dma_start3A_157] : memref<16x50xi32, #tpu.memory_space<vmem>> -> memref<1x50xi32, #tpu.memory_space<vmem>>
      %dma_start3A_159 = tpu.memref_squeeze %dma_start3A_158 : memref<1x50xi32, #tpu.memory_space<vmem>> -> memref<50xi32, #tpu.memory_space<vmem>>
      %dma_start3A_160 = arith.constant 0 : i32
      %dma_start3A_161 = arith.constant 0 : i32
      %dma_start3A_162 = tpu.memref_slice %arg2[%dma_start3A_160, %dma_start3A_161] : memref<100000x64xf32, #tpu.memory_space<hbm>> -> memref<100000x64xf32, #tpu.memory_space<hbm>>
      tpu.enqueue_indirect_dma source(%dma_start3A_162 : memref<100000x64xf32, #tpu.memory_space<hbm>>) target(%dma_start3A_156 : memref<50x64xf32, #tpu.memory_space<vmem>>) offsets(%dma_start3A_159 : memref<50xi32, #tpu.memory_space<vmem>>) semaphore(%arg10 : memref<!tpu.dma_semaphore, #tpu.memory_space<semaphore_mem>>)
      %dma_start3A_163 = arith.constant 15 : i32
      %dma_start3A_164 = arith.constant 750 : i32
      %dma_start3A_165 = arith.constant 0 : i32
      %dma_start3A_166 = tpu.memref_slice %arg8[%dma_start3A_164, %dma_start3A_165] : memref<800x64xf32, #tpu.memory_space<vmem>> -> memref<50x64xf32, #tpu.memory_space<vmem>>
      %dma_start3A_167 = arith.constant 0 : i32
      %dma_start3A_168 = tpu.memref_slice %arg6[%dma_start3A_163, %dma_start3A_167] : memref<16x50xi32, #tpu.memory_space<vmem>> -> memref<1x50xi32, #tpu.memory_space<vmem>>
      %dma_start3A_169 = tpu.memref_squeeze %dma_start3A_168 : memref<1x50xi32, #tpu.memory_space<vmem>> -> memref<50xi32, #tpu.memory_space<vmem>>
      %dma_start3A_170 = arith.constant 0 : i32
      %dma_start3A_171 = arith.constant 0 : i32
      %dma_start3A_172 = tpu.memref_slice %arg2[%dma_start3A_170, %dma_start3A_171] : memref<100000x64xf32, #tpu.memory_space<hbm>> -> memref<100000x64xf32, #tpu.memory_space<hbm>>
      tpu.enqueue_indirect_dma source(%dma_start3A_172 : memref<100000x64xf32, #tpu.memory_space<hbm>>) target(%dma_start3A_166 : memref<50x64xf32, #tpu.memory_space<vmem>>) offsets(%dma_start3A_169 : memref<50xi32, #tpu.memory_space<vmem>>) semaphore(%arg10 : memref<!tpu.dma_semaphore, #tpu.memory_space<semaphore_mem>>)
      %dma_wait3A = arith.constant 0 : i32
      %dma_wait3A_173 = arith.constant 0 : i32
      %dma_wait3A_174 = arith.constant 0 : i32
      %dma_wait3A_175 = tpu.memref_slice %arg8[%dma_wait3A_173, %dma_wait3A_174] : memref<800x64xf32, #tpu.memory_space<vmem>> -> memref<50x64xf32, #tpu.memory_space<vmem>>
      %dma_wait3A_176 = arith.constant 0 : i32
      %dma_wait3A_177 = tpu.memref_slice %arg6[%dma_wait3A, %dma_wait3A_176] : memref<16x50xi32, #tpu.memory_space<vmem>> -> memref<1x50xi32, #tpu.memory_space<vmem>>
      %dma_wait3A_178 = tpu.memref_squeeze %dma_wait3A_177 : memref<1x50xi32, #tpu.memory_space<vmem>> -> memref<50xi32, #tpu.memory_space<vmem>>
      %dma_wait3A_179 = arith.constant 0 : i32
      %dma_wait3A_180 = arith.constant 0 : i32
      %dma_wait3A_181 = tpu.memref_slice %arg2[%dma_wait3A_179, %dma_wait3A_180] : memref<100000x64xf32, #tpu.memory_space<hbm>> -> memref<100000x64xf32, #tpu.memory_space<hbm>>
      tpu.wait_indirect_dma semaphore(%arg10 : memref<!tpu.dma_semaphore, #tpu.memory_space<semaphore_mem>>) src(%dma_wait3A_181 : memref<100000x64xf32, #tpu.memory_space<hbm>>) dst(%dma_wait3A_175 : memref<50x64xf32, #tpu.memory_space<vmem>>)
      %dma_wait3A_182 = arith.constant 1 : i32
      %dma_wait3A_183 = arith.constant 50 : i32
      %dma_wait3A_184 = arith.constant 0 : i32
      %dma_wait3A_185 = tpu.memref_slice %arg8[%dma_wait3A_183, %dma_wait3A_184] : memref<800x64xf32, #tpu.memory_space<vmem>> -> memref<50x64xf32, #tpu.memory_space<vmem>>
      %dma_wait3A_186 = arith.constant 0 : i32
      %dma_wait3A_187 = tpu.memref_slice %arg6[%dma_wait3A_182, %dma_wait3A_186] : memref<16x50xi32, #tpu.memory_space<vmem>> -> memref<1x50xi32, #tpu.memory_space<vmem>>
      %dma_wait3A_188 = tpu.memref_squeeze %dma_wait3A_187 : memref<1x50xi32, #tpu.memory_space<vmem>> -> memref<50xi32, #tpu.memory_space<vmem>>
      %dma_wait3A_189 = arith.constant 0 : i32
      %dma_wait3A_190 = arith.constant 0 : i32
      %dma_wait3A_191 = tpu.memref_slice %arg2[%dma_wait3A_189, %dma_wait3A_190] : memref<100000x64xf32, #tpu.memory_space<hbm>> -> memref<100000x64xf32, #tpu.memory_space<hbm>>
      tpu.wait_indirect_dma semaphore(%arg10 : memref<!tpu.dma_semaphore, #tpu.memory_space<semaphore_mem>>) src(%dma_wait3A_191 : memref<100000x64xf32, #tpu.memory_space<hbm>>) dst(%dma_wait3A_185 : memref<50x64xf32, #tpu.memory_space<vmem>>)
      %dma_wait3A_192 = arith.constant 2 : i32
      %dma_wait3A_193 = arith.constant 100 : i32
      %dma_wait3A_194 = arith.constant 0 : i32
      %dma_wait3A_195 = tpu.memref_slice %arg8[%dma_wait3A_193, %dma_wait3A_194] : memref<800x64xf32, #tpu.memory_space<vmem>> -> memref<50x64xf32, #tpu.memory_space<vmem>>
      %dma_wait3A_196 = arith.constant 0 : i32
      %dma_wait3A_197 = tpu.memref_slice %arg6[%dma_wait3A_192, %dma_wait3A_196] : memref<16x50xi32, #tpu.memory_space<vmem>> -> memref<1x50xi32, #tpu.memory_space<vmem>>
      %dma_wait3A_198 = tpu.memref_squeeze %dma_wait3A_197 : memref<1x50xi32, #tpu.memory_space<vmem>> -> memref<50xi32, #tpu.memory_space<vmem>>
      %dma_wait3A_199 = arith.constant 0 : i32
      %dma_wait3A_200 = arith.constant 0 : i32
      %dma_wait3A_201 = tpu.memref_slice %arg2[%dma_wait3A_199, %dma_wait3A_200] : memref<100000x64xf32, #tpu.memory_space<hbm>> -> memref<100000x64xf32, #tpu.memory_space<hbm>>
      tpu.wait_indirect_dma semaphore(%arg10 : memref<!tpu.dma_semaphore, #tpu.memory_space<semaphore_mem>>) src(%dma_wait3A_201 : memref<100000x64xf32, #tpu.memory_space<hbm>>) dst(%dma_wait3A_195 : memref<50x64xf32, #tpu.memory_space<vmem>>)
      %dma_wait3A_202 = arith.constant 3 : i32
      %dma_wait3A_203 = arith.constant 150 : i32
      %dma_wait3A_204 = arith.constant 0 : i32
      %dma_wait3A_205 = tpu.memref_slice %arg8[%dma_wait3A_203, %dma_wait3A_204] : memref<800x64xf32, #tpu.memory_space<vmem>> -> memref<50x64xf32, #tpu.memory_space<vmem>>
      %dma_wait3A_206 = arith.constant 0 : i32
      %dma_wait3A_207 = tpu.memref_slice %arg6[%dma_wait3A_202, %dma_wait3A_206] : memref<16x50xi32, #tpu.memory_space<vmem>> -> memref<1x50xi32, #tpu.memory_space<vmem>>
      %dma_wait3A_208 = tpu.memref_squeeze %dma_wait3A_207 : memref<1x50xi32, #tpu.memory_space<vmem>> -> memref<50xi32, #tpu.memory_space<vmem>>
      %dma_wait3A_209 = arith.constant 0 : i32
      %dma_wait3A_210 = arith.constant 0 : i32
      %dma_wait3A_211 = tpu.memref_slice %arg2[%dma_wait3A_209, %dma_wait3A_210] : memref<100000x64xf32, #tpu.memory_space<hbm>> -> memref<100000x64xf32, #tpu.memory_space<hbm>>
      tpu.wait_indirect_dma semaphore(%arg10 : memref<!tpu.dma_semaphore, #tpu.memory_space<semaphore_mem>>) src(%dma_wait3A_211 : memref<100000x64xf32, #tpu.memory_space<hbm>>) dst(%dma_wait3A_205 : memref<50x64xf32, #tpu.memory_space<vmem>>)
      %dma_wait3A_212 = arith.constant 4 : i32
      %dma_wait3A_213 = arith.constant 200 : i32
      %dma_wait3A_214 = arith.constant 0 : i32
      %dma_wait3A_215 = tpu.memref_slice %arg8[%dma_wait3A_213, %dma_wait3A_214] : memref<800x64xf32, #tpu.memory_space<vmem>> -> memref<50x64xf32, #tpu.memory_space<vmem>>
      %dma_wait3A_216 = arith.constant 0 : i32
      %dma_wait3A_217 = tpu.memref_slice %arg6[%dma_wait3A_212, %dma_wait3A_216] : memref<16x50xi32, #tpu.memory_space<vmem>> -> memref<1x50xi32, #tpu.memory_space<vmem>>
      %dma_wait3A_218 = tpu.memref_squeeze %dma_wait3A_217 : memref<1x50xi32, #tpu.memory_space<vmem>> -> memref<50xi32, #tpu.memory_space<vmem>>
      %dma_wait3A_219 = arith.constant 0 : i32
      %dma_wait3A_220 = arith.constant 0 : i32
      %dma_wait3A_221 = tpu.memref_slice %arg2[%dma_wait3A_219, %dma_wait3A_220] : memref<100000x64xf32, #tpu.memory_space<hbm>> -> memref<100000x64xf32, #tpu.memory_space<hbm>>
      tpu.wait_indirect_dma semaphore(%arg10 : memref<!tpu.dma_semaphore, #tpu.memory_space<semaphore_mem>>) src(%dma_wait3A_221 : memref<100000x64xf32, #tpu.memory_space<hbm>>) dst(%dma_wait3A_215 : memref<50x64xf32, #tpu.memory_space<vmem>>)
      %dma_wait3A_222 = arith.constant 5 : i32
      %dma_wait3A_223 = arith.constant 250 : i32
      %dma_wait3A_224 = arith.constant 0 : i32
      %dma_wait3A_225 = tpu.memref_slice %arg8[%dma_wait3A_223, %dma_wait3A_224] : memref<800x64xf32, #tpu.memory_space<vmem>> -> memref<50x64xf32, #tpu.memory_space<vmem>>
      %dma_wait3A_226 = arith.constant 0 : i32
      %dma_wait3A_227 = tpu.memref_slice %arg6[%dma_wait3A_222, %dma_wait3A_226] : memref<16x50xi32, #tpu.memory_space<vmem>> -> memref<1x50xi32, #tpu.memory_space<vmem>>
      %dma_wait3A_228 = tpu.memref_squeeze %dma_wait3A_227 : memref<1x50xi32, #tpu.memory_space<vmem>> -> memref<50xi32, #tpu.memory_space<vmem>>
      %dma_wait3A_229 = arith.constant 0 : i32
      %dma_wait3A_230 = arith.constant 0 : i32
      %dma_wait3A_231 = tpu.memref_slice %arg2[%dma_wait3A_229, %dma_wait3A_230] : memref<100000x64xf32, #tpu.memory_space<hbm>> -> memref<100000x64xf32, #tpu.memory_space<hbm>>
      tpu.wait_indirect_dma semaphore(%arg10 : memref<!tpu.dma_semaphore, #tpu.memory_space<semaphore_mem>>) src(%dma_wait3A_231 : memref<100000x64xf32, #tpu.memory_space<hbm>>) dst(%dma_wait3A_225 : memref<50x64xf32, #tpu.memory_space<vmem>>)
      %dma_wait3A_232 = arith.constant 6 : i32
      %dma_wait3A_233 = arith.constant 300 : i32
      %dma_wait3A_234 = arith.constant 0 : i32
      %dma_wait3A_235 = tpu.memref_slice %arg8[%dma_wait3A_233, %dma_wait3A_234] : memref<800x64xf32, #tpu.memory_space<vmem>> -> memref<50x64xf32, #tpu.memory_space<vmem>>
      %dma_wait3A_236 = arith.constant 0 : i32
      %dma_wait3A_237 = tpu.memref_slice %arg6[%dma_wait3A_232, %dma_wait3A_236] : memref<16x50xi32, #tpu.memory_space<vmem>> -> memref<1x50xi32, #tpu.memory_space<vmem>>
      %dma_wait3A_238 = tpu.memref_squeeze %dma_wait3A_237 : memref<1x50xi32, #tpu.memory_space<vmem>> -> memref<50xi32, #tpu.memory_space<vmem>>
      %dma_wait3A_239 = arith.constant 0 : i32
      %dma_wait3A_240 = arith.constant 0 : i32
      %dma_wait3A_241 = tpu.memref_slice %arg2[%dma_wait3A_239, %dma_wait3A_240] : memref<100000x64xf32, #tpu.memory_space<hbm>> -> memref<100000x64xf32, #tpu.memory_space<hbm>>
      tpu.wait_indirect_dma semaphore(%arg10 : memref<!tpu.dma_semaphore, #tpu.memory_space<semaphore_mem>>) src(%dma_wait3A_241 : memref<100000x64xf32, #tpu.memory_space<hbm>>) dst(%dma_wait3A_235 : memref<50x64xf32, #tpu.memory_space<vmem>>)
      %dma_wait3A_242 = arith.constant 7 : i32
      %dma_wait3A_243 = arith.constant 350 : i32
      %dma_wait3A_244 = arith.constant 0 : i32
      %dma_wait3A_245 = tpu.memref_slice %arg8[%dma_wait3A_243, %dma_wait3A_244] : memref<800x64xf32, #tpu.memory_space<vmem>> -> memref<50x64xf32, #tpu.memory_space<vmem>>
      %dma_wait3A_246 = arith.constant 0 : i32
      %dma_wait3A_247 = tpu.memref_slice %arg6[%dma_wait3A_242, %dma_wait3A_246] : memref<16x50xi32, #tpu.memory_space<vmem>> -> memref<1x50xi32, #tpu.memory_space<vmem>>
      %dma_wait3A_248 = tpu.memref_squeeze %dma_wait3A_247 : memref<1x50xi32, #tpu.memory_space<vmem>> -> memref<50xi32, #tpu.memory_space<vmem>>
      %dma_wait3A_249 = arith.constant 0 : i32
      %dma_wait3A_250 = arith.constant 0 : i32
      %dma_wait3A_251 = tpu.memref_slice %arg2[%dma_wait3A_249, %dma_wait3A_250] : memref<100000x64xf32, #tpu.memory_space<hbm>> -> memref<100000x64xf32, #tpu.memory_space<hbm>>
      tpu.wait_indirect_dma semaphore(%arg10 : memref<!tpu.dma_semaphore, #tpu.memory_space<semaphore_mem>>) src(%dma_wait3A_251 : memref<100000x64xf32, #tpu.memory_space<hbm>>) dst(%dma_wait3A_245 : memref<50x64xf32, #tpu.memory_space<vmem>>)
      %dma_wait3A_252 = arith.constant 8 : i32
      %dma_wait3A_253 = arith.constant 400 : i32
      %dma_wait3A_254 = arith.constant 0 : i32
      %dma_wait3A_255 = tpu.memref_slice %arg8[%dma_wait3A_253, %dma_wait3A_254] : memref<800x64xf32, #tpu.memory_space<vmem>> -> memref<50x64xf32, #tpu.memory_space<vmem>>
      %dma_wait3A_256 = arith.constant 0 : i32
      %dma_wait3A_257 = tpu.memref_slice %arg6[%dma_wait3A_252, %dma_wait3A_256] : memref<16x50xi32, #tpu.memory_space<vmem>> -> memref<1x50xi32, #tpu.memory_space<vmem>>
      %dma_wait3A_258 = tpu.memref_squeeze %dma_wait3A_257 : memref<1x50xi32, #tpu.memory_space<vmem>> -> memref<50xi32, #tpu.memory_space<vmem>>
      %dma_wait3A_259 = arith.constant 0 : i32
      %dma_wait3A_260 = arith.constant 0 : i32
      %dma_wait3A_261 = tpu.memref_slice %arg2[%dma_wait3A_259, %dma_wait3A_260] : memref<100000x64xf32, #tpu.memory_space<hbm>> -> memref<100000x64xf32, #tpu.memory_space<hbm>>
      tpu.wait_indirect_dma semaphore(%arg10 : memref<!tpu.dma_semaphore, #tpu.memory_space<semaphore_mem>>) src(%dma_wait3A_261 : memref<100000x64xf32, #tpu.memory_space<hbm>>) dst(%dma_wait3A_255 : memref<50x64xf32, #tpu.memory_space<vmem>>)
      %dma_wait3A_262 = arith.constant 9 : i32
      %dma_wait3A_263 = arith.constant 450 : i32
      %dma_wait3A_264 = arith.constant 0 : i32
      %dma_wait3A_265 = tpu.memref_slice %arg8[%dma_wait3A_263, %dma_wait3A_264] : memref<800x64xf32, #tpu.memory_space<vmem>> -> memref<50x64xf32, #tpu.memory_space<vmem>>
      %dma_wait3A_266 = arith.constant 0 : i32
      %dma_wait3A_267 = tpu.memref_slice %arg6[%dma_wait3A_262, %dma_wait3A_266] : memref<16x50xi32, #tpu.memory_space<vmem>> -> memref<1x50xi32, #tpu.memory_space<vmem>>
      %dma_wait3A_268 = tpu.memref_squeeze %dma_wait3A_267 : memref<1x50xi32, #tpu.memory_space<vmem>> -> memref<50xi32, #tpu.memory_space<vmem>>
      %dma_wait3A_269 = arith.constant 0 : i32
      %dma_wait3A_270 = arith.constant 0 : i32
      %dma_wait3A_271 = tpu.memref_slice %arg2[%dma_wait3A_269, %dma_wait3A_270] : memref<100000x64xf32, #tpu.memory_space<hbm>> -> memref<100000x64xf32, #tpu.memory_space<hbm>>
      tpu.wait_indirect_dma semaphore(%arg10 : memref<!tpu.dma_semaphore, #tpu.memory_space<semaphore_mem>>) src(%dma_wait3A_271 : memref<100000x64xf32, #tpu.memory_space<hbm>>) dst(%dma_wait3A_265 : memref<50x64xf32, #tpu.memory_space<vmem>>)
      %dma_wait3A_272 = arith.constant 10 : i32
      %dma_wait3A_273 = arith.constant 500 : i32
      %dma_wait3A_274 = arith.constant 0 : i32
      %dma_wait3A_275 = tpu.memref_slice %arg8[%dma_wait3A_273, %dma_wait3A_274] : memref<800x64xf32, #tpu.memory_space<vmem>> -> memref<50x64xf32, #tpu.memory_space<vmem>>
      %dma_wait3A_276 = arith.constant 0 : i32
      %dma_wait3A_277 = tpu.memref_slice %arg6[%dma_wait3A_272, %dma_wait3A_276] : memref<16x50xi32, #tpu.memory_space<vmem>> -> memref<1x50xi32, #tpu.memory_space<vmem>>
      %dma_wait3A_278 = tpu.memref_squeeze %dma_wait3A_277 : memref<1x50xi32, #tpu.memory_space<vmem>> -> memref<50xi32, #tpu.memory_space<vmem>>
      %dma_wait3A_279 = arith.constant 0 : i32
      %dma_wait3A_280 = arith.constant 0 : i32
      %dma_wait3A_281 = tpu.memref_slice %arg2[%dma_wait3A_279, %dma_wait3A_280] : memref<100000x64xf32, #tpu.memory_space<hbm>> -> memref<100000x64xf32, #tpu.memory_space<hbm>>
      tpu.wait_indirect_dma semaphore(%arg10 : memref<!tpu.dma_semaphore, #tpu.memory_space<semaphore_mem>>) src(%dma_wait3A_281 : memref<100000x64xf32, #tpu.memory_space<hbm>>) dst(%dma_wait3A_275 : memref<50x64xf32, #tpu.memory_space<vmem>>)
      %dma_wait3A_282 = arith.constant 11 : i32
      %dma_wait3A_283 = arith.constant 550 : i32
      %dma_wait3A_284 = arith.constant 0 : i32
      %dma_wait3A_285 = tpu.memref_slice %arg8[%dma_wait3A_283, %dma_wait3A_284] : memref<800x64xf32, #tpu.memory_space<vmem>> -> memref<50x64xf32, #tpu.memory_space<vmem>>
      %dma_wait3A_286 = arith.constant 0 : i32
      %dma_wait3A_287 = tpu.memref_slice %arg6[%dma_wait3A_282, %dma_wait3A_286] : memref<16x50xi32, #tpu.memory_space<vmem>> -> memref<1x50xi32, #tpu.memory_space<vmem>>
      %dma_wait3A_288 = tpu.memref_squeeze %dma_wait3A_287 : memref<1x50xi32, #tpu.memory_space<vmem>> -> memref<50xi32, #tpu.memory_space<vmem>>
      %dma_wait3A_289 = arith.constant 0 : i32
      %dma_wait3A_290 = arith.constant 0 : i32
      %dma_wait3A_291 = tpu.memref_slice %arg2[%dma_wait3A_289, %dma_wait3A_290] : memref<100000x64xf32, #tpu.memory_space<hbm>> -> memref<100000x64xf32, #tpu.memory_space<hbm>>
      tpu.wait_indirect_dma semaphore(%arg10 : memref<!tpu.dma_semaphore, #tpu.memory_space<semaphore_mem>>) src(%dma_wait3A_291 : memref<100000x64xf32, #tpu.memory_space<hbm>>) dst(%dma_wait3A_285 : memref<50x64xf32, #tpu.memory_space<vmem>>)
      %dma_wait3A_292 = arith.constant 12 : i32
      %dma_wait3A_293 = arith.constant 600 : i32
      %dma_wait3A_294 = arith.constant 0 : i32
      %dma_wait3A_295 = tpu.memref_slice %arg8[%dma_wait3A_293, %dma_wait3A_294] : memref<800x64xf32, #tpu.memory_space<vmem>> -> memref<50x64xf32, #tpu.memory_space<vmem>>
      %dma_wait3A_296 = arith.constant 0 : i32
      %dma_wait3A_297 = tpu.memref_slice %arg6[%dma_wait3A_292, %dma_wait3A_296] : memref<16x50xi32, #tpu.memory_space<vmem>> -> memref<1x50xi32, #tpu.memory_space<vmem>>
      %dma_wait3A_298 = tpu.memref_squeeze %dma_wait3A_297 : memref<1x50xi32, #tpu.memory_space<vmem>> -> memref<50xi32, #tpu.memory_space<vmem>>
      %dma_wait3A_299 = arith.constant 0 : i32
      %dma_wait3A_300 = arith.constant 0 : i32
      %dma_wait3A_301 = tpu.memref_slice %arg2[%dma_wait3A_299, %dma_wait3A_300] : memref<100000x64xf32, #tpu.memory_space<hbm>> -> memref<100000x64xf32, #tpu.memory_space<hbm>>
      tpu.wait_indirect_dma semaphore(%arg10 : memref<!tpu.dma_semaphore, #tpu.memory_space<semaphore_mem>>) src(%dma_wait3A_301 : memref<100000x64xf32, #tpu.memory_space<hbm>>) dst(%dma_wait3A_295 : memref<50x64xf32, #tpu.memory_space<vmem>>)
      %dma_wait3A_302 = arith.constant 13 : i32
      %dma_wait3A_303 = arith.constant 650 : i32
      %dma_wait3A_304 = arith.constant 0 : i32
      %dma_wait3A_305 = tpu.memref_slice %arg8[%dma_wait3A_303, %dma_wait3A_304] : memref<800x64xf32, #tpu.memory_space<vmem>> -> memref<50x64xf32, #tpu.memory_space<vmem>>
      %dma_wait3A_306 = arith.constant 0 : i32
      %dma_wait3A_307 = tpu.memref_slice %arg6[%dma_wait3A_302, %dma_wait3A_306] : memref<16x50xi32, #tpu.memory_space<vmem>> -> memref<1x50xi32, #tpu.memory_space<vmem>>
      %dma_wait3A_308 = tpu.memref_squeeze %dma_wait3A_307 : memref<1x50xi32, #tpu.memory_space<vmem>> -> memref<50xi32, #tpu.memory_space<vmem>>
      %dma_wait3A_309 = arith.constant 0 : i32
      %dma_wait3A_310 = arith.constant 0 : i32
      %dma_wait3A_311 = tpu.memref_slice %arg2[%dma_wait3A_309, %dma_wait3A_310] : memref<100000x64xf32, #tpu.memory_space<hbm>> -> memref<100000x64xf32, #tpu.memory_space<hbm>>
      tpu.wait_indirect_dma semaphore(%arg10 : memref<!tpu.dma_semaphore, #tpu.memory_space<semaphore_mem>>) src(%dma_wait3A_311 : memref<100000x64xf32, #tpu.memory_space<hbm>>) dst(%dma_wait3A_305 : memref<50x64xf32, #tpu.memory_space<vmem>>)
      %dma_wait3A_312 = arith.constant 14 : i32
      %dma_wait3A_313 = arith.constant 700 : i32
      %dma_wait3A_314 = arith.constant 0 : i32
      %dma_wait3A_315 = tpu.memref_slice %arg8[%dma_wait3A_313, %dma_wait3A_314] : memref<800x64xf32, #tpu.memory_space<vmem>> -> memref<50x64xf32, #tpu.memory_space<vmem>>
      %dma_wait3A_316 = arith.constant 0 : i32
      %dma_wait3A_317 = tpu.memref_slice %arg6[%dma_wait3A_312, %dma_wait3A_316] : memref<16x50xi32, #tpu.memory_space<vmem>> -> memref<1x50xi32, #tpu.memory_space<vmem>>
      %dma_wait3A_318 = tpu.memref_squeeze %dma_wait3A_317 : memref<1x50xi32, #tpu.memory_space<vmem>> -> memref<50xi32, #tpu.memory_space<vmem>>
      %dma_wait3A_319 = arith.constant 0 : i32
      %dma_wait3A_320 = arith.constant 0 : i32
      %dma_wait3A_321 = tpu.memref_slice %arg2[%dma_wait3A_319, %dma_wait3A_320] : memref<100000x64xf32, #tpu.memory_space<hbm>> -> memref<100000x64xf32, #tpu.memory_space<hbm>>
      tpu.wait_indirect_dma semaphore(%arg10 : memref<!tpu.dma_semaphore, #tpu.memory_space<semaphore_mem>>) src(%dma_wait3A_321 : memref<100000x64xf32, #tpu.memory_space<hbm>>) dst(%dma_wait3A_315 : memref<50x64xf32, #tpu.memory_space<vmem>>)
      %dma_wait3A_322 = arith.constant 15 : i32
      %dma_wait3A_323 = arith.constant 750 : i32
      %dma_wait3A_324 = arith.constant 0 : i32
      %dma_wait3A_325 = tpu.memref_slice %arg8[%dma_wait3A_323, %dma_wait3A_324] : memref<800x64xf32, #tpu.memory_space<vmem>> -> memref<50x64xf32, #tpu.memory_space<vmem>>
      %dma_wait3A_326 = arith.constant 0 : i32
      %dma_wait3A_327 = tpu.memref_slice %arg6[%dma_wait3A_322, %dma_wait3A_326] : memref<16x50xi32, #tpu.memory_space<vmem>> -> memref<1x50xi32, #tpu.memory_space<vmem>>
      %dma_wait3A_328 = tpu.memref_squeeze %dma_wait3A_327 : memref<1x50xi32, #tpu.memory_space<vmem>> -> memref<50xi32, #tpu.memory_space<vmem>>
      %dma_wait3A_329 = arith.constant 0 : i32
      %dma_wait3A_330 = arith.constant 0 : i32
      %dma_wait3A_331 = tpu.memref_slice %arg2[%dma_wait3A_329, %dma_wait3A_330] : memref<100000x64xf32, #tpu.memory_space<hbm>> -> memref<100000x64xf32, #tpu.memory_space<hbm>>
      tpu.wait_indirect_dma semaphore(%arg10 : memref<!tpu.dma_semaphore, #tpu.memory_space<semaphore_mem>>) src(%dma_wait3A_331 : memref<100000x64xf32, #tpu.memory_space<hbm>>) dst(%dma_wait3A_325 : memref<50x64xf32, #tpu.memory_space<vmem>>)
      %scan3A_332 = arith.constant 0 : i32
      %scan3A_333 = arith.constant 0 : i32
      %scan3A_334 = arith.constant 16 : i32
      %scan3A_335 = arith.addi %scan3A_333, %scan3A_334 : i32
      %scan3A_336 = arith.constant 1 : i32
      %scan3A_337 = scf.for %scan3A_340 = %scan3A_333 to %scan3A_335 step %scan3A_336 iter_args(%scan3A_341 = %scan3A_332) -> (i32)  : i32 {
        %mul3A_342 = arith.constant 50 : i32
        %mul3A_343 = arith.muli %scan3A_340, %mul3A_342 : i32
        %broadcast_in_dim3A = arith.constant 0.000000e+00 : f32
        %broadcast_in_dim3A_344 = vector.broadcast %broadcast_in_dim3A : f32 to vector<16xf32>
        %broadcast_in_dim3A_345 = arith.constant 0.000000e+00 : f32
        %broadcast_in_dim3A_346 = vector.broadcast %broadcast_in_dim3A_345 : f32 to vector<16xf32>
        %broadcast_in_dim3A_347 = arith.constant 0.000000e+00 : f32
        %broadcast_in_dim3A_348 = vector.broadcast %broadcast_in_dim3A_347 : f32 to vector<16xf32>
        %broadcast_in_dim3A_349 = arith.constant 0.000000e+00 : f32
        %broadcast_in_dim3A_350 = vector.broadcast %broadcast_in_dim3A_349 : f32 to vector<16xf32>
        %get3A = arith.index_cast %scan3A_340 : i32 to index
        %get3A_351 = arith.constant 0 : index
        %get3A_352 = tpu.vector_load %arg7[%get3A, %get3A_351] {strides = array<i32>} : memref<16x64xf32, #tpu.memory_space<vmem>>, vector<16xf32>,
        %get3A_353 = arith.index_cast %scan3A_340 : i32 to index
        %get3A_354 = arith.constant 16 : index
        %get3A_355 = tpu.vector_load %arg7[%get3A_353, %get3A_354] {strides = array<i32>} : memref<16x64xf32, #tpu.memory_space<vmem>>, vector<16xf32>,
        %get3A_356 = arith.index_cast %scan3A_340 : i32 to index
        %get3A_357 = arith.constant 32 : index
        %get3A_358 = tpu.vector_load %arg7[%get3A_356, %get3A_357] {strides = array<i32>} : memref<16x64xf32, #tpu.memory_space<vmem>>, vector<16xf32>,
        %get3A_359 = arith.index_cast %scan3A_340 : i32 to index
        %get3A_360 = arith.constant 48 : index
        %get3A_361 = tpu.vector_load %arg7[%get3A_359, %get3A_360] {strides = array<i32>} : memref<16x64xf32, #tpu.memory_space<vmem>>, vector<16xf32>,
        %slice3A = vector.extract_strided_slice %get3A_352 {offsets = [0], sizes = [1], strides = [1]} : vector<16xf32> to vector<1xf32>
        %squeeze3A = vector.extract %slice3A[0] : f32 from vector<1xf32>
        %broadcast_in_dim3A_362 = vector.broadcast %squeeze3A : f32 to vector<16xf32>
        %add3A_363 = arith.constant 0 : i32
        %add3A_364 = arith.addi %mul3A_343, %add3A_363 : i32
        %get3A_365 = arith.index_cast %add3A_364 : i32 to index
        %get3A_366 = arith.constant 0 : index
        %get3A_367 = tpu.vector_load %arg8[%get3A_365, %get3A_366] {strides = array<i32>} : memref<800x64xf32, #tpu.memory_space<vmem>>, vector<16xf32>,
        %mul3A_368 = arith.mulf %get3A_367, %broadcast_in_dim3A_362 : vector<16xf32>
        %add3A_369 = arith.addf %broadcast_in_dim3A_344, %mul3A_368 : vector<16xf32>
        %add3A_370 = arith.constant 0 : i32
        %add3A_371 = arith.addi %mul3A_343, %add3A_370 : i32
        %get3A_372 = arith.index_cast %add3A_371 : i32 to index
        %get3A_373 = arith.constant 16 : index
        %get3A_374 = tpu.vector_load %arg8[%get3A_372, %get3A_373] {strides = array<i32>} : memref<800x64xf32, #tpu.memory_space<vmem>>, vector<16xf32>,
        %mul3A_375 = arith.mulf %get3A_374, %broadcast_in_dim3A_362 : vector<16xf32>
        %add3A_376 = arith.addf %broadcast_in_dim3A_346, %mul3A_375 : vector<16xf32>
        %add3A_377 = arith.constant 0 : i32
        %add3A_378 = arith.addi %mul3A_343, %add3A_377 : i32
        %get3A_379 = arith.index_cast %add3A_378 : i32 to index
        %get3A_380 = arith.constant 32 : index
        %get3A_381 = tpu.vector_load %arg8[%get3A_379, %get3A_380] {strides = array<i32>} : memref<800x64xf32, #tpu.memory_space<vmem>>, vector<16xf32>,
        %mul3A_382 = arith.mulf %get3A_381, %broadcast_in_dim3A_362 : vector<16xf32>
        %add3A_383 = arith.addf %broadcast_in_dim3A_348, %mul3A_382 : vector<16xf32>
        %add3A_384 = arith.constant 0 : i32
        %add3A_385 = arith.addi %mul3A_343, %add3A_384 : i32
        %get3A_386 = arith.index_cast %add3A_385 : i32 to index
        %get3A_387 = arith.constant 48 : index
        %get3A_388 = tpu.vector_load %arg8[%get3A_386, %get3A_387] {strides = array<i32>} : memref<800x64xf32, #tpu.memory_space<vmem>>, vector<16xf32>,
        %mul3A_389 = arith.mulf %get3A_388, %broadcast_in_dim3A_362 : vector<16xf32>
        %add3A_390 = arith.addf %broadcast_in_dim3A_350, %mul3A_389 : vector<16xf32>
        %slice3A_391 = vector.extract_strided_slice %get3A_352 {offsets = [1], sizes = [1], strides = [1]} : vector<16xf32> to vector<1xf32>
        %squeeze3A_392 = vector.extract %slice3A_391[0] : f32 from vector<1xf32>
        %broadcast_in_dim3A_393 = vector.broadcast %squeeze3A_392 : f32 to vector<16xf32>
        %add3A_394 = arith.constant 1 : i32
        %add3A_395 = arith.addi %mul3A_343, %add3A_394 : i32
        %get3A_396 = arith.index_cast %add3A_395 : i32 to index
        %get3A_397 = arith.constant 0 : index
        %get3A_398 = tpu.vector_load %arg8[%get3A_396, %get3A_397] {strides = array<i32>} : memref<800x64xf32, #tpu.memory_space<vmem>>, vector<16xf32>,
        %mul3A_399 = arith.mulf %get3A_398, %broadcast_in_dim3A_393 : vector<16xf32>
        %add3A_400 = arith.addf %add3A_369, %mul3A_399 : vector<16xf32>
        %add3A_401 = arith.constant 1 : i32
        %add3A_402 = arith.addi %mul3A_343, %add3A_401 : i32
        %get3A_403 = arith.index_cast %add3A_402 : i32 to index
        %get3A_404 = arith.constant 16 : index
        %get3A_405 = tpu.vector_load %arg8[%get3A_403, %get3A_404] {strides = array<i32>} : memref<800x64xf32, #tpu.memory_space<vmem>>, vector<16xf32>,
        %mul3A_406 = arith.mulf %get3A_405, %broadcast_in_dim3A_393 : vector<16xf32>
        %add3A_407 = arith.addf %add3A_376, %mul3A_406 : vector<16xf32>
        %add3A_408 = arith.constant 1 : i32
        %add3A_409 = arith.addi %mul3A_343, %add3A_408 : i32
        %get3A_410 = arith.index_cast %add3A_409 : i32 to index
        %get3A_411 = arith.constant 32 : index
        %get3A_412 = tpu.vector_load %arg8[%get3A_410, %get3A_411] {strides = array<i32>} : memref<800x64xf32, #tpu.memory_space<vmem>>, vector<16xf32>,
        %mul3A_413 = arith.mulf %get3A_412, %broadcast_in_dim3A_393 : vector<16xf32>
        %add3A_414 = arith.addf %add3A_383, %mul3A_413 : vector<16xf32>
        %add3A_415 = arith.constant 1 : i32
        %add3A_416 = arith.addi %mul3A_343, %add3A_415 : i32
        %get3A_417 = arith.index_cast %add3A_416 : i32 to index
        %get3A_418 = arith.constant 48 : index
        %get3A_419 = tpu.vector_load %arg8[%get3A_417, %get3A_418] {strides = array<i32>} : memref<800x64xf32, #tpu.memory_space<vmem>>, vector<16xf32>,
        %mul3A_420 = arith.mulf %get3A_419, %broadcast_in_dim3A_393 : vector<16xf32>
        %add3A_421 = arith.addf %add3A_390, %mul3A_420 : vector<16xf32>
        %slice3A_422 = vector.extract_strided_slice %get3A_352 {offsets = [2], sizes = [1], strides = [1]} : vector<16xf32> to vector<1xf32>
        %squeeze3A_423 = vector.extract %slice3A_422[0] : f32 from vector<1xf32>
        %broadcast_in_dim3A_424 = vector.broadcast %squeeze3A_423 : f32 to vector<16xf32>
        %add3A_425 = arith.constant 2 : i32
        %add3A_426 = arith.addi %mul3A_343, %add3A_425 : i32
        %get3A_427 = arith.index_cast %add3A_426 : i32 to index
        %get3A_428 = arith.constant 0 : index
        %get3A_429 = tpu.vector_load %arg8[%get3A_427, %get3A_428] {strides = array<i32>} : memref<800x64xf32, #tpu.memory_space<vmem>>, vector<16xf32>,
        %mul3A_430 = arith.mulf %get3A_429, %broadcast_in_dim3A_424 : vector<16xf32>
        %add3A_431 = arith.addf %add3A_400, %mul3A_430 : vector<16xf32>
        %add3A_432 = arith.constant 2 : i32
        %add3A_433 = arith.addi %mul3A_343, %add3A_432 : i32
        %get3A_434 = arith.index_cast %add3A_433 : i32 to index
        %get3A_435 = arith.constant 16 : index
        %get3A_436 = tpu.vector_load %arg8[%get3A_434, %get3A_435] {strides = array<i32>} : memref<800x64xf32, #tpu.memory_space<vmem>>, vector<16xf32>,
        %mul3A_437 = arith.mulf %get3A_436, %broadcast_in_dim3A_424 : vector<16xf32>
        %add3A_438 = arith.addf %add3A_407, %mul3A_437 : vector<16xf32>
        %add3A_439 = arith.constant 2 : i32
        %add3A_440 = arith.addi %mul3A_343, %add3A_439 : i32
        %get3A_441 = arith.index_cast %add3A_440 : i32 to index
        %get3A_442 = arith.constant 32 : index
        %get3A_443 = tpu.vector_load %arg8[%get3A_441, %get3A_442] {strides = array<i32>} : memref<800x64xf32, #tpu.memory_space<vmem>>, vector<16xf32>,
        %mul3A_444 = arith.mulf %get3A_443, %broadcast_in_dim3A_424 : vector<16xf32>
        %add3A_445 = arith.addf %add3A_414, %mul3A_444 : vector<16xf32>
        %add3A_446 = arith.constant 2 : i32
        %add3A_447 = arith.addi %mul3A_343, %add3A_446 : i32
        %get3A_448 = arith.index_cast %add3A_447 : i32 to index
        %get3A_449 = arith.constant 48 : index
        %get3A_450 = tpu.vector_load %arg8[%get3A_448, %get3A_449] {strides = array<i32>} : memref<800x64xf32, #tpu.memory_space<vmem>>, vector<16xf32>,
        %mul3A_451 = arith.mulf %get3A_450, %broadcast_in_dim3A_424 : vector<16xf32>
        %add3A_452 = arith.addf %add3A_421, %mul3A_451 : vector<16xf32>
        %slice3A_453 = vector.extract_strided_slice %get3A_352 {offsets = [3], sizes = [1], strides = [1]} : vector<16xf32> to vector<1xf32>
        %squeeze3A_454 = vector.extract %slice3A_453[0] : f32 from vector<1xf32>
        %broadcast_in_dim3A_455 = vector.broadcast %squeeze3A_454 : f32 to vector<16xf32>
        %add3A_456 = arith.constant 3 : i32
        %add3A_457 = arith.addi %mul3A_343, %add3A_456 : i32
        %get3A_458 = arith.index_cast %add3A_457 : i32 to index
        %get3A_459 = arith.constant 0 : index
        %get3A_460 = tpu.vector_load %arg8[%get3A_458, %get3A_459] {strides = array<i32>} : memref<800x64xf32, #tpu.memory_space<vmem>>, vector<16xf32>,
        %mul3A_461 = arith.mulf %get3A_460, %broadcast_in_dim3A_455 : vector<16xf32>
        %add3A_462 = arith.addf %add3A_431, %mul3A_461 : vector<16xf32>
        %add3A_463 = arith.constant 3 : i32
        %add3A_464 = arith.addi %mul3A_343, %add3A_463 : i32
        %get3A_465 = arith.index_cast %add3A_464 : i32 to index
        %get3A_466 = arith.constant 16 : index
        %get3A_467 = tpu.vector_load %arg8[%get3A_465, %get3A_466] {strides = array<i32>} : memref<800x64xf32, #tpu.memory_space<vmem>>, vector<16xf32>,
        %mul3A_468 = arith.mulf %get3A_467, %broadcast_in_dim3A_455 : vector<16xf32>
        %add3A_469 = arith.addf %add3A_438, %mul3A_468 : vector<16xf32>
        %add3A_470 = arith.constant 3 : i32
        %add3A_471 = arith.addi %mul3A_343, %add3A_470 : i32
        %get3A_472 = arith.index_cast %add3A_471 : i32 to index
        %get3A_473 = arith.constant 32 : index
        %get3A_474 = tpu.vector_load %arg8[%get3A_472, %get3A_473] {strides = array<i32>} : memref<800x64xf32, #tpu.memory_space<vmem>>, vector<16xf32>,
        %mul3A_475 = arith.mulf %get3A_474, %broadcast_in_dim3A_455 : vector<16xf32>
        %add3A_476 = arith.addf %add3A_445, %mul3A_475 : vector<16xf32>
        %add3A_477 = arith.constant 3 : i32
        %add3A_478 = arith.addi %mul3A_343, %add3A_477 : i32
        %get3A_479 = arith.index_cast %add3A_478 : i32 to index
        %get3A_480 = arith.constant 48 : index
        %get3A_481 = tpu.vector_load %arg8[%get3A_479, %get3A_480] {strides = array<i32>} : memref<800x64xf32, #tpu.memory_space<vmem>>, vector<16xf32>,
        %mul3A_482 = arith.mulf %get3A_481, %broadcast_in_dim3A_455 : vector<16xf32>
        %add3A_483 = arith.addf %add3A_452, %mul3A_482 : vector<16xf32>
        %slice3A_484 = vector.extract_strided_slice %get3A_352 {offsets = [4], sizes = [1], strides = [1]} : vector<16xf32> to vector<1xf32>
        %squeeze3A_485 = vector.extract %slice3A_484[0] : f32 from vector<1xf32>
        %broadcast_in_dim3A_486 = vector.broadcast %squeeze3A_485 : f32 to vector<16xf32>
        %add3A_487 = arith.constant 4 : i32
        %add3A_488 = arith.addi %mul3A_343, %add3A_487 : i32
        %get3A_489 = arith.index_cast %add3A_488 : i32 to index
        %get3A_490 = arith.constant 0 : index
        %get3A_491 = tpu.vector_load %arg8[%get3A_489, %get3A_490] {strides = array<i32>} : memref<800x64xf32, #tpu.memory_space<vmem>>, vector<16xf32>,
        %mul3A_492 = arith.mulf %get3A_491, %broadcast_in_dim3A_486 : vector<16xf32>
        %add3A_493 = arith.addf %add3A_462, %mul3A_492 : vector<16xf32>
        %add3A_494 = arith.constant 4 : i32
        %add3A_495 = arith.addi %mul3A_343, %add3A_494 : i32
        %get3A_496 = arith.index_cast %add3A_495 : i32 to index
        %get3A_497 = arith.constant 16 : index
        %get3A_498 = tpu.vector_load %arg8[%get3A_496, %get3A_497] {strides = array<i32>} : memref<800x64xf32, #tpu.memory_space<vmem>>, vector<16xf32>,
        %mul3A_499 = arith.mulf %get3A_498, %broadcast_in_dim3A_486 : vector<16xf32>
        %add3A_500 = arith.addf %add3A_469, %mul3A_499 : vector<16xf32>
        %add3A_501 = arith.constant 4 : i32
        %add3A_502 = arith.addi %mul3A_343, %add3A_501 : i32
        %get3A_503 = arith.index_cast %add3A_502 : i32 to index
        %get3A_504 = arith.constant 32 : index
        %get3A_505 = tpu.vector_load %arg8[%get3A_503, %get3A_504] {strides = array<i32>} : memref<800x64xf32, #tpu.memory_space<vmem>>, vector<16xf32>,
        %mul3A_506 = arith.mulf %get3A_505, %broadcast_in_dim3A_486 : vector<16xf32>
        %add3A_507 = arith.addf %add3A_476, %mul3A_506 : vector<16xf32>
        %add3A_508 = arith.constant 4 : i32
        %add3A_509 = arith.addi %mul3A_343, %add3A_508 : i32
        %get3A_510 = arith.index_cast %add3A_509 : i32 to index
        %get3A_511 = arith.constant 48 : index
        %get3A_512 = tpu.vector_load %arg8[%get3A_510, %get3A_511] {strides = array<i32>} : memref<800x64xf32, #tpu.memory_space<vmem>>, vector<16xf32>,
        %mul3A_513 = arith.mulf %get3A_512, %broadcast_in_dim3A_486 : vector<16xf32>
        %add3A_514 = arith.addf %add3A_483, %mul3A_513 : vector<16xf32>
        %slice3A_515 = vector.extract_strided_slice %get3A_352 {offsets = [5], sizes = [1], strides = [1]} : vector<16xf32> to vector<1xf32>
        %squeeze3A_516 = vector.extract %slice3A_515[0] : f32 from vector<1xf32>
        %broadcast_in_dim3A_517 = vector.broadcast %squeeze3A_516 : f32 to vector<16xf32>
        %add3A_518 = arith.constant 5 : i32
        %add3A_519 = arith.addi %mul3A_343, %add3A_518 : i32
        %get3A_520 = arith.index_cast %add3A_519 : i32 to index
        %get3A_521 = arith.constant 0 : index
        %get3A_522 = tpu.vector_load %arg8[%get3A_520, %get3A_521] {strides = array<i32>} : memref<800x64xf32, #tpu.memory_space<vmem>>, vector<16xf32>,
        %mul3A_523 = arith.mulf %get3A_522, %broadcast_in_dim3A_517 : vector<16xf32>
        %add3A_524 = arith.addf %add3A_493, %mul3A_523 : vector<16xf32>
        %add3A_525 = arith.constant 5 : i32
        %add3A_526 = arith.addi %mul3A_343, %add3A_525 : i32
        %get3A_527 = arith.index_cast %add3A_526 : i32 to index
        %get3A_528 = arith.constant 16 : index
        %get3A_529 = tpu.vector_load %arg8[%get3A_527, %get3A_528] {strides = array<i32>} : memref<800x64xf32, #tpu.memory_space<vmem>>, vector<16xf32>,
        %mul3A_530 = arith.mulf %get3A_529, %broadcast_in_dim3A_517 : vector<16xf32>
        %add3A_531 = arith.addf %add3A_500, %mul3A_530 : vector<16xf32>
        %add3A_532 = arith.constant 5 : i32
        %add3A_533 = arith.addi %mul3A_343, %add3A_532 : i32
        %get3A_534 = arith.index_cast %add3A_533 : i32 to index
        %get3A_535 = arith.constant 32 : index
        %get3A_536 = tpu.vector_load %arg8[%get3A_534, %get3A_535] {strides = array<i32>} : memref<800x64xf32, #tpu.memory_space<vmem>>, vector<16xf32>,
        %mul3A_537 = arith.mulf %get3A_536, %broadcast_in_dim3A_517 : vector<16xf32>
        %add3A_538 = arith.addf %add3A_507, %mul3A_537 : vector<16xf32>
        %add3A_539 = arith.constant 5 : i32
        %add3A_540 = arith.addi %mul3A_343, %add3A_539 : i32
        %get3A_541 = arith.index_cast %add3A_540 : i32 to index
        %get3A_542 = arith.constant 48 : index
        %get3A_543 = tpu.vector_load %arg8[%get3A_541, %get3A_542] {strides = array<i32>} : memref<800x64xf32, #tpu.memory_space<vmem>>, vector<16xf32>,
        %mul3A_544 = arith.mulf %get3A_543, %broadcast_in_dim3A_517 : vector<16xf32>
        %add3A_545 = arith.addf %add3A_514, %mul3A_544 : vector<16xf32>
        %slice3A_546 = vector.extract_strided_slice %get3A_352 {offsets = [6], sizes = [1], strides = [1]} : vector<16xf32> to vector<1xf32>
        %squeeze3A_547 = vector.extract %slice3A_546[0] : f32 from vector<1xf32>
        %broadcast_in_dim3A_548 = vector.broadcast %squeeze3A_547 : f32 to vector<16xf32>
        %add3A_549 = arith.constant 6 : i32
        %add3A_550 = arith.addi %mul3A_343, %add3A_549 : i32
        %get3A_551 = arith.index_cast %add3A_550 : i32 to index
        %get3A_552 = arith.constant 0 : index
        %get3A_553 = tpu.vector_load %arg8[%get3A_551, %get3A_552] {strides = array<i32>} : memref<800x64xf32, #tpu.memory_space<vmem>>, vector<16xf32>,
        %mul3A_554 = arith.mulf %get3A_553, %broadcast_in_dim3A_548 : vector<16xf32>
        %add3A_555 = arith.addf %add3A_524, %mul3A_554 : vector<16xf32>
        %add3A_556 = arith.constant 6 : i32
        %add3A_557 = arith.addi %mul3A_343, %add3A_556 : i32
        %get3A_558 = arith.index_cast %add3A_557 : i32 to index
        %get3A_559 = arith.constant 16 : index
        %get3A_560 = tpu.vector_load %arg8[%get3A_558, %get3A_559] {strides = array<i32>} : memref<800x64xf32, #tpu.memory_space<vmem>>, vector<16xf32>,
        %mul3A_561 = arith.mulf %get3A_560, %broadcast_in_dim3A_548 : vector<16xf32>
        %add3A_562 = arith.addf %add3A_531, %mul3A_561 : vector<16xf32>
        %add3A_563 = arith.constant 6 : i32
        %add3A_564 = arith.addi %mul3A_343, %add3A_563 : i32
        %get3A_565 = arith.index_cast %add3A_564 : i32 to index
        %get3A_566 = arith.constant 32 : index
        %get3A_567 = tpu.vector_load %arg8[%get3A_565, %get3A_566] {strides = array<i32>} : memref<800x64xf32, #tpu.memory_space<vmem>>, vector<16xf32>,
        %mul3A_568 = arith.mulf %get3A_567, %broadcast_in_dim3A_548 : vector<16xf32>
        %add3A_569 = arith.addf %add3A_538, %mul3A_568 : vector<16xf32>
        %add3A_570 = arith.constant 6 : i32
        %add3A_571 = arith.addi %mul3A_343, %add3A_570 : i32
        %get3A_572 = arith.index_cast %add3A_571 : i32 to index
        %get3A_573 = arith.constant 48 : index
        %get3A_574 = tpu.vector_load %arg8[%get3A_572, %get3A_573] {strides = array<i32>} : memref<800x64xf32, #tpu.memory_space<vmem>>, vector<16xf32>,
        %mul3A_575 = arith.mulf %get3A_574, %broadcast_in_dim3A_548 : vector<16xf32>
        %add3A_576 = arith.addf %add3A_545, %mul3A_575 : vector<16xf32>
        %slice3A_577 = vector.extract_strided_slice %get3A_352 {offsets = [7], sizes = [1], strides = [1]} : vector<16xf32> to vector<1xf32>
        %squeeze3A_578 = vector.extract %slice3A_577[0] : f32 from vector<1xf32>
        %broadcast_in_dim3A_579 = vector.broadcast %squeeze3A_578 : f32 to vector<16xf32>
        %add3A_580 = arith.constant 7 : i32
        %add3A_581 = arith.addi %mul3A_343, %add3A_580 : i32
        %get3A_582 = arith.index_cast %add3A_581 : i32 to index
        %get3A_583 = arith.constant 0 : index
        %get3A_584 = tpu.vector_load %arg8[%get3A_582, %get3A_583] {strides = array<i32>} : memref<800x64xf32, #tpu.memory_space<vmem>>, vector<16xf32>,
        %mul3A_585 = arith.mulf %get3A_584, %broadcast_in_dim3A_579 : vector<16xf32>
        %add3A_586 = arith.addf %add3A_555, %mul3A_585 : vector<16xf32>
        %add3A_587 = arith.constant 7 : i32
        %add3A_588 = arith.addi %mul3A_343, %add3A_587 : i32
        %get3A_589 = arith.index_cast %add3A_588 : i32 to index
        %get3A_590 = arith.constant 16 : index
        %get3A_591 = tpu.vector_load %arg8[%get3A_589, %get3A_590] {strides = array<i32>} : memref<800x64xf32, #tpu.memory_space<vmem>>, vector<16xf32>,
        %mul3A_592 = arith.mulf %get3A_591, %broadcast_in_dim3A_579 : vector<16xf32>
        %add3A_593 = arith.addf %add3A_562, %mul3A_592 : vector<16xf32>
        %add3A_594 = arith.constant 7 : i32
        %add3A_595 = arith.addi %mul3A_343, %add3A_594 : i32
        %get3A_596 = arith.index_cast %add3A_595 : i32 to index
        %get3A_597 = arith.constant 32 : index
        %get3A_598 = tpu.vector_load %arg8[%get3A_596, %get3A_597] {strides = array<i32>} : memref<800x64xf32, #tpu.memory_space<vmem>>, vector<16xf32>,
        %mul3A_599 = arith.mulf %get3A_598, %broadcast_in_dim3A_579 : vector<16xf32>
        %add3A_600 = arith.addf %add3A_569, %mul3A_599 : vector<16xf32>
        %add3A_601 = arith.constant 7 : i32
        %add3A_602 = arith.addi %mul3A_343, %add3A_601 : i32
        %get3A_603 = arith.index_cast %add3A_602 : i32 to index
        %get3A_604 = arith.constant 48 : index
        %get3A_605 = tpu.vector_load %arg8[%get3A_603, %get3A_604] {strides = array<i32>} : memref<800x64xf32, #tpu.memory_space<vmem>>, vector<16xf32>,
        %mul3A_606 = arith.mulf %get3A_605, %broadcast_in_dim3A_579 : vector<16xf32>
        %add3A_607 = arith.addf %add3A_576, %mul3A_606 : vector<16xf32>
        %slice3A_608 = vector.extract_strided_slice %get3A_352 {offsets = [8], sizes = [1], strides = [1]} : vector<16xf32> to vector<1xf32>
        %squeeze3A_609 = vector.extract %slice3A_608[0] : f32 from vector<1xf32>
        %broadcast_in_dim3A_610 = vector.broadcast %squeeze3A_609 : f32 to vector<16xf32>
        %add3A_611 = arith.constant 8 : i32
        %add3A_612 = arith.addi %mul3A_343, %add3A_611 : i32
        %get3A_613 = arith.index_cast %add3A_612 : i32 to index
        %get3A_614 = arith.constant 0 : index
        %get3A_615 = tpu.vector_load %arg8[%get3A_613, %get3A_614] {strides = array<i32>} : memref<800x64xf32, #tpu.memory_space<vmem>>, vector<16xf32>,
        %mul3A_616 = arith.mulf %get3A_615, %broadcast_in_dim3A_610 : vector<16xf32>
        %add3A_617 = arith.addf %add3A_586, %mul3A_616 : vector<16xf32>
        %add3A_618 = arith.constant 8 : i32
        %add3A_619 = arith.addi %mul3A_343, %add3A_618 : i32
        %get3A_620 = arith.index_cast %add3A_619 : i32 to index
        %get3A_621 = arith.constant 16 : index
        %get3A_622 = tpu.vector_load %arg8[%get3A_620, %get3A_621] {strides = array<i32>} : memref<800x64xf32, #tpu.memory_space<vmem>>, vector<16xf32>,
        %mul3A_623 = arith.mulf %get3A_622, %broadcast_in_dim3A_610 : vector<16xf32>
        %add3A_624 = arith.addf %add3A_593, %mul3A_623 : vector<16xf32>
        %add3A_625 = arith.constant 8 : i32
        %add3A_626 = arith.addi %mul3A_343, %add3A_625 : i32
        %get3A_627 = arith.index_cast %add3A_626 : i32 to index
        %get3A_628 = arith.constant 32 : index
        %get3A_629 = tpu.vector_load %arg8[%get3A_627, %get3A_628] {strides = array<i32>} : memref<800x64xf32, #tpu.memory_space<vmem>>, vector<16xf32>,
        %mul3A_630 = arith.mulf %get3A_629, %broadcast_in_dim3A_610 : vector<16xf32>
        %add3A_631 = arith.addf %add3A_600, %mul3A_630 : vector<16xf32>
        %add3A_632 = arith.constant 8 : i32
        %add3A_633 = arith.addi %mul3A_343, %add3A_632 : i32
        %get3A_634 = arith.index_cast %add3A_633 : i32 to index
        %get3A_635 = arith.constant 48 : index
        %get3A_636 = tpu.vector_load %arg8[%get3A_634, %get3A_635] {strides = array<i32>} : memref<800x64xf32, #tpu.memory_space<vmem>>, vector<16xf32>,
        %mul3A_637 = arith.mulf %get3A_636, %broadcast_in_dim3A_610 : vector<16xf32>
        %add3A_638 = arith.addf %add3A_607, %mul3A_637 : vector<16xf32>
        %slice3A_639 = vector.extract_strided_slice %get3A_352 {offsets = [9], sizes = [1], strides = [1]} : vector<16xf32> to vector<1xf32>
        %squeeze3A_640 = vector.extract %slice3A_639[0] : f32 from vector<1xf32>
        %broadcast_in_dim3A_641 = vector.broadcast %squeeze3A_640 : f32 to vector<16xf32>
        %add3A_642 = arith.constant 9 : i32
        %add3A_643 = arith.addi %mul3A_343, %add3A_642 : i32
        %get3A_644 = arith.index_cast %add3A_643 : i32 to index
        %get3A_645 = arith.constant 0 : index
        %get3A_646 = tpu.vector_load %arg8[%get3A_644, %get3A_645] {strides = array<i32>} : memref<800x64xf32, #tpu.memory_space<vmem>>, vector<16xf32>,
        %mul3A_647 = arith.mulf %get3A_646, %broadcast_in_dim3A_641 : vector<16xf32>
        %add3A_648 = arith.addf %add3A_617, %mul3A_647 : vector<16xf32>
        %add3A_649 = arith.constant 9 : i32
        %add3A_650 = arith.addi %mul3A_343, %add3A_649 : i32
        %get3A_651 = arith.index_cast %add3A_650 : i32 to index
        %get3A_652 = arith.constant 16 : index
        %get3A_653 = tpu.vector_load %arg8[%get3A_651, %get3A_652] {strides = array<i32>} : memref<800x64xf32, #tpu.memory_space<vmem>>, vector<16xf32>,
        %mul3A_654 = arith.mulf %get3A_653, %broadcast_in_dim3A_641 : vector<16xf32>
        %add3A_655 = arith.addf %add3A_624, %mul3A_654 : vector<16xf32>
        %add3A_656 = arith.constant 9 : i32
        %add3A_657 = arith.addi %mul3A_343, %add3A_656 : i32
        %get3A_658 = arith.index_cast %add3A_657 : i32 to index
        %get3A_659 = arith.constant 32 : index
        %get3A_660 = tpu.vector_load %arg8[%get3A_658, %get3A_659] {strides = array<i32>} : memref<800x64xf32, #tpu.memory_space<vmem>>, vector<16xf32>,
        %mul3A_661 = arith.mulf %get3A_660, %broadcast_in_dim3A_641 : vector<16xf32>
        %add3A_662 = arith.addf %add3A_631, %mul3A_661 : vector<16xf32>
        %add3A_663 = arith.constant 9 : i32
        %add3A_664 = arith.addi %mul3A_343, %add3A_663 : i32
        %get3A_665 = arith.index_cast %add3A_664 : i32 to index
        %get3A_666 = arith.constant 48 : index
        %get3A_667 = tpu.vector_load %arg8[%get3A_665, %get3A_666] {strides = array<i32>} : memref<800x64xf32, #tpu.memory_space<vmem>>, vector<16xf32>,
        %mul3A_668 = arith.mulf %get3A_667, %broadcast_in_dim3A_641 : vector<16xf32>
        %add3A_669 = arith.addf %add3A_638, %mul3A_668 : vector<16xf32>
        %slice3A_670 = vector.extract_strided_slice %get3A_352 {offsets = [10], sizes = [1], strides = [1]} : vector<16xf32> to vector<1xf32>
        %squeeze3A_671 = vector.extract %slice3A_670[0] : f32 from vector<1xf32>
        %broadcast_in_dim3A_672 = vector.broadcast %squeeze3A_671 : f32 to vector<16xf32>
        %add3A_673 = arith.constant 10 : i32
        %add3A_674 = arith.addi %mul3A_343, %add3A_673 : i32
        %get3A_675 = arith.index_cast %add3A_674 : i32 to index
        %get3A_676 = arith.constant 0 : index
        %get3A_677 = tpu.vector_load %arg8[%get3A_675, %get3A_676] {strides = array<i32>} : memref<800x64xf32, #tpu.memory_space<vmem>>, vector<16xf32>,
        %mul3A_678 = arith.mulf %get3A_677, %broadcast_in_dim3A_672 : vector<16xf32>
        %add3A_679 = arith.addf %add3A_648, %mul3A_678 : vector<16xf32>
        %add3A_680 = arith.constant 10 : i32
        %add3A_681 = arith.addi %mul3A_343, %add3A_680 : i32
        %get3A_682 = arith.index_cast %add3A_681 : i32 to index
        %get3A_683 = arith.constant 16 : index
        %get3A_684 = tpu.vector_load %arg8[%get3A_682, %get3A_683] {strides = array<i32>} : memref<800x64xf32, #tpu.memory_space<vmem>>, vector<16xf32>,
        %mul3A_685 = arith.mulf %get3A_684, %broadcast_in_dim3A_672 : vector<16xf32>
        %add3A_686 = arith.addf %add3A_655, %mul3A_685 : vector<16xf32>
        %add3A_687 = arith.constant 10 : i32
        %add3A_688 = arith.addi %mul3A_343, %add3A_687 : i32
        %get3A_689 = arith.index_cast %add3A_688 : i32 to index
        %get3A_690 = arith.constant 32 : index
        %get3A_691 = tpu.vector_load %arg8[%get3A_689, %get3A_690] {strides = array<i32>} : memref<800x64xf32, #tpu.memory_space<vmem>>, vector<16xf32>,
        %mul3A_692 = arith.mulf %get3A_691, %broadcast_in_dim3A_672 : vector<16xf32>
        %add3A_693 = arith.addf %add3A_662, %mul3A_692 : vector<16xf32>
        %add3A_694 = arith.constant 10 : i32
        %add3A_695 = arith.addi %mul3A_343, %add3A_694 : i32
        %get3A_696 = arith.index_cast %add3A_695 : i32 to index
        %get3A_697 = arith.constant 48 : index
        %get3A_698 = tpu.vector_load %arg8[%get3A_696, %get3A_697] {strides = array<i32>} : memref<800x64xf32, #tpu.memory_space<vmem>>, vector<16xf32>,
        %mul3A_699 = arith.mulf %get3A_698, %broadcast_in_dim3A_672 : vector<16xf32>
        %add3A_700 = arith.addf %add3A_669, %mul3A_699 : vector<16xf32>
        %slice3A_701 = vector.extract_strided_slice %get3A_352 {offsets = [11], sizes = [1], strides = [1]} : vector<16xf32> to vector<1xf32>
        %squeeze3A_702 = vector.extract %slice3A_701[0] : f32 from vector<1xf32>
        %broadcast_in_dim3A_703 = vector.broadcast %squeeze3A_702 : f32 to vector<16xf32>
        %add3A_704 = arith.constant 11 : i32
        %add3A_705 = arith.addi %mul3A_343, %add3A_704 : i32
        %get3A_706 = arith.index_cast %add3A_705 : i32 to index
        %get3A_707 = arith.constant 0 : index
        %get3A_708 = tpu.vector_load %arg8[%get3A_706, %get3A_707] {strides = array<i32>} : memref<800x64xf32, #tpu.memory_space<vmem>>, vector<16xf32>,
        %mul3A_709 = arith.mulf %get3A_708, %broadcast_in_dim3A_703 : vector<16xf32>
        %add3A_710 = arith.addf %add3A_679, %mul3A_709 : vector<16xf32>
        %add3A_711 = arith.constant 11 : i32
        %add3A_712 = arith.addi %mul3A_343, %add3A_711 : i32
        %get3A_713 = arith.index_cast %add3A_712 : i32 to index
        %get3A_714 = arith.constant 16 : index
        %get3A_715 = tpu.vector_load %arg8[%get3A_713, %get3A_714] {strides = array<i32>} : memref<800x64xf32, #tpu.memory_space<vmem>>, vector<16xf32>,
        %mul3A_716 = arith.mulf %get3A_715, %broadcast_in_dim3A_703 : vector<16xf32>
        %add3A_717 = arith.addf %add3A_686, %mul3A_716 : vector<16xf32>
        %add3A_718 = arith.constant 11 : i32
        %add3A_719 = arith.addi %mul3A_343, %add3A_718 : i32
        %get3A_720 = arith.index_cast %add3A_719 : i32 to index
        %get3A_721 = arith.constant 32 : index
        %get3A_722 = tpu.vector_load %arg8[%get3A_720, %get3A_721] {strides = array<i32>} : memref<800x64xf32, #tpu.memory_space<vmem>>, vector<16xf32>,
        %mul3A_723 = arith.mulf %get3A_722, %broadcast_in_dim3A_703 : vector<16xf32>
        %add3A_724 = arith.addf %add3A_693, %mul3A_723 : vector<16xf32>
        %add3A_725 = arith.constant 11 : i32
        %add3A_726 = arith.addi %mul3A_343, %add3A_725 : i32
        %get3A_727 = arith.index_cast %add3A_726 : i32 to index
        %get3A_728 = arith.constant 48 : index
        %get3A_729 = tpu.vector_load %arg8[%get3A_727, %get3A_728] {strides = array<i32>} : memref<800x64xf32, #tpu.memory_space<vmem>>, vector<16xf32>,
        %mul3A_730 = arith.mulf %get3A_729, %broadcast_in_dim3A_703 : vector<16xf32>
        %add3A_731 = arith.addf %add3A_700, %mul3A_730 : vector<16xf32>
        %slice3A_732 = vector.extract_strided_slice %get3A_352 {offsets = [12], sizes = [1], strides = [1]} : vector<16xf32> to vector<1xf32>
        %squeeze3A_733 = vector.extract %slice3A_732[0] : f32 from vector<1xf32>
        %broadcast_in_dim3A_734 = vector.broadcast %squeeze3A_733 : f32 to vector<16xf32>
        %add3A_735 = arith.constant 12 : i32
        %add3A_736 = arith.addi %mul3A_343, %add3A_735 : i32
        %get3A_737 = arith.index_cast %add3A_736 : i32 to index
        %get3A_738 = arith.constant 0 : index
        %get3A_739 = tpu.vector_load %arg8[%get3A_737, %get3A_738] {strides = array<i32>} : memref<800x64xf32, #tpu.memory_space<vmem>>, vector<16xf32>,
        %mul3A_740 = arith.mulf %get3A_739, %broadcast_in_dim3A_734 : vector<16xf32>
        %add3A_741 = arith.addf %add3A_710, %mul3A_740 : vector<16xf32>
        %add3A_742 = arith.constant 12 : i32
        %add3A_743 = arith.addi %mul3A_343, %add3A_742 : i32
        %get3A_744 = arith.index_cast %add3A_743 : i32 to index
        %get3A_745 = arith.constant 16 : index
        %get3A_746 = tpu.vector_load %arg8[%get3A_744, %get3A_745] {strides = array<i32>} : memref<800x64xf32, #tpu.memory_space<vmem>>, vector<16xf32>,
        %mul3A_747 = arith.mulf %get3A_746, %broadcast_in_dim3A_734 : vector<16xf32>
        %add3A_748 = arith.addf %add3A_717, %mul3A_747 : vector<16xf32>
        %add3A_749 = arith.constant 12 : i32
        %add3A_750 = arith.addi %mul3A_343, %add3A_749 : i32
        %get3A_751 = arith.index_cast %add3A_750 : i32 to index
        %get3A_752 = arith.constant 32 : index
        %get3A_753 = tpu.vector_load %arg8[%get3A_751, %get3A_752] {strides = array<i32>} : memref<800x64xf32, #tpu.memory_space<vmem>>, vector<16xf32>,
        %mul3A_754 = arith.mulf %get3A_753, %broadcast_in_dim3A_734 : vector<16xf32>
        %add3A_755 = arith.addf %add3A_724, %mul3A_754 : vector<16xf32>
        %add3A_756 = arith.constant 12 : i32
        %add3A_757 = arith.addi %mul3A_343, %add3A_756 : i32
        %get3A_758 = arith.index_cast %add3A_757 : i32 to index
        %get3A_759 = arith.constant 48 : index
        %get3A_760 = tpu.vector_load %arg8[%get3A_758, %get3A_759] {strides = array<i32>} : memref<800x64xf32, #tpu.memory_space<vmem>>, vector<16xf32>,
        %mul3A_761 = arith.mulf %get3A_760, %broadcast_in_dim3A_734 : vector<16xf32>
        %add3A_762 = arith.addf %add3A_731, %mul3A_761 : vector<16xf32>
        %slice3A_763 = vector.extract_strided_slice %get3A_352 {offsets = [13], sizes = [1], strides = [1]} : vector<16xf32> to vector<1xf32>
        %squeeze3A_764 = vector.extract %slice3A_763[0] : f32 from vector<1xf32>
        %broadcast_in_dim3A_765 = vector.broadcast %squeeze3A_764 : f32 to vector<16xf32>
        %add3A_766 = arith.constant 13 : i32
        %add3A_767 = arith.addi %mul3A_343, %add3A_766 : i32
        %get3A_768 = arith.index_cast %add3A_767 : i32 to index
        %get3A_769 = arith.constant 0 : index
        %get3A_770 = tpu.vector_load %arg8[%get3A_768, %get3A_769] {strides = array<i32>} : memref<800x64xf32, #tpu.memory_space<vmem>>, vector<16xf32>,
        %mul3A_771 = arith.mulf %get3A_770, %broadcast_in_dim3A_765 : vector<16xf32>
        %add3A_772 = arith.addf %add3A_741, %mul3A_771 : vector<16xf32>
        %add3A_773 = arith.constant 13 : i32
        %add3A_774 = arith.addi %mul3A_343, %add3A_773 : i32
        %get3A_775 = arith.index_cast %add3A_774 : i32 to index
        %get3A_776 = arith.constant 16 : index
        %get3A_777 = tpu.vector_load %arg8[%get3A_775, %get3A_776] {strides = array<i32>} : memref<800x64xf32, #tpu.memory_space<vmem>>, vector<16xf32>,
        %mul3A_778 = arith.mulf %get3A_777, %broadcast_in_dim3A_765 : vector<16xf32>
        %add3A_779 = arith.addf %add3A_748, %mul3A_778 : vector<16xf32>
        %add3A_780 = arith.constant 13 : i32
        %add3A_781 = arith.addi %mul3A_343, %add3A_780 : i32
        %get3A_782 = arith.index_cast %add3A_781 : i32 to index
        %get3A_783 = arith.constant 32 : index
        %get3A_784 = tpu.vector_load %arg8[%get3A_782, %get3A_783] {strides = array<i32>} : memref<800x64xf32, #tpu.memory_space<vmem>>, vector<16xf32>,
        %mul3A_785 = arith.mulf %get3A_784, %broadcast_in_dim3A_765 : vector<16xf32>
        %add3A_786 = arith.addf %add3A_755, %mul3A_785 : vector<16xf32>
        %add3A_787 = arith.constant 13 : i32
        %add3A_788 = arith.addi %mul3A_343, %add3A_787 : i32
        %get3A_789 = arith.index_cast %add3A_788 : i32 to index
        %get3A_790 = arith.constant 48 : index
        %get3A_791 = tpu.vector_load %arg8[%get3A_789, %get3A_790] {strides = array<i32>} : memref<800x64xf32, #tpu.memory_space<vmem>>, vector<16xf32>,
        %mul3A_792 = arith.mulf %get3A_791, %broadcast_in_dim3A_765 : vector<16xf32>
        %add3A_793 = arith.addf %add3A_762, %mul3A_792 : vector<16xf32>
        %slice3A_794 = vector.extract_strided_slice %get3A_352 {offsets = [14], sizes = [1], strides = [1]} : vector<16xf32> to vector<1xf32>
        %squeeze3A_795 = vector.extract %slice3A_794[0] : f32 from vector<1xf32>
        %broadcast_in_dim3A_796 = vector.broadcast %squeeze3A_795 : f32 to vector<16xf32>
        %add3A_797 = arith.constant 14 : i32
        %add3A_798 = arith.addi %mul3A_343, %add3A_797 : i32
        %get3A_799 = arith.index_cast %add3A_798 : i32 to index
        %get3A_800 = arith.constant 0 : index
        %get3A_801 = tpu.vector_load %arg8[%get3A_799, %get3A_800] {strides = array<i32>} : memref<800x64xf32, #tpu.memory_space<vmem>>, vector<16xf32>,
        %mul3A_802 = arith.mulf %get3A_801, %broadcast_in_dim3A_796 : vector<16xf32>
        %add3A_803 = arith.addf %add3A_772, %mul3A_802 : vector<16xf32>
        %add3A_804 = arith.constant 14 : i32
        %add3A_805 = arith.addi %mul3A_343, %add3A_804 : i32
        %get3A_806 = arith.index_cast %add3A_805 : i32 to index
        %get3A_807 = arith.constant 16 : index
        %get3A_808 = tpu.vector_load %arg8[%get3A_806, %get3A_807] {strides = array<i32>} : memref<800x64xf32, #tpu.memory_space<vmem>>, vector<16xf32>,
        %mul3A_809 = arith.mulf %get3A_808, %broadcast_in_dim3A_796 : vector<16xf32>
        %add3A_810 = arith.addf %add3A_779, %mul3A_809 : vector<16xf32>
        %add3A_811 = arith.constant 14 : i32
        %add3A_812 = arith.addi %mul3A_343, %add3A_811 : i32
        %get3A_813 = arith.index_cast %add3A_812 : i32 to index
        %get3A_814 = arith.constant 32 : index
        %get3A_815 = tpu.vector_load %arg8[%get3A_813, %get3A_814] {strides = array<i32>} : memref<800x64xf32, #tpu.memory_space<vmem>>, vector<16xf32>,
        %mul3A_816 = arith.mulf %get3A_815, %broadcast_in_dim3A_796 : vector<16xf32>
        %add3A_817 = arith.addf %add3A_786, %mul3A_816 : vector<16xf32>
        %add3A_818 = arith.constant 14 : i32
        %add3A_819 = arith.addi %mul3A_343, %add3A_818 : i32
        %get3A_820 = arith.index_cast %add3A_819 : i32 to index
        %get3A_821 = arith.constant 48 : index
        %get3A_822 = tpu.vector_load %arg8[%get3A_820, %get3A_821] {strides = array<i32>} : memref<800x64xf32, #tpu.memory_space<vmem>>, vector<16xf32>,
        %mul3A_823 = arith.mulf %get3A_822, %broadcast_in_dim3A_796 : vector<16xf32>
        %add3A_824 = arith.addf %add3A_793, %mul3A_823 : vector<16xf32>
        %slice3A_825 = vector.extract_strided_slice %get3A_352 {offsets = [15], sizes = [1], strides = [1]} : vector<16xf32> to vector<1xf32>
        %squeeze3A_826 = vector.extract %slice3A_825[0] : f32 from vector<1xf32>
        %broadcast_in_dim3A_827 = vector.broadcast %squeeze3A_826 : f32 to vector<16xf32>
        %add3A_828 = arith.constant 15 : i32
        %add3A_829 = arith.addi %mul3A_343, %add3A_828 : i32
        %get3A_830 = arith.index_cast %add3A_829 : i32 to index
        %get3A_831 = arith.constant 0 : index
        %get3A_832 = tpu.vector_load %arg8[%get3A_830, %get3A_831] {strides = array<i32>} : memref<800x64xf32, #tpu.memory_space<vmem>>, vector<16xf32>,
        %mul3A_833 = arith.mulf %get3A_832, %broadcast_in_dim3A_827 : vector<16xf32>
        %add3A_834 = arith.addf %add3A_803, %mul3A_833 : vector<16xf32>
        %add3A_835 = arith.constant 15 : i32
        %add3A_836 = arith.addi %mul3A_343, %add3A_835 : i32
        %get3A_837 = arith.index_cast %add3A_836 : i32 to index
        %get3A_838 = arith.constant 16 : index
        %get3A_839 = tpu.vector_load %arg8[%get3A_837, %get3A_838] {strides = array<i32>} : memref<800x64xf32, #tpu.memory_space<vmem>>, vector<16xf32>,
        %mul3A_840 = arith.mulf %get3A_839, %broadcast_in_dim3A_827 : vector<16xf32>
        %add3A_841 = arith.addf %add3A_810, %mul3A_840 : vector<16xf32>
        %add3A_842 = arith.constant 15 : i32
        %add3A_843 = arith.addi %mul3A_343, %add3A_842 : i32
        %get3A_844 = arith.index_cast %add3A_843 : i32 to index
        %get3A_845 = arith.constant 32 : index
        %get3A_846 = tpu.vector_load %arg8[%get3A_844, %get3A_845] {strides = array<i32>} : memref<800x64xf32, #tpu.memory_space<vmem>>, vector<16xf32>,
        %mul3A_847 = arith.mulf %get3A_846, %broadcast_in_dim3A_827 : vector<16xf32>
        %add3A_848 = arith.addf %add3A_817, %mul3A_847 : vector<16xf32>
        %add3A_849 = arith.constant 15 : i32
        %add3A_850 = arith.addi %mul3A_343, %add3A_849 : i32
        %get3A_851 = arith.index_cast %add3A_850 : i32 to index
        %get3A_852 = arith.constant 48 : index
        %get3A_853 = tpu.vector_load %arg8[%get3A_851, %get3A_852] {strides = array<i32>} : memref<800x64xf32, #tpu.memory_space<vmem>>, vector<16xf32>,
        %mul3A_854 = arith.mulf %get3A_853, %broadcast_in_dim3A_827 : vector<16xf32>
        %add3A_855 = arith.addf %add3A_824, %mul3A_854 : vector<16xf32>
        %slice3A_856 = vector.extract_strided_slice %get3A_355 {offsets = [0], sizes = [1], strides = [1]} : vector<16xf32> to vector<1xf32>
        %squeeze3A_857 = vector.extract %slice3A_856[0] : f32 from vector<1xf32>
        %broadcast_in_dim3A_858 = vector.broadcast %squeeze3A_857 : f32 to vector<16xf32>
        %add3A_859 = arith.constant 16 : i32
        %add3A_860 = arith.addi %mul3A_343, %add3A_859 : i32
        %get3A_861 = arith.index_cast %add3A_860 : i32 to index
        %get3A_862 = arith.constant 0 : index
        %get3A_863 = tpu.vector_load %arg8[%get3A_861, %get3A_862] {strides = array<i32>} : memref<800x64xf32, #tpu.memory_space<vmem>>, vector<16xf32>,
        %mul3A_864 = arith.mulf %get3A_863, %broadcast_in_dim3A_858 : vector<16xf32>
        %add3A_865 = arith.addf %add3A_834, %mul3A_864 : vector<16xf32>
        %add3A_866 = arith.constant 16 : i32
        %add3A_867 = arith.addi %mul3A_343, %add3A_866 : i32
        %get3A_868 = arith.index_cast %add3A_867 : i32 to index
        %get3A_869 = arith.constant 16 : index
        %get3A_870 = tpu.vector_load %arg8[%get3A_868, %get3A_869] {strides = array<i32>} : memref<800x64xf32, #tpu.memory_space<vmem>>, vector<16xf32>,
        %mul3A_871 = arith.mulf %get3A_870, %broadcast_in_dim3A_858 : vector<16xf32>
        %add3A_872 = arith.addf %add3A_841, %mul3A_871 : vector<16xf32>
        %add3A_873 = arith.constant 16 : i32
        %add3A_874 = arith.addi %mul3A_343, %add3A_873 : i32
        %get3A_875 = arith.index_cast %add3A_874 : i32 to index
        %get3A_876 = arith.constant 32 : index
        %get3A_877 = tpu.vector_load %arg8[%get3A_875, %get3A_876] {strides = array<i32>} : memref<800x64xf32, #tpu.memory_space<vmem>>, vector<16xf32>,
        %mul3A_878 = arith.mulf %get3A_877, %broadcast_in_dim3A_858 : vector<16xf32>
        %add3A_879 = arith.addf %add3A_848, %mul3A_878 : vector<16xf32>
        %add3A_880 = arith.constant 16 : i32
        %add3A_881 = arith.addi %mul3A_343, %add3A_880 : i32
        %get3A_882 = arith.index_cast %add3A_881 : i32 to index
        %get3A_883 = arith.constant 48 : index
        %get3A_884 = tpu.vector_load %arg8[%get3A_882, %get3A_883] {strides = array<i32>} : memref<800x64xf32, #tpu.memory_space<vmem>>, vector<16xf32>,
        %mul3A_885 = arith.mulf %get3A_884, %broadcast_in_dim3A_858 : vector<16xf32>
        %add3A_886 = arith.addf %add3A_855, %mul3A_885 : vector<16xf32>
        %slice3A_887 = vector.extract_strided_slice %get3A_355 {offsets = [1], sizes = [1], strides = [1]} : vector<16xf32> to vector<1xf32>
        %squeeze3A_888 = vector.extract %slice3A_887[0] : f32 from vector<1xf32>
        %broadcast_in_dim3A_889 = vector.broadcast %squeeze3A_888 : f32 to vector<16xf32>
        %add3A_890 = arith.constant 17 : i32
        %add3A_891 = arith.addi %mul3A_343, %add3A_890 : i32
        %get3A_892 = arith.index_cast %add3A_891 : i32 to index
        %get3A_893 = arith.constant 0 : index
        %get3A_894 = tpu.vector_load %arg8[%get3A_892, %get3A_893] {strides = array<i32>} : memref<800x64xf32, #tpu.memory_space<vmem>>, vector<16xf32>,
        %mul3A_895 = arith.mulf %get3A_894, %broadcast_in_dim3A_889 : vector<16xf32>
        %add3A_896 = arith.addf %add3A_865, %mul3A_895 : vector<16xf32>
        %add3A_897 = arith.constant 17 : i32
        %add3A_898 = arith.addi %mul3A_343, %add3A_897 : i32
        %get3A_899 = arith.index_cast %add3A_898 : i32 to index
        %get3A_900 = arith.constant 16 : index
        %get3A_901 = tpu.vector_load %arg8[%get3A_899, %get3A_900] {strides = array<i32>} : memref<800x64xf32, #tpu.memory_space<vmem>>, vector<16xf32>,
        %mul3A_902 = arith.mulf %get3A_901, %broadcast_in_dim3A_889 : vector<16xf32>
        %add3A_903 = arith.addf %add3A_872, %mul3A_902 : vector<16xf32>
        %add3A_904 = arith.constant 17 : i32
        %add3A_905 = arith.addi %mul3A_343, %add3A_904 : i32
        %get3A_906 = arith.index_cast %add3A_905 : i32 to index
        %get3A_907 = arith.constant 32 : index
        %get3A_908 = tpu.vector_load %arg8[%get3A_906, %get3A_907] {strides = array<i32>} : memref<800x64xf32, #tpu.memory_space<vmem>>, vector<16xf32>,
        %mul3A_909 = arith.mulf %get3A_908, %broadcast_in_dim3A_889 : vector<16xf32>
        %add3A_910 = arith.addf %add3A_879, %mul3A_909 : vector<16xf32>
        %add3A_911 = arith.constant 17 : i32
        %add3A_912 = arith.addi %mul3A_343, %add3A_911 : i32
        %get3A_913 = arith.index_cast %add3A_912 : i32 to index
        %get3A_914 = arith.constant 48 : index
        %get3A_915 = tpu.vector_load %arg8[%get3A_913, %get3A_914] {strides = array<i32>} : memref<800x64xf32, #tpu.memory_space<vmem>>, vector<16xf32>,
        %mul3A_916 = arith.mulf %get3A_915, %broadcast_in_dim3A_889 : vector<16xf32>
        %add3A_917 = arith.addf %add3A_886, %mul3A_916 : vector<16xf32>
        %slice3A_918 = vector.extract_strided_slice %get3A_355 {offsets = [2], sizes = [1], strides = [1]} : vector<16xf32> to vector<1xf32>
        %squeeze3A_919 = vector.extract %slice3A_918[0] : f32 from vector<1xf32>
        %broadcast_in_dim3A_920 = vector.broadcast %squeeze3A_919 : f32 to vector<16xf32>
        %add3A_921 = arith.constant 18 : i32
        %add3A_922 = arith.addi %mul3A_343, %add3A_921 : i32
        %get3A_923 = arith.index_cast %add3A_922 : i32 to index
        %get3A_924 = arith.constant 0 : index
        %get3A_925 = tpu.vector_load %arg8[%get3A_923, %get3A_924] {strides = array<i32>} : memref<800x64xf32, #tpu.memory_space<vmem>>, vector<16xf32>,
        %mul3A_926 = arith.mulf %get3A_925, %broadcast_in_dim3A_920 : vector<16xf32>
        %add3A_927 = arith.addf %add3A_896, %mul3A_926 : vector<16xf32>
        %add3A_928 = arith.constant 18 : i32
        %add3A_929 = arith.addi %mul3A_343, %add3A_928 : i32
        %get3A_930 = arith.index_cast %add3A_929 : i32 to index
        %get3A_931 = arith.constant 16 : index
        %get3A_932 = tpu.vector_load %arg8[%get3A_930, %get3A_931] {strides = array<i32>} : memref<800x64xf32, #tpu.memory_space<vmem>>, vector<16xf32>,
        %mul3A_933 = arith.mulf %get3A_932, %broadcast_in_dim3A_920 : vector<16xf32>
        %add3A_934 = arith.addf %add3A_903, %mul3A_933 : vector<16xf32>
        %add3A_935 = arith.constant 18 : i32
        %add3A_936 = arith.addi %mul3A_343, %add3A_935 : i32
        %get3A_937 = arith.index_cast %add3A_936 : i32 to index
        %get3A_938 = arith.constant 32 : index
        %get3A_939 = tpu.vector_load %arg8[%get3A_937, %get3A_938] {strides = array<i32>} : memref<800x64xf32, #tpu.memory_space<vmem>>, vector<16xf32>,
        %mul3A_940 = arith.mulf %get3A_939, %broadcast_in_dim3A_920 : vector<16xf32>
        %add3A_941 = arith.addf %add3A_910, %mul3A_940 : vector<16xf32>
        %add3A_942 = arith.constant 18 : i32
        %add3A_943 = arith.addi %mul3A_343, %add3A_942 : i32
        %get3A_944 = arith.index_cast %add3A_943 : i32 to index
        %get3A_945 = arith.constant 48 : index
        %get3A_946 = tpu.vector_load %arg8[%get3A_944, %get3A_945] {strides = array<i32>} : memref<800x64xf32, #tpu.memory_space<vmem>>, vector<16xf32>,
        %mul3A_947 = arith.mulf %get3A_946, %broadcast_in_dim3A_920 : vector<16xf32>
        %add3A_948 = arith.addf %add3A_917, %mul3A_947 : vector<16xf32>
        %slice3A_949 = vector.extract_strided_slice %get3A_355 {offsets = [3], sizes = [1], strides = [1]} : vector<16xf32> to vector<1xf32>
        %squeeze3A_950 = vector.extract %slice3A_949[0] : f32 from vector<1xf32>
        %broadcast_in_dim3A_951 = vector.broadcast %squeeze3A_950 : f32 to vector<16xf32>
        %add3A_952 = arith.constant 19 : i32
        %add3A_953 = arith.addi %mul3A_343, %add3A_952 : i32
        %get3A_954 = arith.index_cast %add3A_953 : i32 to index
        %get3A_955 = arith.constant 0 : index
        %get3A_956 = tpu.vector_load %arg8[%get3A_954, %get3A_955] {strides = array<i32>} : memref<800x64xf32, #tpu.memory_space<vmem>>, vector<16xf32>,
        %mul3A_957 = arith.mulf %get3A_956, %broadcast_in_dim3A_951 : vector<16xf32>
        %add3A_958 = arith.addf %add3A_927, %mul3A_957 : vector<16xf32>
        %add3A_959 = arith.constant 19 : i32
        %add3A_960 = arith.addi %mul3A_343, %add3A_959 : i32
        %get3A_961 = arith.index_cast %add3A_960 : i32 to index
        %get3A_962 = arith.constant 16 : index
        %get3A_963 = tpu.vector_load %arg8[%get3A_961, %get3A_962] {strides = array<i32>} : memref<800x64xf32, #tpu.memory_space<vmem>>, vector<16xf32>,
        %mul3A_964 = arith.mulf %get3A_963, %broadcast_in_dim3A_951 : vector<16xf32>
        %add3A_965 = arith.addf %add3A_934, %mul3A_964 : vector<16xf32>
        %add3A_966 = arith.constant 19 : i32
        %add3A_967 = arith.addi %mul3A_343, %add3A_966 : i32
        %get3A_968 = arith.index_cast %add3A_967 : i32 to index
        %get3A_969 = arith.constant 32 : index
        %get3A_970 = tpu.vector_load %arg8[%get3A_968, %get3A_969] {strides = array<i32>} : memref<800x64xf32, #tpu.memory_space<vmem>>, vector<16xf32>,
        %mul3A_971 = arith.mulf %get3A_970, %broadcast_in_dim3A_951 : vector<16xf32>
        %add3A_972 = arith.addf %add3A_941, %mul3A_971 : vector<16xf32>
        %add3A_973 = arith.constant 19 : i32
        %add3A_974 = arith.addi %mul3A_343, %add3A_973 : i32
        %get3A_975 = arith.index_cast %add3A_974 : i32 to index
        %get3A_976 = arith.constant 48 : index
        %get3A_977 = tpu.vector_load %arg8[%get3A_975, %get3A_976] {strides = array<i32>} : memref<800x64xf32, #tpu.memory_space<vmem>>, vector<16xf32>,
        %mul3A_978 = arith.mulf %get3A_977, %broadcast_in_dim3A_951 : vector<16xf32>
        %add3A_979 = arith.addf %add3A_948, %mul3A_978 : vector<16xf32>
        %slice3A_980 = vector.extract_strided_slice %get3A_355 {offsets = [4], sizes = [1], strides = [1]} : vector<16xf32> to vector<1xf32>
        %squeeze3A_981 = vector.extract %slice3A_980[0] : f32 from vector<1xf32>
        %broadcast_in_dim3A_982 = vector.broadcast %squeeze3A_981 : f32 to vector<16xf32>
        %add3A_983 = arith.constant 20 : i32
        %add3A_984 = arith.addi %mul3A_343, %add3A_983 : i32
        %get3A_985 = arith.index_cast %add3A_984 : i32 to index
        %get3A_986 = arith.constant 0 : index
        %get3A_987 = tpu.vector_load %arg8[%get3A_985, %get3A_986] {strides = array<i32>} : memref<800x64xf32, #tpu.memory_space<vmem>>, vector<16xf32>,
        %mul3A_988 = arith.mulf %get3A_987, %broadcast_in_dim3A_982 : vector<16xf32>
        %add3A_989 = arith.addf %add3A_958, %mul3A_988 : vector<16xf32>
        %add3A_990 = arith.constant 20 : i32
        %add3A_991 = arith.addi %mul3A_343, %add3A_990 : i32
        %get3A_992 = arith.index_cast %add3A_991 : i32 to index
        %get3A_993 = arith.constant 16 : index
        %get3A_994 = tpu.vector_load %arg8[%get3A_992, %get3A_993] {strides = array<i32>} : memref<800x64xf32, #tpu.memory_space<vmem>>, vector<16xf32>,
        %mul3A_995 = arith.mulf %get3A_994, %broadcast_in_dim3A_982 : vector<16xf32>
        %add3A_996 = arith.addf %add3A_965, %mul3A_995 : vector<16xf32>
        %add3A_997 = arith.constant 20 : i32
        %add3A_998 = arith.addi %mul3A_343, %add3A_997 : i32
        %get3A_999 = arith.index_cast %add3A_998 : i32 to index
        %get3A_1000 = arith.constant 32 : index
        %get3A_1001 = tpu.vector_load %arg8[%get3A_999, %get3A_1000] {strides = array<i32>} : memref<800x64xf32, #tpu.memory_space<vmem>>, vector<16xf32>,
        %mul3A_1002 = arith.mulf %get3A_1001, %broadcast_in_dim3A_982 : vector<16xf32>
        %add3A_1003 = arith.addf %add3A_972, %mul3A_1002 : vector<16xf32>
        %add3A_1004 = arith.constant 20 : i32
        %add3A_1005 = arith.addi %mul3A_343, %add3A_1004 : i32
        %get3A_1006 = arith.index_cast %add3A_1005 : i32 to index
        %get3A_1007 = arith.constant 48 : index
        %get3A_1008 = tpu.vector_load %arg8[%get3A_1006, %get3A_1007] {strides = array<i32>} : memref<800x64xf32, #tpu.memory_space<vmem>>, vector<16xf32>,
        %mul3A_1009 = arith.mulf %get3A_1008, %broadcast_in_dim3A_982 : vector<16xf32>
        %add3A_1010 = arith.addf %add3A_979, %mul3A_1009 : vector<16xf32>
        %slice3A_1011 = vector.extract_strided_slice %get3A_355 {offsets = [5], sizes = [1], strides = [1]} : vector<16xf32> to vector<1xf32>
        %squeeze3A_1012 = vector.extract %slice3A_1011[0] : f32 from vector<1xf32>
        %broadcast_in_dim3A_1013 = vector.broadcast %squeeze3A_1012 : f32 to vector<16xf32>
        %add3A_1014 = arith.constant 21 : i32
        %add3A_1015 = arith.addi %mul3A_343, %add3A_1014 : i32
        %get3A_1016 = arith.index_cast %add3A_1015 : i32 to index
        %get3A_1017 = arith.constant 0 : index
        %get3A_1018 = tpu.vector_load %arg8[%get3A_1016, %get3A_1017] {strides = array<i32>} : memref<800x64xf32, #tpu.memory_space<vmem>>, vector<16xf32>,
        %mul3A_1019 = arith.mulf %get3A_1018, %broadcast_in_dim3A_1013 : vector<16xf32>
        %add3A_1020 = arith.addf %add3A_989, %mul3A_1019 : vector<16xf32>
        %add3A_1021 = arith.constant 21 : i32
        %add3A_1022 = arith.addi %mul3A_343, %add3A_1021 : i32
        %get3A_1023 = arith.index_cast %add3A_1022 : i32 to index
        %get3A_1024 = arith.constant 16 : index
        %get3A_1025 = tpu.vector_load %arg8[%get3A_1023, %get3A_1024] {strides = array<i32>} : memref<800x64xf32, #tpu.memory_space<vmem>>, vector<16xf32>,
        %mul3A_1026 = arith.mulf %get3A_1025, %broadcast_in_dim3A_1013 : vector<16xf32>
        %add3A_1027 = arith.addf %add3A_996, %mul3A_1026 : vector<16xf32>
        %add3A_1028 = arith.constant 21 : i32
        %add3A_1029 = arith.addi %mul3A_343, %add3A_1028 : i32
        %get3A_1030 = arith.index_cast %add3A_1029 : i32 to index
        %get3A_1031 = arith.constant 32 : index
        %get3A_1032 = tpu.vector_load %arg8[%get3A_1030, %get3A_1031] {strides = array<i32>} : memref<800x64xf32, #tpu.memory_space<vmem>>, vector<16xf32>,
        %mul3A_1033 = arith.mulf %get3A_1032, %broadcast_in_dim3A_1013 : vector<16xf32>
        %add3A_1034 = arith.addf %add3A_1003, %mul3A_1033 : vector<16xf32>
        %add3A_1035 = arith.constant 21 : i32
        %add3A_1036 = arith.addi %mul3A_343, %add3A_1035 : i32
        %get3A_1037 = arith.index_cast %add3A_1036 : i32 to index
        %get3A_1038 = arith.constant 48 : index
        %get3A_1039 = tpu.vector_load %arg8[%get3A_1037, %get3A_1038] {strides = array<i32>} : memref<800x64xf32, #tpu.memory_space<vmem>>, vector<16xf32>,
        %mul3A_1040 = arith.mulf %get3A_1039, %broadcast_in_dim3A_1013 : vector<16xf32>
        %add3A_1041 = arith.addf %add3A_1010, %mul3A_1040 : vector<16xf32>
        %slice3A_1042 = vector.extract_strided_slice %get3A_355 {offsets = [6], sizes = [1], strides = [1]} : vector<16xf32> to vector<1xf32>
        %squeeze3A_1043 = vector.extract %slice3A_1042[0] : f32 from vector<1xf32>
        %broadcast_in_dim3A_1044 = vector.broadcast %squeeze3A_1043 : f32 to vector<16xf32>
        %add3A_1045 = arith.constant 22 : i32
        %add3A_1046 = arith.addi %mul3A_343, %add3A_1045 : i32
        %get3A_1047 = arith.index_cast %add3A_1046 : i32 to index
        %get3A_1048 = arith.constant 0 : index
        %get3A_1049 = tpu.vector_load %arg8[%get3A_1047, %get3A_1048] {strides = array<i32>} : memref<800x64xf32, #tpu.memory_space<vmem>>, vector<16xf32>,
        %mul3A_1050 = arith.mulf %get3A_1049, %broadcast_in_dim3A_1044 : vector<16xf32>
        %add3A_1051 = arith.addf %add3A_1020, %mul3A_1050 : vector<16xf32>
        %add3A_1052 = arith.constant 22 : i32
        %add3A_1053 = arith.addi %mul3A_343, %add3A_1052 : i32
        %get3A_1054 = arith.index_cast %add3A_1053 : i32 to index
        %get3A_1055 = arith.constant 16 : index
        %get3A_1056 = tpu.vector_load %arg8[%get3A_1054, %get3A_1055] {strides = array<i32>} : memref<800x64xf32, #tpu.memory_space<vmem>>, vector<16xf32>,
        %mul3A_1057 = arith.mulf %get3A_1056, %broadcast_in_dim3A_1044 : vector<16xf32>
        %add3A_1058 = arith.addf %add3A_1027, %mul3A_1057 : vector<16xf32>
        %add3A_1059 = arith.constant 22 : i32
        %add3A_1060 = arith.addi %mul3A_343, %add3A_1059 : i32
        %get3A_1061 = arith.index_cast %add3A_1060 : i32 to index
        %get3A_1062 = arith.constant 32 : index
        %get3A_1063 = tpu.vector_load %arg8[%get3A_1061, %get3A_1062] {strides = array<i32>} : memref<800x64xf32, #tpu.memory_space<vmem>>, vector<16xf32>,
        %mul3A_1064 = arith.mulf %get3A_1063, %broadcast_in_dim3A_1044 : vector<16xf32>
        %add3A_1065 = arith.addf %add3A_1034, %mul3A_1064 : vector<16xf32>
        %add3A_1066 = arith.constant 22 : i32
        %add3A_1067 = arith.addi %mul3A_343, %add3A_1066 : i32
        %get3A_1068 = arith.index_cast %add3A_1067 : i32 to index
        %get3A_1069 = arith.constant 48 : index
        %get3A_1070 = tpu.vector_load %arg8[%get3A_1068, %get3A_1069] {strides = array<i32>} : memref<800x64xf32, #tpu.memory_space<vmem>>, vector<16xf32>,
        %mul3A_1071 = arith.mulf %get3A_1070, %broadcast_in_dim3A_1044 : vector<16xf32>
        %add3A_1072 = arith.addf %add3A_1041, %mul3A_1071 : vector<16xf32>
        %slice3A_1073 = vector.extract_strided_slice %get3A_355 {offsets = [7], sizes = [1], strides = [1]} : vector<16xf32> to vector<1xf32>
        %squeeze3A_1074 = vector.extract %slice3A_1073[0] : f32 from vector<1xf32>
        %broadcast_in_dim3A_1075 = vector.broadcast %squeeze3A_1074 : f32 to vector<16xf32>
        %add3A_1076 = arith.constant 23 : i32
        %add3A_1077 = arith.addi %mul3A_343, %add3A_1076 : i32
        %get3A_1078 = arith.index_cast %add3A_1077 : i32 to index
        %get3A_1079 = arith.constant 0 : index
        %get3A_1080 = tpu.vector_load %arg8[%get3A_1078, %get3A_1079] {strides = array<i32>} : memref<800x64xf32, #tpu.memory_space<vmem>>, vector<16xf32>,
        %mul3A_1081 = arith.mulf %get3A_1080, %broadcast_in_dim3A_1075 : vector<16xf32>
        %add3A_1082 = arith.addf %add3A_1051, %mul3A_1081 : vector<16xf32>
        %add3A_1083 = arith.constant 23 : i32
        %add3A_1084 = arith.addi %mul3A_343, %add3A_1083 : i32
        %get3A_1085 = arith.index_cast %add3A_1084 : i32 to index
        %get3A_1086 = arith.constant 16 : index
        %get3A_1087 = tpu.vector_load %arg8[%get3A_1085, %get3A_1086] {strides = array<i32>} : memref<800x64xf32, #tpu.memory_space<vmem>>, vector<16xf32>,
        %mul3A_1088 = arith.mulf %get3A_1087, %broadcast_in_dim3A_1075 : vector<16xf32>
        %add3A_1089 = arith.addf %add3A_1058, %mul3A_1088 : vector<16xf32>
        %add3A_1090 = arith.constant 23 : i32
        %add3A_1091 = arith.addi %mul3A_343, %add3A_1090 : i32
        %get3A_1092 = arith.index_cast %add3A_1091 : i32 to index
        %get3A_1093 = arith.constant 32 : index
        %get3A_1094 = tpu.vector_load %arg8[%get3A_1092, %get3A_1093] {strides = array<i32>} : memref<800x64xf32, #tpu.memory_space<vmem>>, vector<16xf32>,
        %mul3A_1095 = arith.mulf %get3A_1094, %broadcast_in_dim3A_1075 : vector<16xf32>
        %add3A_1096 = arith.addf %add3A_1065, %mul3A_1095 : vector<16xf32>
        %add3A_1097 = arith.constant 23 : i32
        %add3A_1098 = arith.addi %mul3A_343, %add3A_1097 : i32
        %get3A_1099 = arith.index_cast %add3A_1098 : i32 to index
        %get3A_1100 = arith.constant 48 : index
        %get3A_1101 = tpu.vector_load %arg8[%get3A_1099, %get3A_1100] {strides = array<i32>} : memref<800x64xf32, #tpu.memory_space<vmem>>, vector<16xf32>,
        %mul3A_1102 = arith.mulf %get3A_1101, %broadcast_in_dim3A_1075 : vector<16xf32>
        %add3A_1103 = arith.addf %add3A_1072, %mul3A_1102 : vector<16xf32>
        %slice3A_1104 = vector.extract_strided_slice %get3A_355 {offsets = [8], sizes = [1], strides = [1]} : vector<16xf32> to vector<1xf32>
        %squeeze3A_1105 = vector.extract %slice3A_1104[0] : f32 from vector<1xf32>
        %broadcast_in_dim3A_1106 = vector.broadcast %squeeze3A_1105 : f32 to vector<16xf32>
        %add3A_1107 = arith.constant 24 : i32
        %add3A_1108 = arith.addi %mul3A_343, %add3A_1107 : i32
        %get3A_1109 = arith.index_cast %add3A_1108 : i32 to index
        %get3A_1110 = arith.constant 0 : index
        %get3A_1111 = tpu.vector_load %arg8[%get3A_1109, %get3A_1110] {strides = array<i32>} : memref<800x64xf32, #tpu.memory_space<vmem>>, vector<16xf32>,
        %mul3A_1112 = arith.mulf %get3A_1111, %broadcast_in_dim3A_1106 : vector<16xf32>
        %add3A_1113 = arith.addf %add3A_1082, %mul3A_1112 : vector<16xf32>
        %add3A_1114 = arith.constant 24 : i32
        %add3A_1115 = arith.addi %mul3A_343, %add3A_1114 : i32
        %get3A_1116 = arith.index_cast %add3A_1115 : i32 to index
        %get3A_1117 = arith.constant 16 : index
        %get3A_1118 = tpu.vector_load %arg8[%get3A_1116, %get3A_1117] {strides = array<i32>} : memref<800x64xf32, #tpu.memory_space<vmem>>, vector<16xf32>,
        %mul3A_1119 = arith.mulf %get3A_1118, %broadcast_in_dim3A_1106 : vector<16xf32>
        %add3A_1120 = arith.addf %add3A_1089, %mul3A_1119 : vector<16xf32>
        %add3A_1121 = arith.constant 24 : i32
        %add3A_1122 = arith.addi %mul3A_343, %add3A_1121 : i32
        %get3A_1123 = arith.index_cast %add3A_1122 : i32 to index
        %get3A_1124 = arith.constant 32 : index
        %get3A_1125 = tpu.vector_load %arg8[%get3A_1123, %get3A_1124] {strides = array<i32>} : memref<800x64xf32, #tpu.memory_space<vmem>>, vector<16xf32>,
        %mul3A_1126 = arith.mulf %get3A_1125, %broadcast_in_dim3A_1106 : vector<16xf32>
        %add3A_1127 = arith.addf %add3A_1096, %mul3A_1126 : vector<16xf32>
        %add3A_1128 = arith.constant 24 : i32
        %add3A_1129 = arith.addi %mul3A_343, %add3A_1128 : i32
        %get3A_1130 = arith.index_cast %add3A_1129 : i32 to index
        %get3A_1131 = arith.constant 48 : index
        %get3A_1132 = tpu.vector_load %arg8[%get3A_1130, %get3A_1131] {strides = array<i32>} : memref<800x64xf32, #tpu.memory_space<vmem>>, vector<16xf32>,
        %mul3A_1133 = arith.mulf %get3A_1132, %broadcast_in_dim3A_1106 : vector<16xf32>
        %add3A_1134 = arith.addf %add3A_1103, %mul3A_1133 : vector<16xf32>
        %slice3A_1135 = vector.extract_strided_slice %get3A_355 {offsets = [9], sizes = [1], strides = [1]} : vector<16xf32> to vector<1xf32>
        %squeeze3A_1136 = vector.extract %slice3A_1135[0] : f32 from vector<1xf32>
        %broadcast_in_dim3A_1137 = vector.broadcast %squeeze3A_1136 : f32 to vector<16xf32>
        %add3A_1138 = arith.constant 25 : i32
        %add3A_1139 = arith.addi %mul3A_343, %add3A_1138 : i32
        %get3A_1140 = arith.index_cast %add3A_1139 : i32 to index
        %get3A_1141 = arith.constant 0 : index
        %get3A_1142 = tpu.vector_load %arg8[%get3A_1140, %get3A_1141] {strides = array<i32>} : memref<800x64xf32, #tpu.memory_space<vmem>>, vector<16xf32>,
        %mul3A_1143 = arith.mulf %get3A_1142, %broadcast_in_dim3A_1137 : vector<16xf32>
        %add3A_1144 = arith.addf %add3A_1113, %mul3A_1143 : vector<16xf32>
        %add3A_1145 = arith.constant 25 : i32
        %add3A_1146 = arith.addi %mul3A_343, %add3A_1145 : i32
        %get3A_1147 = arith.index_cast %add3A_1146 : i32 to index
        %get3A_1148 = arith.constant 16 : index
        %get3A_1149 = tpu.vector_load %arg8[%get3A_1147, %get3A_1148] {strides = array<i32>} : memref<800x64xf32, #tpu.memory_space<vmem>>, vector<16xf32>,
        %mul3A_1150 = arith.mulf %get3A_1149, %broadcast_in_dim3A_1137 : vector<16xf32>
        %add3A_1151 = arith.addf %add3A_1120, %mul3A_1150 : vector<16xf32>
        %add3A_1152 = arith.constant 25 : i32
        %add3A_1153 = arith.addi %mul3A_343, %add3A_1152 : i32
        %get3A_1154 = arith.index_cast %add3A_1153 : i32 to index
        %get3A_1155 = arith.constant 32 : index
        %get3A_1156 = tpu.vector_load %arg8[%get3A_1154, %get3A_1155] {strides = array<i32>} : memref<800x64xf32, #tpu.memory_space<vmem>>, vector<16xf32>,
        %mul3A_1157 = arith.mulf %get3A_1156, %broadcast_in_dim3A_1137 : vector<16xf32>
        %add3A_1158 = arith.addf %add3A_1127, %mul3A_1157 : vector<16xf32>
        %add3A_1159 = arith.constant 25 : i32
        %add3A_1160 = arith.addi %mul3A_343, %add3A_1159 : i32
        %get3A_1161 = arith.index_cast %add3A_1160 : i32 to index
        %get3A_1162 = arith.constant 48 : index
        %get3A_1163 = tpu.vector_load %arg8[%get3A_1161, %get3A_1162] {strides = array<i32>} : memref<800x64xf32, #tpu.memory_space<vmem>>, vector<16xf32>,
        %mul3A_1164 = arith.mulf %get3A_1163, %broadcast_in_dim3A_1137 : vector<16xf32>
        %add3A_1165 = arith.addf %add3A_1134, %mul3A_1164 : vector<16xf32>
        %slice3A_1166 = vector.extract_strided_slice %get3A_355 {offsets = [10], sizes = [1], strides = [1]} : vector<16xf32> to vector<1xf32>
        %squeeze3A_1167 = vector.extract %slice3A_1166[0] : f32 from vector<1xf32>
        %broadcast_in_dim3A_1168 = vector.broadcast %squeeze3A_1167 : f32 to vector<16xf32>
        %add3A_1169 = arith.constant 26 : i32
        %add3A_1170 = arith.addi %mul3A_343, %add3A_1169 : i32
        %get3A_1171 = arith.index_cast %add3A_1170 : i32 to index
        %get3A_1172 = arith.constant 0 : index
        %get3A_1173 = tpu.vector_load %arg8[%get3A_1171, %get3A_1172] {strides = array<i32>} : memref<800x64xf32, #tpu.memory_space<vmem>>, vector<16xf32>,
        %mul3A_1174 = arith.mulf %get3A_1173, %broadcast_in_dim3A_1168 : vector<16xf32>
        %add3A_1175 = arith.addf %add3A_1144, %mul3A_1174 : vector<16xf32>
        %add3A_1176 = arith.constant 26 : i32
        %add3A_1177 = arith.addi %mul3A_343, %add3A_1176 : i32
        %get3A_1178 = arith.index_cast %add3A_1177 : i32 to index
        %get3A_1179 = arith.constant 16 : index
        %get3A_1180 = tpu.vector_load %arg8[%get3A_1178, %get3A_1179] {strides = array<i32>} : memref<800x64xf32, #tpu.memory_space<vmem>>, vector<16xf32>,
        %mul3A_1181 = arith.mulf %get3A_1180, %broadcast_in_dim3A_1168 : vector<16xf32>
        %add3A_1182 = arith.addf %add3A_1151, %mul3A_1181 : vector<16xf32>
        %add3A_1183 = arith.constant 26 : i32
        %add3A_1184 = arith.addi %mul3A_343, %add3A_1183 : i32
        %get3A_1185 = arith.index_cast %add3A_1184 : i32 to index
        %get3A_1186 = arith.constant 32 : index
        %get3A_1187 = tpu.vector_load %arg8[%get3A_1185, %get3A_1186] {strides = array<i32>} : memref<800x64xf32, #tpu.memory_space<vmem>>, vector<16xf32>,
        %mul3A_1188 = arith.mulf %get3A_1187, %broadcast_in_dim3A_1168 : vector<16xf32>
        %add3A_1189 = arith.addf %add3A_1158, %mul3A_1188 : vector<16xf32>
        %add3A_1190 = arith.constant 26 : i32
        %add3A_1191 = arith.addi %mul3A_343, %add3A_1190 : i32
        %get3A_1192 = arith.index_cast %add3A_1191 : i32 to index
        %get3A_1193 = arith.constant 48 : index
        %get3A_1194 = tpu.vector_load %arg8[%get3A_1192, %get3A_1193] {strides = array<i32>} : memref<800x64xf32, #tpu.memory_space<vmem>>, vector<16xf32>,
        %mul3A_1195 = arith.mulf %get3A_1194, %broadcast_in_dim3A_1168 : vector<16xf32>
        %add3A_1196 = arith.addf %add3A_1165, %mul3A_1195 : vector<16xf32>
        %slice3A_1197 = vector.extract_strided_slice %get3A_355 {offsets = [11], sizes = [1], strides = [1]} : vector<16xf32> to vector<1xf32>
        %squeeze3A_1198 = vector.extract %slice3A_1197[0] : f32 from vector<1xf32>
        %broadcast_in_dim3A_1199 = vector.broadcast %squeeze3A_1198 : f32 to vector<16xf32>
        %add3A_1200 = arith.constant 27 : i32
        %add3A_1201 = arith.addi %mul3A_343, %add3A_1200 : i32
        %get3A_1202 = arith.index_cast %add3A_1201 : i32 to index
        %get3A_1203 = arith.constant 0 : index
        %get3A_1204 = tpu.vector_load %arg8[%get3A_1202, %get3A_1203] {strides = array<i32>} : memref<800x64xf32, #tpu.memory_space<vmem>>, vector<16xf32>,
        %mul3A_1205 = arith.mulf %get3A_1204, %broadcast_in_dim3A_1199 : vector<16xf32>
        %add3A_1206 = arith.addf %add3A_1175, %mul3A_1205 : vector<16xf32>
        %add3A_1207 = arith.constant 27 : i32
        %add3A_1208 = arith.addi %mul3A_343, %add3A_1207 : i32
        %get3A_1209 = arith.index_cast %add3A_1208 : i32 to index
        %get3A_1210 = arith.constant 16 : index
        %get3A_1211 = tpu.vector_load %arg8[%get3A_1209, %get3A_1210] {strides = array<i32>} : memref<800x64xf32, #tpu.memory_space<vmem>>, vector<16xf32>,
        %mul3A_1212 = arith.mulf %get3A_1211, %broadcast_in_dim3A_1199 : vector<16xf32>
        %add3A_1213 = arith.addf %add3A_1182, %mul3A_1212 : vector<16xf32>
        %add3A_1214 = arith.constant 27 : i32
        %add3A_1215 = arith.addi %mul3A_343, %add3A_1214 : i32
        %get3A_1216 = arith.index_cast %add3A_1215 : i32 to index
        %get3A_1217 = arith.constant 32 : index
        %get3A_1218 = tpu.vector_load %arg8[%get3A_1216, %get3A_1217] {strides = array<i32>} : memref<800x64xf32, #tpu.memory_space<vmem>>, vector<16xf32>,
        %mul3A_1219 = arith.mulf %get3A_1218, %broadcast_in_dim3A_1199 : vector<16xf32>
        %add3A_1220 = arith.addf %add3A_1189, %mul3A_1219 : vector<16xf32>
        %add3A_1221 = arith.constant 27 : i32
        %add3A_1222 = arith.addi %mul3A_343, %add3A_1221 : i32
        %get3A_1223 = arith.index_cast %add3A_1222 : i32 to index
        %get3A_1224 = arith.constant 48 : index
        %get3A_1225 = tpu.vector_load %arg8[%get3A_1223, %get3A_1224] {strides = array<i32>} : memref<800x64xf32, #tpu.memory_space<vmem>>, vector<16xf32>,
        %mul3A_1226 = arith.mulf %get3A_1225, %broadcast_in_dim3A_1199 : vector<16xf32>
        %add3A_1227 = arith.addf %add3A_1196, %mul3A_1226 : vector<16xf32>
        %slice3A_1228 = vector.extract_strided_slice %get3A_355 {offsets = [12], sizes = [1], strides = [1]} : vector<16xf32> to vector<1xf32>
        %squeeze3A_1229 = vector.extract %slice3A_1228[0] : f32 from vector<1xf32>
        %broadcast_in_dim3A_1230 = vector.broadcast %squeeze3A_1229 : f32 to vector<16xf32>
        %add3A_1231 = arith.constant 28 : i32
        %add3A_1232 = arith.addi %mul3A_343, %add3A_1231 : i32
        %get3A_1233 = arith.index_cast %add3A_1232 : i32 to index
        %get3A_1234 = arith.constant 0 : index
        %get3A_1235 = tpu.vector_load %arg8[%get3A_1233, %get3A_1234] {strides = array<i32>} : memref<800x64xf32, #tpu.memory_space<vmem>>, vector<16xf32>,
        %mul3A_1236 = arith.mulf %get3A_1235, %broadcast_in_dim3A_1230 : vector<16xf32>
        %add3A_1237 = arith.addf %add3A_1206, %mul3A_1236 : vector<16xf32>
        %add3A_1238 = arith.constant 28 : i32
        %add3A_1239 = arith.addi %mul3A_343, %add3A_1238 : i32
        %get3A_1240 = arith.index_cast %add3A_1239 : i32 to index
        %get3A_1241 = arith.constant 16 : index
        %get3A_1242 = tpu.vector_load %arg8[%get3A_1240, %get3A_1241] {strides = array<i32>} : memref<800x64xf32, #tpu.memory_space<vmem>>, vector<16xf32>,
        %mul3A_1243 = arith.mulf %get3A_1242, %broadcast_in_dim3A_1230 : vector<16xf32>
        %add3A_1244 = arith.addf %add3A_1213, %mul3A_1243 : vector<16xf32>
        %add3A_1245 = arith.constant 28 : i32
        %add3A_1246 = arith.addi %mul3A_343, %add3A_1245 : i32
        %get3A_1247 = arith.index_cast %add3A_1246 : i32 to index
        %get3A_1248 = arith.constant 32 : index
        %get3A_1249 = tpu.vector_load %arg8[%get3A_1247, %get3A_1248] {strides = array<i32>} : memref<800x64xf32, #tpu.memory_space<vmem>>, vector<16xf32>,
        %mul3A_1250 = arith.mulf %get3A_1249, %broadcast_in_dim3A_1230 : vector<16xf32>
        %add3A_1251 = arith.addf %add3A_1220, %mul3A_1250 : vector<16xf32>
        %add3A_1252 = arith.constant 28 : i32
        %add3A_1253 = arith.addi %mul3A_343, %add3A_1252 : i32
        %get3A_1254 = arith.index_cast %add3A_1253 : i32 to index
        %get3A_1255 = arith.constant 48 : index
        %get3A_1256 = tpu.vector_load %arg8[%get3A_1254, %get3A_1255] {strides = array<i32>} : memref<800x64xf32, #tpu.memory_space<vmem>>, vector<16xf32>,
        %mul3A_1257 = arith.mulf %get3A_1256, %broadcast_in_dim3A_1230 : vector<16xf32>
        %add3A_1258 = arith.addf %add3A_1227, %mul3A_1257 : vector<16xf32>
        %slice3A_1259 = vector.extract_strided_slice %get3A_355 {offsets = [13], sizes = [1], strides = [1]} : vector<16xf32> to vector<1xf32>
        %squeeze3A_1260 = vector.extract %slice3A_1259[0] : f32 from vector<1xf32>
        %broadcast_in_dim3A_1261 = vector.broadcast %squeeze3A_1260 : f32 to vector<16xf32>
        %add3A_1262 = arith.constant 29 : i32
        %add3A_1263 = arith.addi %mul3A_343, %add3A_1262 : i32
        %get3A_1264 = arith.index_cast %add3A_1263 : i32 to index
        %get3A_1265 = arith.constant 0 : index
        %get3A_1266 = tpu.vector_load %arg8[%get3A_1264, %get3A_1265] {strides = array<i32>} : memref<800x64xf32, #tpu.memory_space<vmem>>, vector<16xf32>,
        %mul3A_1267 = arith.mulf %get3A_1266, %broadcast_in_dim3A_1261 : vector<16xf32>
        %add3A_1268 = arith.addf %add3A_1237, %mul3A_1267 : vector<16xf32>
        %add3A_1269 = arith.constant 29 : i32
        %add3A_1270 = arith.addi %mul3A_343, %add3A_1269 : i32
        %get3A_1271 = arith.index_cast %add3A_1270 : i32 to index
        %get3A_1272 = arith.constant 16 : index
        %get3A_1273 = tpu.vector_load %arg8[%get3A_1271, %get3A_1272] {strides = array<i32>} : memref<800x64xf32, #tpu.memory_space<vmem>>, vector<16xf32>,
        %mul3A_1274 = arith.mulf %get3A_1273, %broadcast_in_dim3A_1261 : vector<16xf32>
        %add3A_1275 = arith.addf %add3A_1244, %mul3A_1274 : vector<16xf32>
        %add3A_1276 = arith.constant 29 : i32
        %add3A_1277 = arith.addi %mul3A_343, %add3A_1276 : i32
        %get3A_1278 = arith.index_cast %add3A_1277 : i32 to index
        %get3A_1279 = arith.constant 32 : index
        %get3A_1280 = tpu.vector_load %arg8[%get3A_1278, %get3A_1279] {strides = array<i32>} : memref<800x64xf32, #tpu.memory_space<vmem>>, vector<16xf32>,
        %mul3A_1281 = arith.mulf %get3A_1280, %broadcast_in_dim3A_1261 : vector<16xf32>
        %add3A_1282 = arith.addf %add3A_1251, %mul3A_1281 : vector<16xf32>
        %add3A_1283 = arith.constant 29 : i32
        %add3A_1284 = arith.addi %mul3A_343, %add3A_1283 : i32
        %get3A_1285 = arith.index_cast %add3A_1284 : i32 to index
        %get3A_1286 = arith.constant 48 : index
        %get3A_1287 = tpu.vector_load %arg8[%get3A_1285, %get3A_1286] {strides = array<i32>} : memref<800x64xf32, #tpu.memory_space<vmem>>, vector<16xf32>,
        %mul3A_1288 = arith.mulf %get3A_1287, %broadcast_in_dim3A_1261 : vector<16xf32>
        %add3A_1289 = arith.addf %add3A_1258, %mul3A_1288 : vector<16xf32>
        %slice3A_1290 = vector.extract_strided_slice %get3A_355 {offsets = [14], sizes = [1], strides = [1]} : vector<16xf32> to vector<1xf32>
        %squeeze3A_1291 = vector.extract %slice3A_1290[0] : f32 from vector<1xf32>
        %broadcast_in_dim3A_1292 = vector.broadcast %squeeze3A_1291 : f32 to vector<16xf32>
        %add3A_1293 = arith.constant 30 : i32
        %add3A_1294 = arith.addi %mul3A_343, %add3A_1293 : i32
        %get3A_1295 = arith.index_cast %add3A_1294 : i32 to index
        %get3A_1296 = arith.constant 0 : index
        %get3A_1297 = tpu.vector_load %arg8[%get3A_1295, %get3A_1296] {strides = array<i32>} : memref<800x64xf32, #tpu.memory_space<vmem>>, vector<16xf32>,
        %mul3A_1298 = arith.mulf %get3A_1297, %broadcast_in_dim3A_1292 : vector<16xf32>
        %add3A_1299 = arith.addf %add3A_1268, %mul3A_1298 : vector<16xf32>
        %add3A_1300 = arith.constant 30 : i32
        %add3A_1301 = arith.addi %mul3A_343, %add3A_1300 : i32
        %get3A_1302 = arith.index_cast %add3A_1301 : i32 to index
        %get3A_1303 = arith.constant 16 : index
        %get3A_1304 = tpu.vector_load %arg8[%get3A_1302, %get3A_1303] {strides = array<i32>} : memref<800x64xf32, #tpu.memory_space<vmem>>, vector<16xf32>,
        %mul3A_1305 = arith.mulf %get3A_1304, %broadcast_in_dim3A_1292 : vector<16xf32>
        %add3A_1306 = arith.addf %add3A_1275, %mul3A_1305 : vector<16xf32>
        %add3A_1307 = arith.constant 30 : i32
        %add3A_1308 = arith.addi %mul3A_343, %add3A_1307 : i32
        %get3A_1309 = arith.index_cast %add3A_1308 : i32 to index
        %get3A_1310 = arith.constant 32 : index
        %get3A_1311 = tpu.vector_load %arg8[%get3A_1309, %get3A_1310] {strides = array<i32>} : memref<800x64xf32, #tpu.memory_space<vmem>>, vector<16xf32>,
        %mul3A_1312 = arith.mulf %get3A_1311, %broadcast_in_dim3A_1292 : vector<16xf32>
        %add3A_1313 = arith.addf %add3A_1282, %mul3A_1312 : vector<16xf32>
        %add3A_1314 = arith.constant 30 : i32
        %add3A_1315 = arith.addi %mul3A_343, %add3A_1314 : i32
        %get3A_1316 = arith.index_cast %add3A_1315 : i32 to index
        %get3A_1317 = arith.constant 48 : index
        %get3A_1318 = tpu.vector_load %arg8[%get3A_1316, %get3A_1317] {strides = array<i32>} : memref<800x64xf32, #tpu.memory_space<vmem>>, vector<16xf32>,
        %mul3A_1319 = arith.mulf %get3A_1318, %broadcast_in_dim3A_1292 : vector<16xf32>
        %add3A_1320 = arith.addf %add3A_1289, %mul3A_1319 : vector<16xf32>
        %slice3A_1321 = vector.extract_strided_slice %get3A_355 {offsets = [15], sizes = [1], strides = [1]} : vector<16xf32> to vector<1xf32>
        %squeeze3A_1322 = vector.extract %slice3A_1321[0] : f32 from vector<1xf32>
        %broadcast_in_dim3A_1323 = vector.broadcast %squeeze3A_1322 : f32 to vector<16xf32>
        %add3A_1324 = arith.constant 31 : i32
        %add3A_1325 = arith.addi %mul3A_343, %add3A_1324 : i32
        %get3A_1326 = arith.index_cast %add3A_1325 : i32 to index
        %get3A_1327 = arith.constant 0 : index
        %get3A_1328 = tpu.vector_load %arg8[%get3A_1326, %get3A_1327] {strides = array<i32>} : memref<800x64xf32, #tpu.memory_space<vmem>>, vector<16xf32>,
        %mul3A_1329 = arith.mulf %get3A_1328, %broadcast_in_dim3A_1323 : vector<16xf32>
        %add3A_1330 = arith.addf %add3A_1299, %mul3A_1329 : vector<16xf32>
        %add3A_1331 = arith.constant 31 : i32
        %add3A_1332 = arith.addi %mul3A_343, %add3A_1331 : i32
        %get3A_1333 = arith.index_cast %add3A_1332 : i32 to index
        %get3A_1334 = arith.constant 16 : index
        %get3A_1335 = tpu.vector_load %arg8[%get3A_1333, %get3A_1334] {strides = array<i32>} : memref<800x64xf32, #tpu.memory_space<vmem>>, vector<16xf32>,
        %mul3A_1336 = arith.mulf %get3A_1335, %broadcast_in_dim3A_1323 : vector<16xf32>
        %add3A_1337 = arith.addf %add3A_1306, %mul3A_1336 : vector<16xf32>
        %add3A_1338 = arith.constant 31 : i32
        %add3A_1339 = arith.addi %mul3A_343, %add3A_1338 : i32
        %get3A_1340 = arith.index_cast %add3A_1339 : i32 to index
        %get3A_1341 = arith.constant 32 : index
        %get3A_1342 = tpu.vector_load %arg8[%get3A_1340, %get3A_1341] {strides = array<i32>} : memref<800x64xf32, #tpu.memory_space<vmem>>, vector<16xf32>,
        %mul3A_1343 = arith.mulf %get3A_1342, %broadcast_in_dim3A_1323 : vector<16xf32>
        %add3A_1344 = arith.addf %add3A_1313, %mul3A_1343 : vector<16xf32>
        %add3A_1345 = arith.constant 31 : i32
        %add3A_1346 = arith.addi %mul3A_343, %add3A_1345 : i32
        %get3A_1347 = arith.index_cast %add3A_1346 : i32 to index
        %get3A_1348 = arith.constant 48 : index
        %get3A_1349 = tpu.vector_load %arg8[%get3A_1347, %get3A_1348] {strides = array<i32>} : memref<800x64xf32, #tpu.memory_space<vmem>>, vector<16xf32>,
        %mul3A_1350 = arith.mulf %get3A_1349, %broadcast_in_dim3A_1323 : vector<16xf32>
        %add3A_1351 = arith.addf %add3A_1320, %mul3A_1350 : vector<16xf32>
        %slice3A_1352 = vector.extract_strided_slice %get3A_358 {offsets = [0], sizes = [1], strides = [1]} : vector<16xf32> to vector<1xf32>
        %squeeze3A_1353 = vector.extract %slice3A_1352[0] : f32 from vector<1xf32>
        %broadcast_in_dim3A_1354 = vector.broadcast %squeeze3A_1353 : f32 to vector<16xf32>
        %add3A_1355 = arith.constant 32 : i32
        %add3A_1356 = arith.addi %mul3A_343, %add3A_1355 : i32
        %get3A_1357 = arith.index_cast %add3A_1356 : i32 to index
        %get3A_1358 = arith.constant 0 : index
        %get3A_1359 = tpu.vector_load %arg8[%get3A_1357, %get3A_1358] {strides = array<i32>} : memref<800x64xf32, #tpu.memory_space<vmem>>, vector<16xf32>,
        %mul3A_1360 = arith.mulf %get3A_1359, %broadcast_in_dim3A_1354 : vector<16xf32>
        %add3A_1361 = arith.addf %add3A_1330, %mul3A_1360 : vector<16xf32>
        %add3A_1362 = arith.constant 32 : i32
        %add3A_1363 = arith.addi %mul3A_343, %add3A_1362 : i32
        %get3A_1364 = arith.index_cast %add3A_1363 : i32 to index
        %get3A_1365 = arith.constant 16 : index
        %get3A_1366 = tpu.vector_load %arg8[%get3A_1364, %get3A_1365] {strides = array<i32>} : memref<800x64xf32, #tpu.memory_space<vmem>>, vector<16xf32>,
        %mul3A_1367 = arith.mulf %get3A_1366, %broadcast_in_dim3A_1354 : vector<16xf32>
        %add3A_1368 = arith.addf %add3A_1337, %mul3A_1367 : vector<16xf32>
        %add3A_1369 = arith.constant 32 : i32
        %add3A_1370 = arith.addi %mul3A_343, %add3A_1369 : i32
        %get3A_1371 = arith.index_cast %add3A_1370 : i32 to index
        %get3A_1372 = arith.constant 32 : index
        %get3A_1373 = tpu.vector_load %arg8[%get3A_1371, %get3A_1372] {strides = array<i32>} : memref<800x64xf32, #tpu.memory_space<vmem>>, vector<16xf32>,
        %mul3A_1374 = arith.mulf %get3A_1373, %broadcast_in_dim3A_1354 : vector<16xf32>
        %add3A_1375 = arith.addf %add3A_1344, %mul3A_1374 : vector<16xf32>
        %add3A_1376 = arith.constant 32 : i32
        %add3A_1377 = arith.addi %mul3A_343, %add3A_1376 : i32
        %get3A_1378 = arith.index_cast %add3A_1377 : i32 to index
        %get3A_1379 = arith.constant 48 : index
        %get3A_1380 = tpu.vector_load %arg8[%get3A_1378, %get3A_1379] {strides = array<i32>} : memref<800x64xf32, #tpu.memory_space<vmem>>, vector<16xf32>,
        %mul3A_1381 = arith.mulf %get3A_1380, %broadcast_in_dim3A_1354 : vector<16xf32>
        %add3A_1382 = arith.addf %add3A_1351, %mul3A_1381 : vector<16xf32>
        %slice3A_1383 = vector.extract_strided_slice %get3A_358 {offsets = [1], sizes = [1], strides = [1]} : vector<16xf32> to vector<1xf32>
        %squeeze3A_1384 = vector.extract %slice3A_1383[0] : f32 from vector<1xf32>
        %broadcast_in_dim3A_1385 = vector.broadcast %squeeze3A_1384 : f32 to vector<16xf32>
        %add3A_1386 = arith.constant 33 : i32
        %add3A_1387 = arith.addi %mul3A_343, %add3A_1386 : i32
        %get3A_1388 = arith.index_cast %add3A_1387 : i32 to index
        %get3A_1389 = arith.constant 0 : index
        %get3A_1390 = tpu.vector_load %arg8[%get3A_1388, %get3A_1389] {strides = array<i32>} : memref<800x64xf32, #tpu.memory_space<vmem>>, vector<16xf32>,
        %mul3A_1391 = arith.mulf %get3A_1390, %broadcast_in_dim3A_1385 : vector<16xf32>
        %add3A_1392 = arith.addf %add3A_1361, %mul3A_1391 : vector<16xf32>
        %add3A_1393 = arith.constant 33 : i32
        %add3A_1394 = arith.addi %mul3A_343, %add3A_1393 : i32
        %get3A_1395 = arith.index_cast %add3A_1394 : i32 to index
        %get3A_1396 = arith.constant 16 : index
        %get3A_1397 = tpu.vector_load %arg8[%get3A_1395, %get3A_1396] {strides = array<i32>} : memref<800x64xf32, #tpu.memory_space<vmem>>, vector<16xf32>,
        %mul3A_1398 = arith.mulf %get3A_1397, %broadcast_in_dim3A_1385 : vector<16xf32>
        %add3A_1399 = arith.addf %add3A_1368, %mul3A_1398 : vector<16xf32>
        %add3A_1400 = arith.constant 33 : i32
        %add3A_1401 = arith.addi %mul3A_343, %add3A_1400 : i32
        %get3A_1402 = arith.index_cast %add3A_1401 : i32 to index
        %get3A_1403 = arith.constant 32 : index
        %get3A_1404 = tpu.vector_load %arg8[%get3A_1402, %get3A_1403] {strides = array<i32>} : memref<800x64xf32, #tpu.memory_space<vmem>>, vector<16xf32>,
        %mul3A_1405 = arith.mulf %get3A_1404, %broadcast_in_dim3A_1385 : vector<16xf32>
        %add3A_1406 = arith.addf %add3A_1375, %mul3A_1405 : vector<16xf32>
        %add3A_1407 = arith.constant 33 : i32
        %add3A_1408 = arith.addi %mul3A_343, %add3A_1407 : i32
        %get3A_1409 = arith.index_cast %add3A_1408 : i32 to index
        %get3A_1410 = arith.constant 48 : index
        %get3A_1411 = tpu.vector_load %arg8[%get3A_1409, %get3A_1410] {strides = array<i32>} : memref<800x64xf32, #tpu.memory_space<vmem>>, vector<16xf32>,
        %mul3A_1412 = arith.mulf %get3A_1411, %broadcast_in_dim3A_1385 : vector<16xf32>
        %add3A_1413 = arith.addf %add3A_1382, %mul3A_1412 : vector<16xf32>
        %slice3A_1414 = vector.extract_strided_slice %get3A_358 {offsets = [2], sizes = [1], strides = [1]} : vector<16xf32> to vector<1xf32>
        %squeeze3A_1415 = vector.extract %slice3A_1414[0] : f32 from vector<1xf32>
        %broadcast_in_dim3A_1416 = vector.broadcast %squeeze3A_1415 : f32 to vector<16xf32>
        %add3A_1417 = arith.constant 34 : i32
        %add3A_1418 = arith.addi %mul3A_343, %add3A_1417 : i32
        %get3A_1419 = arith.index_cast %add3A_1418 : i32 to index
        %get3A_1420 = arith.constant 0 : index
        %get3A_1421 = tpu.vector_load %arg8[%get3A_1419, %get3A_1420] {strides = array<i32>} : memref<800x64xf32, #tpu.memory_space<vmem>>, vector<16xf32>,
        %mul3A_1422 = arith.mulf %get3A_1421, %broadcast_in_dim3A_1416 : vector<16xf32>
        %add3A_1423 = arith.addf %add3A_1392, %mul3A_1422 : vector<16xf32>
        %add3A_1424 = arith.constant 34 : i32
        %add3A_1425 = arith.addi %mul3A_343, %add3A_1424 : i32
        %get3A_1426 = arith.index_cast %add3A_1425 : i32 to index
        %get3A_1427 = arith.constant 16 : index
        %get3A_1428 = tpu.vector_load %arg8[%get3A_1426, %get3A_1427] {strides = array<i32>} : memref<800x64xf32, #tpu.memory_space<vmem>>, vector<16xf32>,
        %mul3A_1429 = arith.mulf %get3A_1428, %broadcast_in_dim3A_1416 : vector<16xf32>
        %add3A_1430 = arith.addf %add3A_1399, %mul3A_1429 : vector<16xf32>
        %add3A_1431 = arith.constant 34 : i32
        %add3A_1432 = arith.addi %mul3A_343, %add3A_1431 : i32
        %get3A_1433 = arith.index_cast %add3A_1432 : i32 to index
        %get3A_1434 = arith.constant 32 : index
        %get3A_1435 = tpu.vector_load %arg8[%get3A_1433, %get3A_1434] {strides = array<i32>} : memref<800x64xf32, #tpu.memory_space<vmem>>, vector<16xf32>,
        %mul3A_1436 = arith.mulf %get3A_1435, %broadcast_in_dim3A_1416 : vector<16xf32>
        %add3A_1437 = arith.addf %add3A_1406, %mul3A_1436 : vector<16xf32>
        %add3A_1438 = arith.constant 34 : i32
        %add3A_1439 = arith.addi %mul3A_343, %add3A_1438 : i32
        %get3A_1440 = arith.index_cast %add3A_1439 : i32 to index
        %get3A_1441 = arith.constant 48 : index
        %get3A_1442 = tpu.vector_load %arg8[%get3A_1440, %get3A_1441] {strides = array<i32>} : memref<800x64xf32, #tpu.memory_space<vmem>>, vector<16xf32>,
        %mul3A_1443 = arith.mulf %get3A_1442, %broadcast_in_dim3A_1416 : vector<16xf32>
        %add3A_1444 = arith.addf %add3A_1413, %mul3A_1443 : vector<16xf32>
        %slice3A_1445 = vector.extract_strided_slice %get3A_358 {offsets = [3], sizes = [1], strides = [1]} : vector<16xf32> to vector<1xf32>
        %squeeze3A_1446 = vector.extract %slice3A_1445[0] : f32 from vector<1xf32>
        %broadcast_in_dim3A_1447 = vector.broadcast %squeeze3A_1446 : f32 to vector<16xf32>
        %add3A_1448 = arith.constant 35 : i32
        %add3A_1449 = arith.addi %mul3A_343, %add3A_1448 : i32
        %get3A_1450 = arith.index_cast %add3A_1449 : i32 to index
        %get3A_1451 = arith.constant 0 : index
        %get3A_1452 = tpu.vector_load %arg8[%get3A_1450, %get3A_1451] {strides = array<i32>} : memref<800x64xf32, #tpu.memory_space<vmem>>, vector<16xf32>,
        %mul3A_1453 = arith.mulf %get3A_1452, %broadcast_in_dim3A_1447 : vector<16xf32>
        %add3A_1454 = arith.addf %add3A_1423, %mul3A_1453 : vector<16xf32>
        %add3A_1455 = arith.constant 35 : i32
        %add3A_1456 = arith.addi %mul3A_343, %add3A_1455 : i32
        %get3A_1457 = arith.index_cast %add3A_1456 : i32 to index
        %get3A_1458 = arith.constant 16 : index
        %get3A_1459 = tpu.vector_load %arg8[%get3A_1457, %get3A_1458] {strides = array<i32>} : memref<800x64xf32, #tpu.memory_space<vmem>>, vector<16xf32>,
        %mul3A_1460 = arith.mulf %get3A_1459, %broadcast_in_dim3A_1447 : vector<16xf32>
        %add3A_1461 = arith.addf %add3A_1430, %mul3A_1460 : vector<16xf32>
        %add3A_1462 = arith.constant 35 : i32
        %add3A_1463 = arith.addi %mul3A_343, %add3A_1462 : i32
        %get3A_1464 = arith.index_cast %add3A_1463 : i32 to index
        %get3A_1465 = arith.constant 32 : index
        %get3A_1466 = tpu.vector_load %arg8[%get3A_1464, %get3A_1465] {strides = array<i32>} : memref<800x64xf32, #tpu.memory_space<vmem>>, vector<16xf32>,
        %mul3A_1467 = arith.mulf %get3A_1466, %broadcast_in_dim3A_1447 : vector<16xf32>
        %add3A_1468 = arith.addf %add3A_1437, %mul3A_1467 : vector<16xf32>
        %add3A_1469 = arith.constant 35 : i32
        %add3A_1470 = arith.addi %mul3A_343, %add3A_1469 : i32
        %get3A_1471 = arith.index_cast %add3A_1470 : i32 to index
        %get3A_1472 = arith.constant 48 : index
        %get3A_1473 = tpu.vector_load %arg8[%get3A_1471, %get3A_1472] {strides = array<i32>} : memref<800x64xf32, #tpu.memory_space<vmem>>, vector<16xf32>,
        %mul3A_1474 = arith.mulf %get3A_1473, %broadcast_in_dim3A_1447 : vector<16xf32>
        %add3A_1475 = arith.addf %add3A_1444, %mul3A_1474 : vector<16xf32>
        %slice3A_1476 = vector.extract_strided_slice %get3A_358 {offsets = [4], sizes = [1], strides = [1]} : vector<16xf32> to vector<1xf32>
        %squeeze3A_1477 = vector.extract %slice3A_1476[0] : f32 from vector<1xf32>
        %broadcast_in_dim3A_1478 = vector.broadcast %squeeze3A_1477 : f32 to vector<16xf32>
        %add3A_1479 = arith.constant 36 : i32
        %add3A_1480 = arith.addi %mul3A_343, %add3A_1479 : i32
        %get3A_1481 = arith.index_cast %add3A_1480 : i32 to index
        %get3A_1482 = arith.constant 0 : index
        %get3A_1483 = tpu.vector_load %arg8[%get3A_1481, %get3A_1482] {strides = array<i32>} : memref<800x64xf32, #tpu.memory_space<vmem>>, vector<16xf32>,
        %mul3A_1484 = arith.mulf %get3A_1483, %broadcast_in_dim3A_1478 : vector<16xf32>
        %add3A_1485 = arith.addf %add3A_1454, %mul3A_1484 : vector<16xf32>
        %add3A_1486 = arith.constant 36 : i32
        %add3A_1487 = arith.addi %mul3A_343, %add3A_1486 : i32
        %get3A_1488 = arith.index_cast %add3A_1487 : i32 to index
        %get3A_1489 = arith.constant 16 : index
        %get3A_1490 = tpu.vector_load %arg8[%get3A_1488, %get3A_1489] {strides = array<i32>} : memref<800x64xf32, #tpu.memory_space<vmem>>, vector<16xf32>,
        %mul3A_1491 = arith.mulf %get3A_1490, %broadcast_in_dim3A_1478 : vector<16xf32>
        %add3A_1492 = arith.addf %add3A_1461, %mul3A_1491 : vector<16xf32>
        %add3A_1493 = arith.constant 36 : i32
        %add3A_1494 = arith.addi %mul3A_343, %add3A_1493 : i32
        %get3A_1495 = arith.index_cast %add3A_1494 : i32 to index
        %get3A_1496 = arith.constant 32 : index
        %get3A_1497 = tpu.vector_load %arg8[%get3A_1495, %get3A_1496] {strides = array<i32>} : memref<800x64xf32, #tpu.memory_space<vmem>>, vector<16xf32>,
        %mul3A_1498 = arith.mulf %get3A_1497, %broadcast_in_dim3A_1478 : vector<16xf32>
        %add3A_1499 = arith.addf %add3A_1468, %mul3A_1498 : vector<16xf32>
        %add3A_1500 = arith.constant 36 : i32
        %add3A_1501 = arith.addi %mul3A_343, %add3A_1500 : i32
        %get3A_1502 = arith.index_cast %add3A_1501 : i32 to index
        %get3A_1503 = arith.constant 48 : index
        %get3A_1504 = tpu.vector_load %arg8[%get3A_1502, %get3A_1503] {strides = array<i32>} : memref<800x64xf32, #tpu.memory_space<vmem>>, vector<16xf32>,
        %mul3A_1505 = arith.mulf %get3A_1504, %broadcast_in_dim3A_1478 : vector<16xf32>
        %add3A_1506 = arith.addf %add3A_1475, %mul3A_1505 : vector<16xf32>
        %slice3A_1507 = vector.extract_strided_slice %get3A_358 {offsets = [5], sizes = [1], strides = [1]} : vector<16xf32> to vector<1xf32>
        %squeeze3A_1508 = vector.extract %slice3A_1507[0] : f32 from vector<1xf32>
        %broadcast_in_dim3A_1509 = vector.broadcast %squeeze3A_1508 : f32 to vector<16xf32>
        %add3A_1510 = arith.constant 37 : i32
        %add3A_1511 = arith.addi %mul3A_343, %add3A_1510 : i32
        %get3A_1512 = arith.index_cast %add3A_1511 : i32 to index
        %get3A_1513 = arith.constant 0 : index
        %get3A_1514 = tpu.vector_load %arg8[%get3A_1512, %get3A_1513] {strides = array<i32>} : memref<800x64xf32, #tpu.memory_space<vmem>>, vector<16xf32>,
        %mul3A_1515 = arith.mulf %get3A_1514, %broadcast_in_dim3A_1509 : vector<16xf32>
        %add3A_1516 = arith.addf %add3A_1485, %mul3A_1515 : vector<16xf32>
        %add3A_1517 = arith.constant 37 : i32
        %add3A_1518 = arith.addi %mul3A_343, %add3A_1517 : i32
        %get3A_1519 = arith.index_cast %add3A_1518 : i32 to index
        %get3A_1520 = arith.constant 16 : index
        %get3A_1521 = tpu.vector_load %arg8[%get3A_1519, %get3A_1520] {strides = array<i32>} : memref<800x64xf32, #tpu.memory_space<vmem>>, vector<16xf32>,
        %mul3A_1522 = arith.mulf %get3A_1521, %broadcast_in_dim3A_1509 : vector<16xf32>
        %add3A_1523 = arith.addf %add3A_1492, %mul3A_1522 : vector<16xf32>
        %add3A_1524 = arith.constant 37 : i32
        %add3A_1525 = arith.addi %mul3A_343, %add3A_1524 : i32
        %get3A_1526 = arith.index_cast %add3A_1525 : i32 to index
        %get3A_1527 = arith.constant 32 : index
        %get3A_1528 = tpu.vector_load %arg8[%get3A_1526, %get3A_1527] {strides = array<i32>} : memref<800x64xf32, #tpu.memory_space<vmem>>, vector<16xf32>,
        %mul3A_1529 = arith.mulf %get3A_1528, %broadcast_in_dim3A_1509 : vector<16xf32>
        %add3A_1530 = arith.addf %add3A_1499, %mul3A_1529 : vector<16xf32>
        %add3A_1531 = arith.constant 37 : i32
        %add3A_1532 = arith.addi %mul3A_343, %add3A_1531 : i32
        %get3A_1533 = arith.index_cast %add3A_1532 : i32 to index
        %get3A_1534 = arith.constant 48 : index
        %get3A_1535 = tpu.vector_load %arg8[%get3A_1533, %get3A_1534] {strides = array<i32>} : memref<800x64xf32, #tpu.memory_space<vmem>>, vector<16xf32>,
        %mul3A_1536 = arith.mulf %get3A_1535, %broadcast_in_dim3A_1509 : vector<16xf32>
        %add3A_1537 = arith.addf %add3A_1506, %mul3A_1536 : vector<16xf32>
        %slice3A_1538 = vector.extract_strided_slice %get3A_358 {offsets = [6], sizes = [1], strides = [1]} : vector<16xf32> to vector<1xf32>
        %squeeze3A_1539 = vector.extract %slice3A_1538[0] : f32 from vector<1xf32>
        %broadcast_in_dim3A_1540 = vector.broadcast %squeeze3A_1539 : f32 to vector<16xf32>
        %add3A_1541 = arith.constant 38 : i32
        %add3A_1542 = arith.addi %mul3A_343, %add3A_1541 : i32
        %get3A_1543 = arith.index_cast %add3A_1542 : i32 to index
        %get3A_1544 = arith.constant 0 : index
        %get3A_1545 = tpu.vector_load %arg8[%get3A_1543, %get3A_1544] {strides = array<i32>} : memref<800x64xf32, #tpu.memory_space<vmem>>, vector<16xf32>,
        %mul3A_1546 = arith.mulf %get3A_1545, %broadcast_in_dim3A_1540 : vector<16xf32>
        %add3A_1547 = arith.addf %add3A_1516, %mul3A_1546 : vector<16xf32>
        %add3A_1548 = arith.constant 38 : i32
        %add3A_1549 = arith.addi %mul3A_343, %add3A_1548 : i32
        %get3A_1550 = arith.index_cast %add3A_1549 : i32 to index
        %get3A_1551 = arith.constant 16 : index
        %get3A_1552 = tpu.vector_load %arg8[%get3A_1550, %get3A_1551] {strides = array<i32>} : memref<800x64xf32, #tpu.memory_space<vmem>>, vector<16xf32>,
        %mul3A_1553 = arith.mulf %get3A_1552, %broadcast_in_dim3A_1540 : vector<16xf32>
        %add3A_1554 = arith.addf %add3A_1523, %mul3A_1553 : vector<16xf32>
        %add3A_1555 = arith.constant 38 : i32
        %add3A_1556 = arith.addi %mul3A_343, %add3A_1555 : i32
        %get3A_1557 = arith.index_cast %add3A_1556 : i32 to index
        %get3A_1558 = arith.constant 32 : index
        %get3A_1559 = tpu.vector_load %arg8[%get3A_1557, %get3A_1558] {strides = array<i32>} : memref<800x64xf32, #tpu.memory_space<vmem>>, vector<16xf32>,
        %mul3A_1560 = arith.mulf %get3A_1559, %broadcast_in_dim3A_1540 : vector<16xf32>
        %add3A_1561 = arith.addf %add3A_1530, %mul3A_1560 : vector<16xf32>
        %add3A_1562 = arith.constant 38 : i32
        %add3A_1563 = arith.addi %mul3A_343, %add3A_1562 : i32
        %get3A_1564 = arith.index_cast %add3A_1563 : i32 to index
        %get3A_1565 = arith.constant 48 : index
        %get3A_1566 = tpu.vector_load %arg8[%get3A_1564, %get3A_1565] {strides = array<i32>} : memref<800x64xf32, #tpu.memory_space<vmem>>, vector<16xf32>,
        %mul3A_1567 = arith.mulf %get3A_1566, %broadcast_in_dim3A_1540 : vector<16xf32>
        %add3A_1568 = arith.addf %add3A_1537, %mul3A_1567 : vector<16xf32>
        %slice3A_1569 = vector.extract_strided_slice %get3A_358 {offsets = [7], sizes = [1], strides = [1]} : vector<16xf32> to vector<1xf32>
        %squeeze3A_1570 = vector.extract %slice3A_1569[0] : f32 from vector<1xf32>
        %broadcast_in_dim3A_1571 = vector.broadcast %squeeze3A_1570 : f32 to vector<16xf32>
        %add3A_1572 = arith.constant 39 : i32
        %add3A_1573 = arith.addi %mul3A_343, %add3A_1572 : i32
        %get3A_1574 = arith.index_cast %add3A_1573 : i32 to index
        %get3A_1575 = arith.constant 0 : index
        %get3A_1576 = tpu.vector_load %arg8[%get3A_1574, %get3A_1575] {strides = array<i32>} : memref<800x64xf32, #tpu.memory_space<vmem>>, vector<16xf32>,
        %mul3A_1577 = arith.mulf %get3A_1576, %broadcast_in_dim3A_1571 : vector<16xf32>
        %add3A_1578 = arith.addf %add3A_1547, %mul3A_1577 : vector<16xf32>
        %add3A_1579 = arith.constant 39 : i32
        %add3A_1580 = arith.addi %mul3A_343, %add3A_1579 : i32
        %get3A_1581 = arith.index_cast %add3A_1580 : i32 to index
        %get3A_1582 = arith.constant 16 : index
        %get3A_1583 = tpu.vector_load %arg8[%get3A_1581, %get3A_1582] {strides = array<i32>} : memref<800x64xf32, #tpu.memory_space<vmem>>, vector<16xf32>,
        %mul3A_1584 = arith.mulf %get3A_1583, %broadcast_in_dim3A_1571 : vector<16xf32>
        %add3A_1585 = arith.addf %add3A_1554, %mul3A_1584 : vector<16xf32>
        %add3A_1586 = arith.constant 39 : i32
        %add3A_1587 = arith.addi %mul3A_343, %add3A_1586 : i32
        %get3A_1588 = arith.index_cast %add3A_1587 : i32 to index
        %get3A_1589 = arith.constant 32 : index
        %get3A_1590 = tpu.vector_load %arg8[%get3A_1588, %get3A_1589] {strides = array<i32>} : memref<800x64xf32, #tpu.memory_space<vmem>>, vector<16xf32>,
        %mul3A_1591 = arith.mulf %get3A_1590, %broadcast_in_dim3A_1571 : vector<16xf32>
        %add3A_1592 = arith.addf %add3A_1561, %mul3A_1591 : vector<16xf32>
        %add3A_1593 = arith.constant 39 : i32
        %add3A_1594 = arith.addi %mul3A_343, %add3A_1593 : i32
        %get3A_1595 = arith.index_cast %add3A_1594 : i32 to index
        %get3A_1596 = arith.constant 48 : index
        %get3A_1597 = tpu.vector_load %arg8[%get3A_1595, %get3A_1596] {strides = array<i32>} : memref<800x64xf32, #tpu.memory_space<vmem>>, vector<16xf32>,
        %mul3A_1598 = arith.mulf %get3A_1597, %broadcast_in_dim3A_1571 : vector<16xf32>
        %add3A_1599 = arith.addf %add3A_1568, %mul3A_1598 : vector<16xf32>
        %slice3A_1600 = vector.extract_strided_slice %get3A_358 {offsets = [8], sizes = [1], strides = [1]} : vector<16xf32> to vector<1xf32>
        %squeeze3A_1601 = vector.extract %slice3A_1600[0] : f32 from vector<1xf32>
        %broadcast_in_dim3A_1602 = vector.broadcast %squeeze3A_1601 : f32 to vector<16xf32>
        %add3A_1603 = arith.constant 40 : i32
        %add3A_1604 = arith.addi %mul3A_343, %add3A_1603 : i32
        %get3A_1605 = arith.index_cast %add3A_1604 : i32 to index
        %get3A_1606 = arith.constant 0 : index
        %get3A_1607 = tpu.vector_load %arg8[%get3A_1605, %get3A_1606] {strides = array<i32>} : memref<800x64xf32, #tpu.memory_space<vmem>>, vector<16xf32>,
        %mul3A_1608 = arith.mulf %get3A_1607, %broadcast_in_dim3A_1602 : vector<16xf32>
        %add3A_1609 = arith.addf %add3A_1578, %mul3A_1608 : vector<16xf32>
        %add3A_1610 = arith.constant 40 : i32
        %add3A_1611 = arith.addi %mul3A_343, %add3A_1610 : i32
        %get3A_1612 = arith.index_cast %add3A_1611 : i32 to index
        %get3A_1613 = arith.constant 16 : index
        %get3A_1614 = tpu.vector_load %arg8[%get3A_1612, %get3A_1613] {strides = array<i32>} : memref<800x64xf32, #tpu.memory_space<vmem>>, vector<16xf32>,
        %mul3A_1615 = arith.mulf %get3A_1614, %broadcast_in_dim3A_1602 : vector<16xf32>
        %add3A_1616 = arith.addf %add3A_1585, %mul3A_1615 : vector<16xf32>
        %add3A_1617 = arith.constant 40 : i32
        %add3A_1618 = arith.addi %mul3A_343, %add3A_1617 : i32
        %get3A_1619 = arith.index_cast %add3A_1618 : i32 to index
        %get3A_1620 = arith.constant 32 : index
        %get3A_1621 = tpu.vector_load %arg8[%get3A_1619, %get3A_1620] {strides = array<i32>} : memref<800x64xf32, #tpu.memory_space<vmem>>, vector<16xf32>,
        %mul3A_1622 = arith.mulf %get3A_1621, %broadcast_in_dim3A_1602 : vector<16xf32>
        %add3A_1623 = arith.addf %add3A_1592, %mul3A_1622 : vector<16xf32>
        %add3A_1624 = arith.constant 40 : i32
        %add3A_1625 = arith.addi %mul3A_343, %add3A_1624 : i32
        %get3A_1626 = arith.index_cast %add3A_1625 : i32 to index
        %get3A_1627 = arith.constant 48 : index
        %get3A_1628 = tpu.vector_load %arg8[%get3A_1626, %get3A_1627] {strides = array<i32>} : memref<800x64xf32, #tpu.memory_space<vmem>>, vector<16xf32>,
        %mul3A_1629 = arith.mulf %get3A_1628, %broadcast_in_dim3A_1602 : vector<16xf32>
        %add3A_1630 = arith.addf %add3A_1599, %mul3A_1629 : vector<16xf32>
        %slice3A_1631 = vector.extract_strided_slice %get3A_358 {offsets = [9], sizes = [1], strides = [1]} : vector<16xf32> to vector<1xf32>
        %squeeze3A_1632 = vector.extract %slice3A_1631[0] : f32 from vector<1xf32>
        %broadcast_in_dim3A_1633 = vector.broadcast %squeeze3A_1632 : f32 to vector<16xf32>
        %add3A_1634 = arith.constant 41 : i32
        %add3A_1635 = arith.addi %mul3A_343, %add3A_1634 : i32
        %get3A_1636 = arith.index_cast %add3A_1635 : i32 to index
        %get3A_1637 = arith.constant 0 : index
        %get3A_1638 = tpu.vector_load %arg8[%get3A_1636, %get3A_1637] {strides = array<i32>} : memref<800x64xf32, #tpu.memory_space<vmem>>, vector<16xf32>,
        %mul3A_1639 = arith.mulf %get3A_1638, %broadcast_in_dim3A_1633 : vector<16xf32>
        %add3A_1640 = arith.addf %add3A_1609, %mul3A_1639 : vector<16xf32>
        %add3A_1641 = arith.constant 41 : i32
        %add3A_1642 = arith.addi %mul3A_343, %add3A_1641 : i32
        %get3A_1643 = arith.index_cast %add3A_1642 : i32 to index
        %get3A_1644 = arith.constant 16 : index
        %get3A_1645 = tpu.vector_load %arg8[%get3A_1643, %get3A_1644] {strides = array<i32>} : memref<800x64xf32, #tpu.memory_space<vmem>>, vector<16xf32>,
        %mul3A_1646 = arith.mulf %get3A_1645, %broadcast_in_dim3A_1633 : vector<16xf32>
        %add3A_1647 = arith.addf %add3A_1616, %mul3A_1646 : vector<16xf32>
        %add3A_1648 = arith.constant 41 : i32
        %add3A_1649 = arith.addi %mul3A_343, %add3A_1648 : i32
        %get3A_1650 = arith.index_cast %add3A_1649 : i32 to index
        %get3A_1651 = arith.constant 32 : index
        %get3A_1652 = tpu.vector_load %arg8[%get3A_1650, %get3A_1651] {strides = array<i32>} : memref<800x64xf32, #tpu.memory_space<vmem>>, vector<16xf32>,
        %mul3A_1653 = arith.mulf %get3A_1652, %broadcast_in_dim3A_1633 : vector<16xf32>
        %add3A_1654 = arith.addf %add3A_1623, %mul3A_1653 : vector<16xf32>
        %add3A_1655 = arith.constant 41 : i32
        %add3A_1656 = arith.addi %mul3A_343, %add3A_1655 : i32
        %get3A_1657 = arith.index_cast %add3A_1656 : i32 to index
        %get3A_1658 = arith.constant 48 : index
        %get3A_1659 = tpu.vector_load %arg8[%get3A_1657, %get3A_1658] {strides = array<i32>} : memref<800x64xf32, #tpu.memory_space<vmem>>, vector<16xf32>,
        %mul3A_1660 = arith.mulf %get3A_1659, %broadcast_in_dim3A_1633 : vector<16xf32>
        %add3A_1661 = arith.addf %add3A_1630, %mul3A_1660 : vector<16xf32>
        %slice3A_1662 = vector.extract_strided_slice %get3A_358 {offsets = [10], sizes = [1], strides = [1]} : vector<16xf32> to vector<1xf32>
        %squeeze3A_1663 = vector.extract %slice3A_1662[0] : f32 from vector<1xf32>
        %broadcast_in_dim3A_1664 = vector.broadcast %squeeze3A_1663 : f32 to vector<16xf32>
        %add3A_1665 = arith.constant 42 : i32
        %add3A_1666 = arith.addi %mul3A_343, %add3A_1665 : i32
        %get3A_1667 = arith.index_cast %add3A_1666 : i32 to index
        %get3A_1668 = arith.constant 0 : index
        %get3A_1669 = tpu.vector_load %arg8[%get3A_1667, %get3A_1668] {strides = array<i32>} : memref<800x64xf32, #tpu.memory_space<vmem>>, vector<16xf32>,
        %mul3A_1670 = arith.mulf %get3A_1669, %broadcast_in_dim3A_1664 : vector<16xf32>
        %add3A_1671 = arith.addf %add3A_1640, %mul3A_1670 : vector<16xf32>
        %add3A_1672 = arith.constant 42 : i32
        %add3A_1673 = arith.addi %mul3A_343, %add3A_1672 : i32
        %get3A_1674 = arith.index_cast %add3A_1673 : i32 to index
        %get3A_1675 = arith.constant 16 : index
        %get3A_1676 = tpu.vector_load %arg8[%get3A_1674, %get3A_1675] {strides = array<i32>} : memref<800x64xf32, #tpu.memory_space<vmem>>, vector<16xf32>,
        %mul3A_1677 = arith.mulf %get3A_1676, %broadcast_in_dim3A_1664 : vector<16xf32>
        %add3A_1678 = arith.addf %add3A_1647, %mul3A_1677 : vector<16xf32>
        %add3A_1679 = arith.constant 42 : i32
        %add3A_1680 = arith.addi %mul3A_343, %add3A_1679 : i32
        %get3A_1681 = arith.index_cast %add3A_1680 : i32 to index
        %get3A_1682 = arith.constant 32 : index
        %get3A_1683 = tpu.vector_load %arg8[%get3A_1681, %get3A_1682] {strides = array<i32>} : memref<800x64xf32, #tpu.memory_space<vmem>>, vector<16xf32>,
        %mul3A_1684 = arith.mulf %get3A_1683, %broadcast_in_dim3A_1664 : vector<16xf32>
        %add3A_1685 = arith.addf %add3A_1654, %mul3A_1684 : vector<16xf32>
        %add3A_1686 = arith.constant 42 : i32
        %add3A_1687 = arith.addi %mul3A_343, %add3A_1686 : i32
        %get3A_1688 = arith.index_cast %add3A_1687 : i32 to index
        %get3A_1689 = arith.constant 48 : index
        %get3A_1690 = tpu.vector_load %arg8[%get3A_1688, %get3A_1689] {strides = array<i32>} : memref<800x64xf32, #tpu.memory_space<vmem>>, vector<16xf32>,
        %mul3A_1691 = arith.mulf %get3A_1690, %broadcast_in_dim3A_1664 : vector<16xf32>
        %add3A_1692 = arith.addf %add3A_1661, %mul3A_1691 : vector<16xf32>
        %slice3A_1693 = vector.extract_strided_slice %get3A_358 {offsets = [11], sizes = [1], strides = [1]} : vector<16xf32> to vector<1xf32>
        %squeeze3A_1694 = vector.extract %slice3A_1693[0] : f32 from vector<1xf32>
        %broadcast_in_dim3A_1695 = vector.broadcast %squeeze3A_1694 : f32 to vector<16xf32>
        %add3A_1696 = arith.constant 43 : i32
        %add3A_1697 = arith.addi %mul3A_343, %add3A_1696 : i32
        %get3A_1698 = arith.index_cast %add3A_1697 : i32 to index
        %get3A_1699 = arith.constant 0 : index
        %get3A_1700 = tpu.vector_load %arg8[%get3A_1698, %get3A_1699] {strides = array<i32>} : memref<800x64xf32, #tpu.memory_space<vmem>>, vector<16xf32>,
        %mul3A_1701 = arith.mulf %get3A_1700, %broadcast_in_dim3A_1695 : vector<16xf32>
        %add3A_1702 = arith.addf %add3A_1671, %mul3A_1701 : vector<16xf32>
        %add3A_1703 = arith.constant 43 : i32
        %add3A_1704 = arith.addi %mul3A_343, %add3A_1703 : i32
        %get3A_1705 = arith.index_cast %add3A_1704 : i32 to index
        %get3A_1706 = arith.constant 16 : index
        %get3A_1707 = tpu.vector_load %arg8[%get3A_1705, %get3A_1706] {strides = array<i32>} : memref<800x64xf32, #tpu.memory_space<vmem>>, vector<16xf32>,
        %mul3A_1708 = arith.mulf %get3A_1707, %broadcast_in_dim3A_1695 : vector<16xf32>
        %add3A_1709 = arith.addf %add3A_1678, %mul3A_1708 : vector<16xf32>
        %add3A_1710 = arith.constant 43 : i32
        %add3A_1711 = arith.addi %mul3A_343, %add3A_1710 : i32
        %get3A_1712 = arith.index_cast %add3A_1711 : i32 to index
        %get3A_1713 = arith.constant 32 : index
        %get3A_1714 = tpu.vector_load %arg8[%get3A_1712, %get3A_1713] {strides = array<i32>} : memref<800x64xf32, #tpu.memory_space<vmem>>, vector<16xf32>,
        %mul3A_1715 = arith.mulf %get3A_1714, %broadcast_in_dim3A_1695 : vector<16xf32>
        %add3A_1716 = arith.addf %add3A_1685, %mul3A_1715 : vector<16xf32>
        %add3A_1717 = arith.constant 43 : i32
        %add3A_1718 = arith.addi %mul3A_343, %add3A_1717 : i32
        %get3A_1719 = arith.index_cast %add3A_1718 : i32 to index
        %get3A_1720 = arith.constant 48 : index
        %get3A_1721 = tpu.vector_load %arg8[%get3A_1719, %get3A_1720] {strides = array<i32>} : memref<800x64xf32, #tpu.memory_space<vmem>>, vector<16xf32>,
        %mul3A_1722 = arith.mulf %get3A_1721, %broadcast_in_dim3A_1695 : vector<16xf32>
        %add3A_1723 = arith.addf %add3A_1692, %mul3A_1722 : vector<16xf32>
        %slice3A_1724 = vector.extract_strided_slice %get3A_358 {offsets = [12], sizes = [1], strides = [1]} : vector<16xf32> to vector<1xf32>
        %squeeze3A_1725 = vector.extract %slice3A_1724[0] : f32 from vector<1xf32>
        %broadcast_in_dim3A_1726 = vector.broadcast %squeeze3A_1725 : f32 to vector<16xf32>
        %add3A_1727 = arith.constant 44 : i32
        %add3A_1728 = arith.addi %mul3A_343, %add3A_1727 : i32
        %get3A_1729 = arith.index_cast %add3A_1728 : i32 to index
        %get3A_1730 = arith.constant 0 : index
        %get3A_1731 = tpu.vector_load %arg8[%get3A_1729, %get3A_1730] {strides = array<i32>} : memref<800x64xf32, #tpu.memory_space<vmem>>, vector<16xf32>,
        %mul3A_1732 = arith.mulf %get3A_1731, %broadcast_in_dim3A_1726 : vector<16xf32>
        %add3A_1733 = arith.addf %add3A_1702, %mul3A_1732 : vector<16xf32>
        %add3A_1734 = arith.constant 44 : i32
        %add3A_1735 = arith.addi %mul3A_343, %add3A_1734 : i32
        %get3A_1736 = arith.index_cast %add3A_1735 : i32 to index
        %get3A_1737 = arith.constant 16 : index
        %get3A_1738 = tpu.vector_load %arg8[%get3A_1736, %get3A_1737] {strides = array<i32>} : memref<800x64xf32, #tpu.memory_space<vmem>>, vector<16xf32>,
        %mul3A_1739 = arith.mulf %get3A_1738, %broadcast_in_dim3A_1726 : vector<16xf32>
        %add3A_1740 = arith.addf %add3A_1709, %mul3A_1739 : vector<16xf32>
        %add3A_1741 = arith.constant 44 : i32
        %add3A_1742 = arith.addi %mul3A_343, %add3A_1741 : i32
        %get3A_1743 = arith.index_cast %add3A_1742 : i32 to index
        %get3A_1744 = arith.constant 32 : index
        %get3A_1745 = tpu.vector_load %arg8[%get3A_1743, %get3A_1744] {strides = array<i32>} : memref<800x64xf32, #tpu.memory_space<vmem>>, vector<16xf32>,
        %mul3A_1746 = arith.mulf %get3A_1745, %broadcast_in_dim3A_1726 : vector<16xf32>
        %add3A_1747 = arith.addf %add3A_1716, %mul3A_1746 : vector<16xf32>
        %add3A_1748 = arith.constant 44 : i32
        %add3A_1749 = arith.addi %mul3A_343, %add3A_1748 : i32
        %get3A_1750 = arith.index_cast %add3A_1749 : i32 to index
        %get3A_1751 = arith.constant 48 : index
        %get3A_1752 = tpu.vector_load %arg8[%get3A_1750, %get3A_1751] {strides = array<i32>} : memref<800x64xf32, #tpu.memory_space<vmem>>, vector<16xf32>,
        %mul3A_1753 = arith.mulf %get3A_1752, %broadcast_in_dim3A_1726 : vector<16xf32>
        %add3A_1754 = arith.addf %add3A_1723, %mul3A_1753 : vector<16xf32>
        %slice3A_1755 = vector.extract_strided_slice %get3A_358 {offsets = [13], sizes = [1], strides = [1]} : vector<16xf32> to vector<1xf32>
        %squeeze3A_1756 = vector.extract %slice3A_1755[0] : f32 from vector<1xf32>
        %broadcast_in_dim3A_1757 = vector.broadcast %squeeze3A_1756 : f32 to vector<16xf32>
        %add3A_1758 = arith.constant 45 : i32
        %add3A_1759 = arith.addi %mul3A_343, %add3A_1758 : i32
        %get3A_1760 = arith.index_cast %add3A_1759 : i32 to index
        %get3A_1761 = arith.constant 0 : index
        %get3A_1762 = tpu.vector_load %arg8[%get3A_1760, %get3A_1761] {strides = array<i32>} : memref<800x64xf32, #tpu.memory_space<vmem>>, vector<16xf32>,
        %mul3A_1763 = arith.mulf %get3A_1762, %broadcast_in_dim3A_1757 : vector<16xf32>
        %add3A_1764 = arith.addf %add3A_1733, %mul3A_1763 : vector<16xf32>
        %add3A_1765 = arith.constant 45 : i32
        %add3A_1766 = arith.addi %mul3A_343, %add3A_1765 : i32
        %get3A_1767 = arith.index_cast %add3A_1766 : i32 to index
        %get3A_1768 = arith.constant 16 : index
        %get3A_1769 = tpu.vector_load %arg8[%get3A_1767, %get3A_1768] {strides = array<i32>} : memref<800x64xf32, #tpu.memory_space<vmem>>, vector<16xf32>,
        %mul3A_1770 = arith.mulf %get3A_1769, %broadcast_in_dim3A_1757 : vector<16xf32>
        %add3A_1771 = arith.addf %add3A_1740, %mul3A_1770 : vector<16xf32>
        %add3A_1772 = arith.constant 45 : i32
        %add3A_1773 = arith.addi %mul3A_343, %add3A_1772 : i32
        %get3A_1774 = arith.index_cast %add3A_1773 : i32 to index
        %get3A_1775 = arith.constant 32 : index
        %get3A_1776 = tpu.vector_load %arg8[%get3A_1774, %get3A_1775] {strides = array<i32>} : memref<800x64xf32, #tpu.memory_space<vmem>>, vector<16xf32>,
        %mul3A_1777 = arith.mulf %get3A_1776, %broadcast_in_dim3A_1757 : vector<16xf32>
        %add3A_1778 = arith.addf %add3A_1747, %mul3A_1777 : vector<16xf32>
        %add3A_1779 = arith.constant 45 : i32
        %add3A_1780 = arith.addi %mul3A_343, %add3A_1779 : i32
        %get3A_1781 = arith.index_cast %add3A_1780 : i32 to index
        %get3A_1782 = arith.constant 48 : index
        %get3A_1783 = tpu.vector_load %arg8[%get3A_1781, %get3A_1782] {strides = array<i32>} : memref<800x64xf32, #tpu.memory_space<vmem>>, vector<16xf32>,
        %mul3A_1784 = arith.mulf %get3A_1783, %broadcast_in_dim3A_1757 : vector<16xf32>
        %add3A_1785 = arith.addf %add3A_1754, %mul3A_1784 : vector<16xf32>
        %slice3A_1786 = vector.extract_strided_slice %get3A_358 {offsets = [14], sizes = [1], strides = [1]} : vector<16xf32> to vector<1xf32>
        %squeeze3A_1787 = vector.extract %slice3A_1786[0] : f32 from vector<1xf32>
        %broadcast_in_dim3A_1788 = vector.broadcast %squeeze3A_1787 : f32 to vector<16xf32>
        %add3A_1789 = arith.constant 46 : i32
        %add3A_1790 = arith.addi %mul3A_343, %add3A_1789 : i32
        %get3A_1791 = arith.index_cast %add3A_1790 : i32 to index
        %get3A_1792 = arith.constant 0 : index
        %get3A_1793 = tpu.vector_load %arg8[%get3A_1791, %get3A_1792] {strides = array<i32>} : memref<800x64xf32, #tpu.memory_space<vmem>>, vector<16xf32>,
        %mul3A_1794 = arith.mulf %get3A_1793, %broadcast_in_dim3A_1788 : vector<16xf32>
        %add3A_1795 = arith.addf %add3A_1764, %mul3A_1794 : vector<16xf32>
        %add3A_1796 = arith.constant 46 : i32
        %add3A_1797 = arith.addi %mul3A_343, %add3A_1796 : i32
        %get3A_1798 = arith.index_cast %add3A_1797 : i32 to index
        %get3A_1799 = arith.constant 16 : index
        %get3A_1800 = tpu.vector_load %arg8[%get3A_1798, %get3A_1799] {strides = array<i32>} : memref<800x64xf32, #tpu.memory_space<vmem>>, vector<16xf32>,
        %mul3A_1801 = arith.mulf %get3A_1800, %broadcast_in_dim3A_1788 : vector<16xf32>
        %add3A_1802 = arith.addf %add3A_1771, %mul3A_1801 : vector<16xf32>
        %add3A_1803 = arith.constant 46 : i32
        %add3A_1804 = arith.addi %mul3A_343, %add3A_1803 : i32
        %get3A_1805 = arith.index_cast %add3A_1804 : i32 to index
        %get3A_1806 = arith.constant 32 : index
        %get3A_1807 = tpu.vector_load %arg8[%get3A_1805, %get3A_1806] {strides = array<i32>} : memref<800x64xf32, #tpu.memory_space<vmem>>, vector<16xf32>,
        %mul3A_1808 = arith.mulf %get3A_1807, %broadcast_in_dim3A_1788 : vector<16xf32>
        %add3A_1809 = arith.addf %add3A_1778, %mul3A_1808 : vector<16xf32>
        %add3A_1810 = arith.constant 46 : i32
        %add3A_1811 = arith.addi %mul3A_343, %add3A_1810 : i32
        %get3A_1812 = arith.index_cast %add3A_1811 : i32 to index
        %get3A_1813 = arith.constant 48 : index
        %get3A_1814 = tpu.vector_load %arg8[%get3A_1812, %get3A_1813] {strides = array<i32>} : memref<800x64xf32, #tpu.memory_space<vmem>>, vector<16xf32>,
        %mul3A_1815 = arith.mulf %get3A_1814, %broadcast_in_dim3A_1788 : vector<16xf32>
        %add3A_1816 = arith.addf %add3A_1785, %mul3A_1815 : vector<16xf32>
        %slice3A_1817 = vector.extract_strided_slice %get3A_358 {offsets = [15], sizes = [1], strides = [1]} : vector<16xf32> to vector<1xf32>
        %squeeze3A_1818 = vector.extract %slice3A_1817[0] : f32 from vector<1xf32>
        %broadcast_in_dim3A_1819 = vector.broadcast %squeeze3A_1818 : f32 to vector<16xf32>
        %add3A_1820 = arith.constant 47 : i32
        %add3A_1821 = arith.addi %mul3A_343, %add3A_1820 : i32
        %get3A_1822 = arith.index_cast %add3A_1821 : i32 to index
        %get3A_1823 = arith.constant 0 : index
        %get3A_1824 = tpu.vector_load %arg8[%get3A_1822, %get3A_1823] {strides = array<i32>} : memref<800x64xf32, #tpu.memory_space<vmem>>, vector<16xf32>,
        %mul3A_1825 = arith.mulf %get3A_1824, %broadcast_in_dim3A_1819 : vector<16xf32>
        %add3A_1826 = arith.addf %add3A_1795, %mul3A_1825 : vector<16xf32>
        %add3A_1827 = arith.constant 47 : i32
        %add3A_1828 = arith.addi %mul3A_343, %add3A_1827 : i32
        %get3A_1829 = arith.index_cast %add3A_1828 : i32 to index
        %get3A_1830 = arith.constant 16 : index
        %get3A_1831 = tpu.vector_load %arg8[%get3A_1829, %get3A_1830] {strides = array<i32>} : memref<800x64xf32, #tpu.memory_space<vmem>>, vector<16xf32>,
        %mul3A_1832 = arith.mulf %get3A_1831, %broadcast_in_dim3A_1819 : vector<16xf32>
        %add3A_1833 = arith.addf %add3A_1802, %mul3A_1832 : vector<16xf32>
        %add3A_1834 = arith.constant 47 : i32
        %add3A_1835 = arith.addi %mul3A_343, %add3A_1834 : i32
        %get3A_1836 = arith.index_cast %add3A_1835 : i32 to index
        %get3A_1837 = arith.constant 32 : index
        %get3A_1838 = tpu.vector_load %arg8[%get3A_1836, %get3A_1837] {strides = array<i32>} : memref<800x64xf32, #tpu.memory_space<vmem>>, vector<16xf32>,
        %mul3A_1839 = arith.mulf %get3A_1838, %broadcast_in_dim3A_1819 : vector<16xf32>
        %add3A_1840 = arith.addf %add3A_1809, %mul3A_1839 : vector<16xf32>
        %add3A_1841 = arith.constant 47 : i32
        %add3A_1842 = arith.addi %mul3A_343, %add3A_1841 : i32
        %get3A_1843 = arith.index_cast %add3A_1842 : i32 to index
        %get3A_1844 = arith.constant 48 : index
        %get3A_1845 = tpu.vector_load %arg8[%get3A_1843, %get3A_1844] {strides = array<i32>} : memref<800x64xf32, #tpu.memory_space<vmem>>, vector<16xf32>,
        %mul3A_1846 = arith.mulf %get3A_1845, %broadcast_in_dim3A_1819 : vector<16xf32>
        %add3A_1847 = arith.addf %add3A_1816, %mul3A_1846 : vector<16xf32>
        %slice3A_1848 = vector.extract_strided_slice %get3A_361 {offsets = [0], sizes = [1], strides = [1]} : vector<16xf32> to vector<1xf32>
        %squeeze3A_1849 = vector.extract %slice3A_1848[0] : f32 from vector<1xf32>
        %broadcast_in_dim3A_1850 = vector.broadcast %squeeze3A_1849 : f32 to vector<16xf32>
        %add3A_1851 = arith.constant 48 : i32
        %add3A_1852 = arith.addi %mul3A_343, %add3A_1851 : i32
        %get3A_1853 = arith.index_cast %add3A_1852 : i32 to index
        %get3A_1854 = arith.constant 0 : index
        %get3A_1855 = tpu.vector_load %arg8[%get3A_1853, %get3A_1854] {strides = array<i32>} : memref<800x64xf32, #tpu.memory_space<vmem>>, vector<16xf32>,
        %mul3A_1856 = arith.mulf %get3A_1855, %broadcast_in_dim3A_1850 : vector<16xf32>
        %add3A_1857 = arith.addf %add3A_1826, %mul3A_1856 : vector<16xf32>
        %add3A_1858 = arith.constant 48 : i32
        %add3A_1859 = arith.addi %mul3A_343, %add3A_1858 : i32
        %get3A_1860 = arith.index_cast %add3A_1859 : i32 to index
        %get3A_1861 = arith.constant 16 : index
        %get3A_1862 = tpu.vector_load %arg8[%get3A_1860, %get3A_1861] {strides = array<i32>} : memref<800x64xf32, #tpu.memory_space<vmem>>, vector<16xf32>,
        %mul3A_1863 = arith.mulf %get3A_1862, %broadcast_in_dim3A_1850 : vector<16xf32>
        %add3A_1864 = arith.addf %add3A_1833, %mul3A_1863 : vector<16xf32>
        %add3A_1865 = arith.constant 48 : i32
        %add3A_1866 = arith.addi %mul3A_343, %add3A_1865 : i32
        %get3A_1867 = arith.index_cast %add3A_1866 : i32 to index
        %get3A_1868 = arith.constant 32 : index
        %get3A_1869 = tpu.vector_load %arg8[%get3A_1867, %get3A_1868] {strides = array<i32>} : memref<800x64xf32, #tpu.memory_space<vmem>>, vector<16xf32>,
        %mul3A_1870 = arith.mulf %get3A_1869, %broadcast_in_dim3A_1850 : vector<16xf32>
        %add3A_1871 = arith.addf %add3A_1840, %mul3A_1870 : vector<16xf32>
        %add3A_1872 = arith.constant 48 : i32
        %add3A_1873 = arith.addi %mul3A_343, %add3A_1872 : i32
        %get3A_1874 = arith.index_cast %add3A_1873 : i32 to index
        %get3A_1875 = arith.constant 48 : index
        %get3A_1876 = tpu.vector_load %arg8[%get3A_1874, %get3A_1875] {strides = array<i32>} : memref<800x64xf32, #tpu.memory_space<vmem>>, vector<16xf32>,
        %mul3A_1877 = arith.mulf %get3A_1876, %broadcast_in_dim3A_1850 : vector<16xf32>
        %add3A_1878 = arith.addf %add3A_1847, %mul3A_1877 : vector<16xf32>
        %slice3A_1879 = vector.extract_strided_slice %get3A_361 {offsets = [1], sizes = [1], strides = [1]} : vector<16xf32> to vector<1xf32>
        %squeeze3A_1880 = vector.extract %slice3A_1879[0] : f32 from vector<1xf32>
        %broadcast_in_dim3A_1881 = vector.broadcast %squeeze3A_1880 : f32 to vector<16xf32>
        %add3A_1882 = arith.constant 49 : i32
        %add3A_1883 = arith.addi %mul3A_343, %add3A_1882 : i32
        %get3A_1884 = arith.index_cast %add3A_1883 : i32 to index
        %get3A_1885 = arith.constant 0 : index
        %get3A_1886 = tpu.vector_load %arg8[%get3A_1884, %get3A_1885] {strides = array<i32>} : memref<800x64xf32, #tpu.memory_space<vmem>>, vector<16xf32>,
        %mul3A_1887 = arith.mulf %get3A_1886, %broadcast_in_dim3A_1881 : vector<16xf32>
        %add3A_1888 = arith.addf %add3A_1857, %mul3A_1887 : vector<16xf32>
        %add3A_1889 = arith.constant 49 : i32
        %add3A_1890 = arith.addi %mul3A_343, %add3A_1889 : i32
        %get3A_1891 = arith.index_cast %add3A_1890 : i32 to index
        %get3A_1892 = arith.constant 16 : index
        %get3A_1893 = tpu.vector_load %arg8[%get3A_1891, %get3A_1892] {strides = array<i32>} : memref<800x64xf32, #tpu.memory_space<vmem>>, vector<16xf32>,
        %mul3A_1894 = arith.mulf %get3A_1893, %broadcast_in_dim3A_1881 : vector<16xf32>
        %add3A_1895 = arith.addf %add3A_1864, %mul3A_1894 : vector<16xf32>
        %add3A_1896 = arith.constant 49 : i32
        %add3A_1897 = arith.addi %mul3A_343, %add3A_1896 : i32
        %get3A_1898 = arith.index_cast %add3A_1897 : i32 to index
        %get3A_1899 = arith.constant 32 : index
        %get3A_1900 = tpu.vector_load %arg8[%get3A_1898, %get3A_1899] {strides = array<i32>} : memref<800x64xf32, #tpu.memory_space<vmem>>, vector<16xf32>,
        %mul3A_1901 = arith.mulf %get3A_1900, %broadcast_in_dim3A_1881 : vector<16xf32>
        %add3A_1902 = arith.addf %add3A_1871, %mul3A_1901 : vector<16xf32>
        %add3A_1903 = arith.constant 49 : i32
        %add3A_1904 = arith.addi %mul3A_343, %add3A_1903 : i32
        %get3A_1905 = arith.index_cast %add3A_1904 : i32 to index
        %get3A_1906 = arith.constant 48 : index
        %get3A_1907 = tpu.vector_load %arg8[%get3A_1905, %get3A_1906] {strides = array<i32>} : memref<800x64xf32, #tpu.memory_space<vmem>>, vector<16xf32>,
        %mul3A_1908 = arith.mulf %get3A_1907, %broadcast_in_dim3A_1881 : vector<16xf32>
        %add3A_1909 = arith.addf %add3A_1878, %mul3A_1908 : vector<16xf32>
        %swap3A = arith.index_cast %scan3A_340 : i32 to index
        %swap3A_1910 = arith.constant 0 : index
        %swap3A_1911 = tpu.vector_load %arg9[%swap3A, %swap3A_1910] {strides = array<i32>} : memref<16x64xf32, #tpu.memory_space<vmem>>, vector<16xf32>,
        tpu.vector_store %arg9[%swap3A, %swap3A_1910], %add3A_1888 {strides = array<i32>} : memref<16x64xf32, #tpu.memory_space<vmem>>, vector<16xf32>,
        %swap3A_1912 = arith.index_cast %scan3A_340 : i32 to index
        %swap3A_1913 = arith.constant 16 : index
        %swap3A_1914 = tpu.vector_load %arg9[%swap3A_1912, %swap3A_1913] {strides = array<i32>} : memref<16x64xf32, #tpu.memory_space<vmem>>, vector<16xf32>,
        tpu.vector_store %arg9[%swap3A_1912, %swap3A_1913], %add3A_1895 {strides = array<i32>} : memref<16x64xf32, #tpu.memory_space<vmem>>, vector<16xf32>,
        %swap3A_1915 = arith.index_cast %scan3A_340 : i32 to index
        %swap3A_1916 = arith.constant 32 : index
        %swap3A_1917 = tpu.vector_load %arg9[%swap3A_1915, %swap3A_1916] {strides = array<i32>} : memref<16x64xf32, #tpu.memory_space<vmem>>, vector<16xf32>,
        tpu.vector_store %arg9[%swap3A_1915, %swap3A_1916], %add3A_1902 {strides = array<i32>} : memref<16x64xf32, #tpu.memory_space<vmem>>, vector<16xf32>,
        %swap3A_1918 = arith.index_cast %scan3A_340 : i32 to index
        %swap3A_1919 = arith.constant 48 : index
        %swap3A_1920 = tpu.vector_load %arg9[%swap3A_1918, %swap3A_1919] {strides = array<i32>} : memref<16x64xf32, #tpu.memory_space<vmem>>, vector<16xf32>,
        tpu.vector_store %arg9[%swap3A_1918, %swap3A_1919], %add3A_1909 {strides = array<i32>} : memref<16x64xf32, #tpu.memory_space<vmem>>, vector<16xf32>,
        %scan3A_1921 = arith.constant 0 : i32
        scf.yield %scan3A_1921 : i32
      }
      %scan3A_338 = arith.constant 16 : i32
      "tpu.region"() ({
        %run_scoped3A = tpu.sem_alloc : memref<!tpu.dma_semaphore, #tpu.memory_space<semaphore_mem>>
        %dma_start3A_340 = arith.constant 0 : i32
        %dma_start3A_341 = tpu.memref_slice %arg5[%add3A_13, %dma_start3A_340] : memref<16384x64xf32, #tpu.memory_space<hbm>> -> memref<16x64xf32, #tpu.memory_space<hbm>>
        %dma_start3A_342 = arith.constant 0 : i32
        %dma_start3A_343 = tpu.memref_slice %arg5[%add3A_13, %dma_start3A_342] : memref<16384x64xf32, #tpu.memory_space<hbm>> -> memref<16x64xf32, #tpu.memory_space<hbm>>
        tpu.enqueue_dma source(%arg9 : memref<16x64xf32, #tpu.memory_space<vmem>>) target(%dma_start3A_343 : memref<16x64xf32, #tpu.memory_space<hbm>>) target_semaphore(%run_scoped3A : memref<!tpu.dma_semaphore, #tpu.memory_space<semaphore_mem>>)
        %dma_wait3A_344 = arith.constant 0 : i32
        %dma_wait3A_345 = tpu.memref_slice %arg5[%add3A_13, %dma_wait3A_344] : memref<16384x64xf32, #tpu.memory_space<hbm>> -> memref<16x64xf32, #tpu.memory_space<hbm>>
        %dma_wait3A_346 = arith.constant 0 : i32
        %dma_wait3A_347 = tpu.memref_slice %arg5[%add3A_13, %dma_wait3A_346] : memref<16384x64xf32, #tpu.memory_space<hbm>> -> memref<16x64xf32, #tpu.memory_space<hbm>>
        tpu.wait_dma2 semaphore(%run_scoped3A : memref<!tpu.dma_semaphore, #tpu.memory_space<semaphore_mem>>) src(%arg9 : memref<16x64xf32, #tpu.memory_space<vmem>>) dst(%dma_wait3A_347 : memref<16x64xf32, #tpu.memory_space<hbm>>)
        tpu.yield
      }) : () -> ()
      %scan3A_339 = arith.constant 0 : i32
      scf.yield %scan3A_339 : i32
    }
    %scan3A_8 = arith.constant 32 : i32
    return
  }
}

#map = affine_map<(d0, d1) -> (0)>
module attributes {stable_mosaic.version = 14 : i64} {
  func.func @_sc_score_gather(%arg0: i32, %arg1: i32, %arg2: memref<100000xf32, #tpu.memory_space<hbm>>, %arg3: memref<819200xi32, #tpu.memory_space<hbm>>, %arg4: memref<819200xf32, #tpu.memory_space<hbm>>, %arg5: memref<100000xf32, #tpu.memory_space<vmem>>, %arg6: memref<6400xi32, #tpu.memory_space<vmem>>, %arg7: memref<6400xf32, #tpu.memory_space<vmem>>) attributes {dimension_semantics = [#tpu.dimension_semantics<core_parallel>, #tpu.dimension_semantics<subcore_parallel>], iteration_bounds = array<i64: 2, 16>, scalar_prefetch = 0 : i64, scratch_operands = 3 : i64, tpu.core_type = #tpu.core_type<sc_vector_subcore>, window_params = [{transform_indices = #map}, {transform_indices = #map}, {transform_indices = #map}]} {
    %mul3A = arith.constant 2 : i32
    %mul3A_0 = arith.muli %arg1, %mul3A : i32
    %add3A = arith.addi %mul3A_0, %arg0 : i32
    %mul3A_1 = arith.constant 25600 : i32
    %mul3A_2 = arith.muli %add3A, %mul3A_1 : i32
    "tpu.region"() ({
      %run_scoped3A = tpu.sem_alloc : memref<!tpu.dma_semaphore, #tpu.memory_space<semaphore_mem>>
      tpu.enqueue_dma source(%arg2 : memref<100000xf32, #tpu.memory_space<hbm>>) target(%arg5 : memref<100000xf32, #tpu.memory_space<vmem>>) target_semaphore(%run_scoped3A : memref<!tpu.dma_semaphore, #tpu.memory_space<semaphore_mem>>)
      tpu.wait_dma2 semaphore(%run_scoped3A : memref<!tpu.dma_semaphore, #tpu.memory_space<semaphore_mem>>) src(%arg2 : memref<100000xf32, #tpu.memory_space<hbm>>) dst(%arg5 : memref<100000xf32, #tpu.memory_space<vmem>>)
      tpu.yield
    }) : () -> ()
    %add3A_3 = arith.constant 0 : i32
    %add3A_4 = arith.addi %mul3A_2, %add3A_3 : i32
    "tpu.region"() ({
      %run_scoped3A = tpu.sem_alloc : memref<!tpu.dma_semaphore, #tpu.memory_space<semaphore_mem>>
      %dma_start3A = tpu.memref_slice %arg3[%add3A_4] : memref<819200xi32, #tpu.memory_space<hbm>> -> memref<6400xi32, #tpu.memory_space<hbm>>
      %dma_start3A_38 = tpu.memref_slice %arg3[%add3A_4] : memref<819200xi32, #tpu.memory_space<hbm>> -> memref<6400xi32, #tpu.memory_space<hbm>>
      tpu.enqueue_dma source(%dma_start3A_38 : memref<6400xi32, #tpu.memory_space<hbm>>) target(%arg6 : memref<6400xi32, #tpu.memory_space<vmem>>) target_semaphore(%run_scoped3A : memref<!tpu.dma_semaphore, #tpu.memory_space<semaphore_mem>>)
      %dma_wait3A = tpu.memref_slice %arg3[%add3A_4] : memref<819200xi32, #tpu.memory_space<hbm>> -> memref<6400xi32, #tpu.memory_space<hbm>>
      %dma_wait3A_39 = tpu.memref_slice %arg3[%add3A_4] : memref<819200xi32, #tpu.memory_space<hbm>> -> memref<6400xi32, #tpu.memory_space<hbm>>
      tpu.wait_dma2 semaphore(%run_scoped3A : memref<!tpu.dma_semaphore, #tpu.memory_space<semaphore_mem>>) src(%dma_wait3A_39 : memref<6400xi32, #tpu.memory_space<hbm>>) dst(%arg6 : memref<6400xi32, #tpu.memory_space<vmem>>)
      tpu.yield
    }) : () -> ()
    %scan3A = arith.constant 0 : i32
    %scan3A_5 = arith.constant 0 : i32
    %scan3A_6 = arith.constant 400 : i32
    %scan3A_7 = arith.addi %scan3A_5, %scan3A_6 : i32
    %scan3A_8 = arith.constant 1 : i32
    %scan3A_9 = scf.for %scan3A_38 = %scan3A_5 to %scan3A_7 step %scan3A_8 iter_args(%scan3A_39 = %scan3A) -> (i32)  : i32 {
      %mul3A_40 = arith.constant 16 : i32
      %mul3A_41 = arith.muli %scan3A_38, %mul3A_40 : i32
      %get3A = arith.index_cast %mul3A_41 : i32 to index
      %get3A_42 = tpu.vector_load %arg6[%get3A] {strides = array<i32>} : memref<6400xi32, #tpu.memory_space<vmem>>, vector<16xi32>,
      %gather3A = tpu.vector_load_idx %arg5[%get3A_42] : memref<100000xf32, #tpu.memory_space<vmem>>[vector<16xi32>], vector<16xf32>,
      %mul3A_43 = arith.constant 16 : i32
      %mul3A_44 = arith.muli %scan3A_38, %mul3A_43 : i32
      %swap3A = arith.index_cast %mul3A_44 : i32 to index
      %swap3A_45 = tpu.vector_load %arg7[%swap3A] {strides = array<i32>} : memref<6400xf32, #tpu.memory_space<vmem>>, vector<16xf32>,
      tpu.vector_store %arg7[%swap3A], %gather3A {strides = array<i32>} : memref<6400xf32, #tpu.memory_space<vmem>>, vector<16xf32>,
      %scan3A_46 = arith.constant 0 : i32
      scf.yield %scan3A_46 : i32
    }
    %scan3A_10 = arith.constant 400 : i32
    "tpu.region"() ({
      %run_scoped3A = tpu.sem_alloc : memref<!tpu.dma_semaphore, #tpu.memory_space<semaphore_mem>>
      %dma_start3A = tpu.memref_slice %arg4[%add3A_4] : memref<819200xf32, #tpu.memory_space<hbm>> -> memref<6400xf32, #tpu.memory_space<hbm>>
      %dma_start3A_38 = tpu.memref_slice %arg4[%add3A_4] : memref<819200xf32, #tpu.memory_space<hbm>> -> memref<6400xf32, #tpu.memory_space<hbm>>
      tpu.enqueue_dma source(%arg7 : memref<6400xf32, #tpu.memory_space<vmem>>) target(%dma_start3A_38 : memref<6400xf32, #tpu.memory_space<hbm>>) target_semaphore(%run_scoped3A : memref<!tpu.dma_semaphore, #tpu.memory_space<semaphore_mem>>)
      %dma_wait3A = tpu.memref_slice %arg4[%add3A_4] : memref<819200xf32, #tpu.memory_space<hbm>> -> memref<6400xf32, #tpu.memory_space<hbm>>
      %dma_wait3A_39 = tpu.memref_slice %arg4[%add3A_4] : memref<819200xf32, #tpu.memory_space<hbm>> -> memref<6400xf32, #tpu.memory_space<hbm>>
      tpu.wait_dma2 semaphore(%run_scoped3A : memref<!tpu.dma_semaphore, #tpu.memory_space<semaphore_mem>>) src(%arg7 : memref<6400xf32, #tpu.memory_space<vmem>>) dst(%dma_wait3A_39 : memref<6400xf32, #tpu.memory_space<hbm>>)
      tpu.yield
    }) : () -> ()
    %add3A_11 = arith.constant 6400 : i32
    %add3A_12 = arith.addi %mul3A_2, %add3A_11 : i32
    "tpu.region"() ({
      %run_scoped3A = tpu.sem_alloc : memref<!tpu.dma_semaphore, #tpu.memory_space<semaphore_mem>>
      %dma_start3A = tpu.memref_slice %arg3[%add3A_12] : memref<819200xi32, #tpu.memory_space<hbm>> -> memref<6400xi32, #tpu.memory_space<hbm>>
      %dma_start3A_38 = tpu.memref_slice %arg3[%add3A_12] : memref<819200xi32, #tpu.memory_space<hbm>> -> memref<6400xi32, #tpu.memory_space<hbm>>
      tpu.enqueue_dma source(%dma_start3A_38 : memref<6400xi32, #tpu.memory_space<hbm>>) target(%arg6 : memref<6400xi32, #tpu.memory_space<vmem>>) target_semaphore(%run_scoped3A : memref<!tpu.dma_semaphore, #tpu.memory_space<semaphore_mem>>)
      %dma_wait3A = tpu.memref_slice %arg3[%add3A_12] : memref<819200xi32, #tpu.memory_space<hbm>> -> memref<6400xi32, #tpu.memory_space<hbm>>
      %dma_wait3A_39 = tpu.memref_slice %arg3[%add3A_12] : memref<819200xi32, #tpu.memory_space<hbm>> -> memref<6400xi32, #tpu.memory_space<hbm>>
      tpu.wait_dma2 semaphore(%run_scoped3A : memref<!tpu.dma_semaphore, #tpu.memory_space<semaphore_mem>>) src(%dma_wait3A_39 : memref<6400xi32, #tpu.memory_space<hbm>>) dst(%arg6 : memref<6400xi32, #tpu.memory_space<vmem>>)
      tpu.yield
    }) : () -> ()
    %scan3A_13 = arith.constant 0 : i32
    %scan3A_14 = arith.constant 0 : i32
    %scan3A_15 = arith.constant 400 : i32
    %scan3A_16 = arith.addi %scan3A_14, %scan3A_15 : i32
    %scan3A_17 = arith.constant 1 : i32
    %scan3A_18 = scf.for %scan3A_38 = %scan3A_14 to %scan3A_16 step %scan3A_17 iter_args(%scan3A_39 = %scan3A_13) -> (i32)  : i32 {
      %mul3A_40 = arith.constant 16 : i32
      %mul3A_41 = arith.muli %scan3A_38, %mul3A_40 : i32
      %get3A = arith.index_cast %mul3A_41 : i32 to index
      %get3A_42 = tpu.vector_load %arg6[%get3A] {strides = array<i32>} : memref<6400xi32, #tpu.memory_space<vmem>>, vector<16xi32>,
      %gather3A = tpu.vector_load_idx %arg5[%get3A_42] : memref<100000xf32, #tpu.memory_space<vmem>>[vector<16xi32>], vector<16xf32>,
      %mul3A_43 = arith.constant 16 : i32
      %mul3A_44 = arith.muli %scan3A_38, %mul3A_43 : i32
      %swap3A = arith.index_cast %mul3A_44 : i32 to index
      %swap3A_45 = tpu.vector_load %arg7[%swap3A] {strides = array<i32>} : memref<6400xf32, #tpu.memory_space<vmem>>, vector<16xf32>,
      tpu.vector_store %arg7[%swap3A], %gather3A {strides = array<i32>} : memref<6400xf32, #tpu.memory_space<vmem>>, vector<16xf32>,
      %scan3A_46 = arith.constant 0 : i32
      scf.yield %scan3A_46 : i32
    }
    %scan3A_19 = arith.constant 400 : i32
    "tpu.region"() ({
      %run_scoped3A = tpu.sem_alloc : memref<!tpu.dma_semaphore, #tpu.memory_space<semaphore_mem>>
      %dma_start3A = tpu.memref_slice %arg4[%add3A_12] : memref<819200xf32, #tpu.memory_space<hbm>> -> memref<6400xf32, #tpu.memory_space<hbm>>
      %dma_start3A_38 = tpu.memref_slice %arg4[%add3A_12] : memref<819200xf32, #tpu.memory_space<hbm>> -> memref<6400xf32, #tpu.memory_space<hbm>>
      tpu.enqueue_dma source(%arg7 : memref<6400xf32, #tpu.memory_space<vmem>>) target(%dma_start3A_38 : memref<6400xf32, #tpu.memory_space<hbm>>) target_semaphore(%run_scoped3A : memref<!tpu.dma_semaphore, #tpu.memory_space<semaphore_mem>>)
      %dma_wait3A = tpu.memref_slice %arg4[%add3A_12] : memref<819200xf32, #tpu.memory_space<hbm>> -> memref<6400xf32, #tpu.memory_space<hbm>>
      %dma_wait3A_39 = tpu.memref_slice %arg4[%add3A_12] : memref<819200xf32, #tpu.memory_space<hbm>> -> memref<6400xf32, #tpu.memory_space<hbm>>
      tpu.wait_dma2 semaphore(%run_scoped3A : memref<!tpu.dma_semaphore, #tpu.memory_space<semaphore_mem>>) src(%arg7 : memref<6400xf32, #tpu.memory_space<vmem>>) dst(%dma_wait3A_39 : memref<6400xf32, #tpu.memory_space<hbm>>)
      tpu.yield
    }) : () -> ()
    %add3A_20 = arith.constant 12800 : i32
    %add3A_21 = arith.addi %mul3A_2, %add3A_20 : i32
    "tpu.region"() ({
      %run_scoped3A = tpu.sem_alloc : memref<!tpu.dma_semaphore, #tpu.memory_space<semaphore_mem>>
      %dma_start3A = tpu.memref_slice %arg3[%add3A_21] : memref<819200xi32, #tpu.memory_space<hbm>> -> memref<6400xi32, #tpu.memory_space<hbm>>
      %dma_start3A_38 = tpu.memref_slice %arg3[%add3A_21] : memref<819200xi32, #tpu.memory_space<hbm>> -> memref<6400xi32, #tpu.memory_space<hbm>>
      tpu.enqueue_dma source(%dma_start3A_38 : memref<6400xi32, #tpu.memory_space<hbm>>) target(%arg6 : memref<6400xi32, #tpu.memory_space<vmem>>) target_semaphore(%run_scoped3A : memref<!tpu.dma_semaphore, #tpu.memory_space<semaphore_mem>>)
      %dma_wait3A = tpu.memref_slice %arg3[%add3A_21] : memref<819200xi32, #tpu.memory_space<hbm>> -> memref<6400xi32, #tpu.memory_space<hbm>>
      %dma_wait3A_39 = tpu.memref_slice %arg3[%add3A_21] : memref<819200xi32, #tpu.memory_space<hbm>> -> memref<6400xi32, #tpu.memory_space<hbm>>
      tpu.wait_dma2 semaphore(%run_scoped3A : memref<!tpu.dma_semaphore, #tpu.memory_space<semaphore_mem>>) src(%dma_wait3A_39 : memref<6400xi32, #tpu.memory_space<hbm>>) dst(%arg6 : memref<6400xi32, #tpu.memory_space<vmem>>)
      tpu.yield
    }) : () -> ()
    %scan3A_22 = arith.constant 0 : i32
    %scan3A_23 = arith.constant 0 : i32
    %scan3A_24 = arith.constant 400 : i32
    %scan3A_25 = arith.addi %scan3A_23, %scan3A_24 : i32
    %scan3A_26 = arith.constant 1 : i32
    %scan3A_27 = scf.for %scan3A_38 = %scan3A_23 to %scan3A_25 step %scan3A_26 iter_args(%scan3A_39 = %scan3A_22) -> (i32)  : i32 {
      %mul3A_40 = arith.constant 16 : i32
      %mul3A_41 = arith.muli %scan3A_38, %mul3A_40 : i32
      %get3A = arith.index_cast %mul3A_41 : i32 to index
      %get3A_42 = tpu.vector_load %arg6[%get3A] {strides = array<i32>} : memref<6400xi32, #tpu.memory_space<vmem>>, vector<16xi32>,
      %gather3A = tpu.vector_load_idx %arg5[%get3A_42] : memref<100000xf32, #tpu.memory_space<vmem>>[vector<16xi32>], vector<16xf32>,
      %mul3A_43 = arith.constant 16 : i32
      %mul3A_44 = arith.muli %scan3A_38, %mul3A_43 : i32
      %swap3A = arith.index_cast %mul3A_44 : i32 to index
      %swap3A_45 = tpu.vector_load %arg7[%swap3A] {strides = array<i32>} : memref<6400xf32, #tpu.memory_space<vmem>>, vector<16xf32>,
      tpu.vector_store %arg7[%swap3A], %gather3A {strides = array<i32>} : memref<6400xf32, #tpu.memory_space<vmem>>, vector<16xf32>,
      %scan3A_46 = arith.constant 0 : i32
      scf.yield %scan3A_46 : i32
    }
    %scan3A_28 = arith.constant 400 : i32
    "tpu.region"() ({
      %run_scoped3A = tpu.sem_alloc : memref<!tpu.dma_semaphore, #tpu.memory_space<semaphore_mem>>
      %dma_start3A = tpu.memref_slice %arg4[%add3A_21] : memref<819200xf32, #tpu.memory_space<hbm>> -> memref<6400xf32, #tpu.memory_space<hbm>>
      %dma_start3A_38 = tpu.memref_slice %arg4[%add3A_21] : memref<819200xf32, #tpu.memory_space<hbm>> -> memref<6400xf32, #tpu.memory_space<hbm>>
      tpu.enqueue_dma source(%arg7 : memref<6400xf32, #tpu.memory_space<vmem>>) target(%dma_start3A_38 : memref<6400xf32, #tpu.memory_space<hbm>>) target_semaphore(%run_scoped3A : memref<!tpu.dma_semaphore, #tpu.memory_space<semaphore_mem>>)
      %dma_wait3A = tpu.memref_slice %arg4[%add3A_21] : memref<819200xf32, #tpu.memory_space<hbm>> -> memref<6400xf32, #tpu.memory_space<hbm>>
      %dma_wait3A_39 = tpu.memref_slice %arg4[%add3A_21] : memref<819200xf32, #tpu.memory_space<hbm>> -> memref<6400xf32, #tpu.memory_space<hbm>>
      tpu.wait_dma2 semaphore(%run_scoped3A : memref<!tpu.dma_semaphore, #tpu.memory_space<semaphore_mem>>) src(%arg7 : memref<6400xf32, #tpu.memory_space<vmem>>) dst(%dma_wait3A_39 : memref<6400xf32, #tpu.memory_space<hbm>>)
      tpu.yield
    }) : () -> ()
    %add3A_29 = arith.constant 19200 : i32
    %add3A_30 = arith.addi %mul3A_2, %add3A_29 : i32
    "tpu.region"() ({
      %run_scoped3A = tpu.sem_alloc : memref<!tpu.dma_semaphore, #tpu.memory_space<semaphore_mem>>
      %dma_start3A = tpu.memref_slice %arg3[%add3A_30] : memref<819200xi32, #tpu.memory_space<hbm>> -> memref<6400xi32, #tpu.memory_space<hbm>>
      %dma_start3A_38 = tpu.memref_slice %arg3[%add3A_30] : memref<819200xi32, #tpu.memory_space<hbm>> -> memref<6400xi32, #tpu.memory_space<hbm>>
      tpu.enqueue_dma source(%dma_start3A_38 : memref<6400xi32, #tpu.memory_space<hbm>>) target(%arg6 : memref<6400xi32, #tpu.memory_space<vmem>>) target_semaphore(%run_scoped3A : memref<!tpu.dma_semaphore, #tpu.memory_space<semaphore_mem>>)
      %dma_wait3A = tpu.memref_slice %arg3[%add3A_30] : memref<819200xi32, #tpu.memory_space<hbm>> -> memref<6400xi32, #tpu.memory_space<hbm>>
      %dma_wait3A_39 = tpu.memref_slice %arg3[%add3A_30] : memref<819200xi32, #tpu.memory_space<hbm>> -> memref<6400xi32, #tpu.memory_space<hbm>>
      tpu.wait_dma2 semaphore(%run_scoped3A : memref<!tpu.dma_semaphore, #tpu.memory_space<semaphore_mem>>) src(%dma_wait3A_39 : memref<6400xi32, #tpu.memory_space<hbm>>) dst(%arg6 : memref<6400xi32, #tpu.memory_space<vmem>>)
      tpu.yield
    }) : () -> ()
    %scan3A_31 = arith.constant 0 : i32
    %scan3A_32 = arith.constant 0 : i32
    %scan3A_33 = arith.constant 400 : i32
    %scan3A_34 = arith.addi %scan3A_32, %scan3A_33 : i32
    %scan3A_35 = arith.constant 1 : i32
    %scan3A_36 = scf.for %scan3A_38 = %scan3A_32 to %scan3A_34 step %scan3A_35 iter_args(%scan3A_39 = %scan3A_31) -> (i32)  : i32 {
      %mul3A_40 = arith.constant 16 : i32
      %mul3A_41 = arith.muli %scan3A_38, %mul3A_40 : i32
      %get3A = arith.index_cast %mul3A_41 : i32 to index
      %get3A_42 = tpu.vector_load %arg6[%get3A] {strides = array<i32>} : memref<6400xi32, #tpu.memory_space<vmem>>, vector<16xi32>,
      %gather3A = tpu.vector_load_idx %arg5[%get3A_42] : memref<100000xf32, #tpu.memory_space<vmem>>[vector<16xi32>], vector<16xf32>,
      %mul3A_43 = arith.constant 16 : i32
      %mul3A_44 = arith.muli %scan3A_38, %mul3A_43 : i32
      %swap3A = arith.index_cast %mul3A_44 : i32 to index
      %swap3A_45 = tpu.vector_load %arg7[%swap3A] {strides = array<i32>} : memref<6400xf32, #tpu.memory_space<vmem>>, vector<16xf32>,
      tpu.vector_store %arg7[%swap3A], %gather3A {strides = array<i32>} : memref<6400xf32, #tpu.memory_space<vmem>>, vector<16xf32>,
      %scan3A_46 = arith.constant 0 : i32
      scf.yield %scan3A_46 : i32
    }
    %scan3A_37 = arith.constant 400 : i32
    "tpu.region"() ({
      %run_scoped3A = tpu.sem_alloc : memref<!tpu.dma_semaphore, #tpu.memory_space<semaphore_mem>>
      %dma_start3A = tpu.memref_slice %arg4[%add3A_30] : memref<819200xf32, #tpu.memory_space<hbm>> -> memref<6400xf32, #tpu.memory_space<hbm>>
      %dma_start3A_38 = tpu.memref_slice %arg4[%add3A_30] : memref<819200xf32, #tpu.memory_space<hbm>> -> memref<6400xf32, #tpu.memory_space<hbm>>
      tpu.enqueue_dma source(%arg7 : memref<6400xf32, #tpu.memory_space<vmem>>) target(%dma_start3A_38 : memref<6400xf32, #tpu.memory_space<hbm>>) target_semaphore(%run_scoped3A : memref<!tpu.dma_semaphore, #tpu.memory_space<semaphore_mem>>)
      %dma_wait3A = tpu.memref_slice %arg4[%add3A_30] : memref<819200xf32, #tpu.memory_space<hbm>> -> memref<6400xf32, #tpu.memory_space<hbm>>
      %dma_wait3A_39 = tpu.memref_slice %arg4[%add3A_30] : memref<819200xf32, #tpu.memory_space<hbm>> -> memref<6400xf32, #tpu.memory_space<hbm>>
      tpu.wait_dma2 semaphore(%run_scoped3A : memref<!tpu.dma_semaphore, #tpu.memory_space<semaphore_mem>>) src(%arg7 : memref<6400xf32, #tpu.memory_space<vmem>>) dst(%dma_wait3A_39 : memref<6400xf32, #tpu.memory_space<hbm>>)
      tpu.yield
    }) : () -> ()
    return
  }
}

module attributes {stable_mosaic.version = 14 : i64} {
  func.func @_tc_scores_body(%arg0: i32, %arg1: memref<4000x64xf32, #tpu.memory_space<vmem>>, %arg2: memref<1x64xf32, #tpu.memory_space<vmem>>, %arg3: memref<25x4000xf32, #tpu.memory_space<vmem>>) attributes {dimension_semantics = [#tpu.dimension_semantics<arbitrary>], iteration_bounds = array<i64: 25>, scalar_prefetch = 0 : i64, scratch_operands = 0 : i64, tpu.core_type = #tpu.core_type<tc>, window_params = [{transform_indices = @transform_0, window_bounds = array<i64: 4000, 64>}, {pipeline_mode = #tpu.pipeline_mode<synchronous>, transform_indices = @transform_1, window_bounds = array<i64: 1, 64>}, {pipeline_mode = #tpu.pipeline_mode<synchronous>, transform_indices = @transform_2, window_bounds = array<i64: 25, 4000>}]} {
    %get3A = arith.constant 0 : index
    %get3A_0 = arith.constant 0 : index
    %get3A_1 = vector.load %arg1[%get3A, %get3A_0] : memref<4000x64xf32, #tpu.memory_space<vmem>>, vector<4000x64xf32>
    %get3A_2 = arith.constant 0 : index
    %get3A_3 = arith.constant 0 : index
    %get3A_4 = vector.load %arg2[%get3A_2, %get3A_3] : memref<1x64xf32, #tpu.memory_space<vmem>>, vector<1x64xf32>
    %mul3A = vector.broadcast %get3A_4 : vector<1x64xf32> to vector<4000x64xf32>
    %mul3A_5 = arith.mulf %get3A_1, %mul3A : vector<4000x64xf32>
    %reduce_sum3A = arith.constant dense<0.000000e+00> : vector<4000xf32>
    %reduce_sum3A_6 = vector.multi_reduction <add>, %mul3A_5, %reduce_sum3A [1] : vector<4000x64xf32> to vector<4000xf32>
    %reshape3A = vector.shape_cast %reduce_sum3A_6 : vector<4000xf32> to vector<1x4000xf32>
    %swap3A = arith.index_cast %arg0 : i32 to index
    %swap3A_7 = arith.constant 0 : index
    %swap3A_8 = vector.load %arg3[%swap3A, %swap3A_7] : memref<25x4000xf32, #tpu.memory_space<vmem>>, vector<1x4000xf32>
    tpu.vector_store %arg3[%swap3A, %swap3A_7], %reshape3A {strides = array<i32>} : memref<25x4000xf32, #tpu.memory_space<vmem>>, vector<1x4000xf32>,
    return
  }
  func.func @transform_0(%arg0: i32) -> (i32, i32) {
    %c0_i32 = arith.constant 0 : i32
    %c0_i32_0 = arith.constant 0 : i32
    return %arg0, %c0_i32 : i32, i32
  }
  func.func @transform_1(%arg0: i32) -> (i32, i32) {
    %c0_i32 = arith.constant 0 : i32
    %c0_i32_0 = arith.constant 0 : i32
    %c0_i32_1 = arith.constant 0 : i32
    return %c0_i32, %c0_i32_0 : i32, i32
  }
  func.func @transform_2(%arg0: i32) -> (i32, i32) {
    %c0_i32 = arith.constant 0 : i32
    %c0_i32_0 = arith.constant 0 : i32
    %c0_i32_1 = arith.constant 0 : i32
    return %c0_i32, %c0_i32_0 : i32, i32
  }
}

module attributes {stable_mosaic.version = 14 : i64} {
  func.func @_tc_mid_body(%arg0: i32, %arg1: memref<2048x50xf32, #tpu.memory_space<vmem>>, %arg2: memref<64x64xf32, #tpu.memory_space<vmem>>, %arg3: memref<1x64xf32, #tpu.memory_space<vmem>>, %arg4: memref<2048x64xf32, #tpu.memory_space<vmem>>, %arg5: memref<2048x64xf32, #tpu.memory_space<vmem>>) attributes {dimension_semantics = [#tpu.dimension_semantics<arbitrary>], iteration_bounds = array<i64: 8>, scalar_prefetch = 0 : i64, scratch_operands = 0 : i64, tpu.core_type = #tpu.core_type<tc>, window_params = [{transform_indices = @transform_0, window_bounds = array<i64: 2048, 50>}, {pipeline_mode = #tpu.pipeline_mode<synchronous>, transform_indices = @transform_1, window_bounds = array<i64: 64, 64>}, {pipeline_mode = #tpu.pipeline_mode<synchronous>, transform_indices = @transform_2, window_bounds = array<i64: 1, 64>}, {transform_indices = @transform_3, window_bounds = array<i64: 2048, 64>}, {transform_indices = @transform_4, window_bounds = array<i64: 2048, 64>}]} {
    %get3A = arith.constant 0 : index
    %get3A_0 = arith.constant 0 : index
    %get3A_1 = vector.load %arg2[%get3A, %get3A_0] : memref<64x64xf32, #tpu.memory_space<vmem>>, vector<50x64xf32>
    %get3A_2 = arith.constant 0 : index
    %get3A_3 = arith.constant 0 : index
    %get3A_4 = vector.load %arg3[%get3A_2, %get3A_3] : memref<1x64xf32, #tpu.memory_space<vmem>>, vector<1x64xf32>
    %mul3A = vector.broadcast %get3A_4 : vector<1x64xf32> to vector<50x64xf32>
    %mul3A_5 = arith.mulf %get3A_1, %mul3A : vector<50x64xf32>
    %reduce_sum3A = arith.constant dense<0.000000e+00> : vector<50xf32>
    %reduce_sum3A_6 = vector.multi_reduction <add>, %mul3A_5, %reduce_sum3A [1] : vector<50x64xf32> to vector<50xf32>
    %get3A_7 = arith.constant 0 : index
    %get3A_8 = arith.constant 0 : index
    %get3A_9 = vector.load %arg1[%get3A_7, %get3A_8] : memref<2048x50xf32, #tpu.memory_space<vmem>>, vector<2048x50xf32>
    %broadcast_in_dim3A = vector.shape_cast %reduce_sum3A_6 : vector<50xf32> to vector<1x50xf32>
    %add3A = vector.broadcast %broadcast_in_dim3A : vector<1x50xf32> to vector<2048x50xf32>
    %add3A_10 = arith.addf %get3A_9, %add3A : vector<2048x50xf32>
    %reduce_max3A = arith.constant dense<0xFF800000> : vector<2048xf32>
    %reduce_max3A_11 = vector.multi_reduction <maximumf>, %add3A_10, %reduce_max3A [1] : vector<2048x50xf32> to vector<2048xf32>
    %broadcast_in_dim3A_12 = vector.shape_cast %reduce_max3A_11 : vector<2048xf32> to vector<2048x1xf32>
    %sub3A = vector.broadcast %broadcast_in_dim3A_12 : vector<2048x1xf32> to vector<2048x50xf32>
    %sub3A_13 = arith.subf %add3A_10, %sub3A : vector<2048x50xf32>
    %exp3A = math.exp %sub3A_13 : vector<2048x50xf32>
    %reduce_sum3A_14 = arith.constant dense<0.000000e+00> : vector<2048xf32>
    %reduce_sum3A_15 = vector.multi_reduction <add>, %exp3A, %reduce_sum3A_14 [1] : vector<2048x50xf32> to vector<2048xf32>
    %broadcast_in_dim3A_16 = vector.shape_cast %reduce_sum3A_15 : vector<2048xf32> to vector<2048x1xf32>
    %div3A = vector.broadcast %broadcast_in_dim3A_16 : vector<2048x1xf32> to vector<2048x50xf32>
    %div3A_17 = arith.divf %exp3A, %div3A : vector<2048x50xf32>
    %broadcast_in_dim3A_18 = arith.constant 0.000000e+00 : f32
    %broadcast_in_dim3A_19 = vector.broadcast %broadcast_in_dim3A_18 : f32 to vector<2048x14xf32>
    %concatenate3A = tpu.concatenate %div3A_17, %broadcast_in_dim3A_19 in 1 : vector<2048x50xf32>, vector<2048x14xf32> -> vector<2048x64xf32>
    %swap3A = arith.constant 0 : index
    %swap3A_20 = arith.constant 0 : index
    %swap3A_21 = vector.load %arg4[%swap3A, %swap3A_20] : memref<2048x64xf32, #tpu.memory_space<vmem>>, vector<2048x64xf32>
    tpu.vector_store %arg4[%swap3A, %swap3A_20], %concatenate3A {strides = array<i32>} : memref<2048x64xf32, #tpu.memory_space<vmem>>, vector<2048x64xf32>,
    %dot_general3A = arith.constant dense<0.000000e+00> : vector<2048x64xf32>
    %dot_general3A_22 = tpu.matmul %div3A_17, %get3A_1, %dot_general3A {dimension_numbers = #tpu.dot_dimension_numbers<[1], [0], [0], [1], [0, 0, 1, 1], [], []>, transpose_lhs_hint = false} : vector<2048x50xf32>, vector<50x64xf32>, vector<2048x64xf32> -> vector<2048x64xf32>
    %swap3A_23 = arith.constant 0 : index
    %swap3A_24 = arith.constant 0 : index
    %swap3A_25 = vector.load %arg5[%swap3A_23, %swap3A_24] : memref<2048x64xf32, #tpu.memory_space<vmem>>, vector<2048x64xf32>
    tpu.vector_store %arg5[%swap3A_23, %swap3A_24], %dot_general3A_22 {strides = array<i32>} : memref<2048x64xf32, #tpu.memory_space<vmem>>, vector<2048x64xf32>,
    return
  }
  func.func @transform_0(%arg0: i32) -> (i32, i32) {
    %c0_i32 = arith.constant 0 : i32
    %c0_i32_0 = arith.constant 0 : i32
    return %arg0, %c0_i32 : i32, i32
  }
  func.func @transform_1(%arg0: i32) -> (i32, i32) {
    %c0_i32 = arith.constant 0 : i32
    %c0_i32_0 = arith.constant 0 : i32
    %c0_i32_1 = arith.constant 0 : i32
    return %c0_i32, %c0_i32_0 : i32, i32
  }
  func.func @transform_2(%arg0: i32) -> (i32, i32) {
    %c0_i32 = arith.constant 0 : i32
    %c0_i32_0 = arith.constant 0 : i32
    %c0_i32_1 = arith.constant 0 : i32
    return %c0_i32, %c0_i32_0 : i32, i32
  }
  func.func @transform_3(%arg0: i32) -> (i32, i32) {
    %c0_i32 = arith.constant 0 : i32
    %c0_i32_0 = arith.constant 0 : i32
    return %arg0, %c0_i32 : i32, i32
  }
  func.func @transform_4(%arg0: i32) -> (i32, i32) {
    %c0_i32 = arith.constant 0 : i32
    %c0_i32_0 = arith.constant 0 : i32
    return %arg0, %c0_i32 : i32, i32
  }
}

module attributes {stable_mosaic.version = 14 : i64} {
  func.func @_tc_final_body(%arg0: i32, %arg1: memref<2048x64xf32, #tpu.memory_space<vmem>>, %arg2: memref<2048x64xf32, #tpu.memory_space<vmem>>, %arg3: memref<64x128xf32, #tpu.memory_space<vmem>>, %arg4: memref<1x128xf32, #tpu.memory_space<vmem>>, %arg5: memref<1x128xf32, #tpu.memory_space<vmem>>, %arg6: memref<1x128xf32, #tpu.memory_space<vmem>>, %arg7: memref<128x128xf32, #tpu.memory_space<vmem>>, %arg8: memref<1x128xf32, #tpu.memory_space<vmem>>, %arg9: memref<2048x128xf32, #tpu.memory_space<vmem>>) attributes {dimension_semantics = [#tpu.dimension_semantics<arbitrary>], iteration_bounds = array<i64: 8>, scalar_prefetch = 0 : i64, scratch_operands = 0 : i64, tpu.core_type = #tpu.core_type<tc>, window_params = [{transform_indices = @transform_0, window_bounds = array<i64: 2048, 64>}, {transform_indices = @transform_1, window_bounds = array<i64: 2048, 64>}, {pipeline_mode = #tpu.pipeline_mode<synchronous>, transform_indices = @transform_2, window_bounds = array<i64: 64, 128>}, {pipeline_mode = #tpu.pipeline_mode<synchronous>, transform_indices = @transform_3, window_bounds = array<i64: 1, 128>}, {pipeline_mode = #tpu.pipeline_mode<synchronous>, transform_indices = @transform_4, window_bounds = array<i64: 1, 128>}, {pipeline_mode = #tpu.pipeline_mode<synchronous>, transform_indices = @transform_5, window_bounds = array<i64: 1, 128>}, {pipeline_mode = #tpu.pipeline_mode<synchronous>, transform_indices = @transform_6, window_bounds = array<i64: 128, 128>}, {pipeline_mode = #tpu.pipeline_mode<synchronous>, transform_indices = @transform_7, window_bounds = array<i64: 1, 128>}, {transform_indices = @transform_8, window_bounds = array<i64: 2048, 128>}]} {
    %get3A = arith.constant 0 : index
    %get3A_0 = arith.constant 0 : index
    %get3A_1 = vector.load %arg1[%get3A, %get3A_0] : memref<2048x64xf32, #tpu.memory_space<vmem>>, vector<2048x64xf32>
    %get3A_2 = arith.constant 0 : index
    %get3A_3 = arith.constant 0 : index
    %get3A_4 = vector.load %arg2[%get3A_2, %get3A_3] : memref<2048x64xf32, #tpu.memory_space<vmem>>, vector<2048x64xf32>
    %add3A = arith.addf %get3A_1, %get3A_4 : vector<2048x64xf32>
    %get3A_5 = arith.constant 0 : index
    %get3A_6 = arith.constant 0 : index
    %get3A_7 = vector.load %arg3[%get3A_5, %get3A_6] : memref<64x128xf32, #tpu.memory_space<vmem>>, vector<64x128xf32>
    %dot_general3A = arith.constant dense<0.000000e+00> : vector<2048x128xf32>
    %dot_general3A_8 = tpu.matmul %add3A, %get3A_7, %dot_general3A {dimension_numbers = #tpu.dot_dimension_numbers<[1], [0], [0], [1], [0, 0, 1, 1], [], []>, transpose_lhs_hint = false} : vector<2048x64xf32>, vector<64x128xf32>, vector<2048x128xf32> -> vector<2048x128xf32>
    %get3A_9 = arith.constant 0 : index
    %get3A_10 = arith.constant 0 : index
    %get3A_11 = vector.load %arg4[%get3A_9, %get3A_10] : memref<1x128xf32, #tpu.memory_space<vmem>>, vector<1x128xf32>
    %add3A_12 = vector.broadcast %get3A_11 : vector<1x128xf32> to vector<2048x128xf32>
    %add3A_13 = arith.addf %dot_general3A_8, %add3A_12 : vector<2048x128xf32>
    %reduce_sum3A = arith.constant dense<0.000000e+00> : vector<2048xf32>
    %reduce_sum3A_14 = vector.multi_reduction <add>, %add3A_13, %reduce_sum3A [1] : vector<2048x128xf32> to vector<2048xf32>
    %broadcast_in_dim3A = vector.shape_cast %reduce_sum3A_14 : vector<2048xf32> to vector<2048x1xf32>
    %div3A = arith.constant 1.280000e+02 : f32
    %div3A_15 = vector.broadcast %div3A : f32 to vector<2048x1xf32>
    %div3A_16 = arith.divf %broadcast_in_dim3A, %div3A_15 : vector<2048x1xf32>
    %sub3A = vector.broadcast %div3A_16 : vector<2048x1xf32> to vector<2048x128xf32>
    %sub3A_17 = arith.subf %add3A_13, %sub3A : vector<2048x128xf32>
    %mul3A = arith.mulf %sub3A_17, %sub3A_17 : vector<2048x128xf32>
    %reduce_sum3A_18 = arith.constant dense<0.000000e+00> : vector<2048xf32>
    %reduce_sum3A_19 = vector.multi_reduction <add>, %mul3A, %reduce_sum3A_18 [1] : vector<2048x128xf32> to vector<2048xf32>
    %broadcast_in_dim3A_20 = vector.shape_cast %reduce_sum3A_19 : vector<2048xf32> to vector<2048x1xf32>
    %div3A_21 = arith.constant 1.280000e+02 : f32
    %div3A_22 = vector.broadcast %div3A_21 : f32 to vector<2048x1xf32>
    %div3A_23 = arith.divf %broadcast_in_dim3A_20, %div3A_22 : vector<2048x1xf32>
    %add3A_24 = arith.constant 9.99999997E-7 : f32
    %add3A_25 = vector.broadcast %add3A_24 : f32 to vector<2048x1xf32>
    %add3A_26 = arith.addf %div3A_23, %add3A_25 : vector<2048x1xf32>
    %sqrt3A = math.sqrt %add3A_26 : vector<2048x1xf32>
    %div3A_27 = vector.broadcast %sqrt3A : vector<2048x1xf32> to vector<2048x128xf32>
    %div3A_28 = arith.divf %sub3A_17, %div3A_27 : vector<2048x128xf32>
    %get3A_29 = arith.constant 0 : index
    %get3A_30 = arith.constant 0 : index
    %get3A_31 = vector.load %arg5[%get3A_29, %get3A_30] : memref<1x128xf32, #tpu.memory_space<vmem>>, vector<1x128xf32>
    %mul3A_32 = vector.broadcast %get3A_31 : vector<1x128xf32> to vector<2048x128xf32>
    %mul3A_33 = arith.mulf %div3A_28, %mul3A_32 : vector<2048x128xf32>
    %get3A_34 = arith.constant 0 : index
    %get3A_35 = arith.constant 0 : index
    %get3A_36 = vector.load %arg6[%get3A_34, %get3A_35] : memref<1x128xf32, #tpu.memory_space<vmem>>, vector<1x128xf32>
    %add3A_37 = vector.broadcast %get3A_36 : vector<1x128xf32> to vector<2048x128xf32>
    %add3A_38 = arith.addf %mul3A_33, %add3A_37 : vector<2048x128xf32>
    %integer_pow3A = arith.mulf %add3A_38, %add3A_38 : vector<2048x128xf32>
    %integer_pow3A_39 = arith.mulf %add3A_38, %integer_pow3A : vector<2048x128xf32>
    %mul3A_40 = arith.constant 4.471500e-02 : f32
    %mul3A_41 = vector.broadcast %mul3A_40 : f32 to vector<2048x128xf32>
    %mul3A_42 = arith.mulf %mul3A_41, %integer_pow3A_39 : vector<2048x128xf32>
    %add3A_43 = arith.addf %add3A_38, %mul3A_42 : vector<2048x128xf32>
    %mul3A_44 = arith.constant 0.797884583 : f32
    %mul3A_45 = vector.broadcast %mul3A_44 : f32 to vector<2048x128xf32>
    %mul3A_46 = arith.mulf %mul3A_45, %add3A_43 : vector<2048x128xf32>
    %tanh3A = math.tanh %mul3A_46 : vector<2048x128xf32>
    %add3A_47 = arith.constant 1.000000e+00 : f32
    %add3A_48 = vector.broadcast %add3A_47 : f32 to vector<2048x128xf32>
    %add3A_49 = arith.addf %add3A_48, %tanh3A : vector<2048x128xf32>
    %mul3A_50 = arith.constant 5.000000e-01 : f32
    %mul3A_51 = vector.broadcast %mul3A_50 : f32 to vector<2048x128xf32>
    %mul3A_52 = arith.mulf %mul3A_51, %add3A_49 : vector<2048x128xf32>
    %mul3A_53 = arith.mulf %add3A_38, %mul3A_52 : vector<2048x128xf32>
    %get3A_54 = arith.constant 0 : index
    %get3A_55 = arith.constant 0 : index
    %get3A_56 = vector.load %arg7[%get3A_54, %get3A_55] : memref<128x128xf32, #tpu.memory_space<vmem>>, vector<128x128xf32>
    %dot_general3A_57 = arith.constant dense<0.000000e+00> : vector<2048x128xf32>
    %dot_general3A_58 = tpu.matmul %mul3A_53, %get3A_56, %dot_general3A_57 {dimension_numbers = #tpu.dot_dimension_numbers<[1], [0], [0], [1], [0, 0, 1, 1], [], []>, transpose_lhs_hint = false} : vector<2048x128xf32>, vector<128x128xf32>, vector<2048x128xf32> -> vector<2048x128xf32>
    %get3A_59 = arith.constant 0 : index
    %get3A_60 = arith.constant 0 : index
    %get3A_61 = vector.load %arg8[%get3A_59, %get3A_60] : memref<1x128xf32, #tpu.memory_space<vmem>>, vector<1x128xf32>
    %add3A_62 = vector.broadcast %get3A_61 : vector<1x128xf32> to vector<2048x128xf32>
    %add3A_63 = arith.addf %dot_general3A_58, %add3A_62 : vector<2048x128xf32>
    %swap3A = arith.constant 0 : index
    %swap3A_64 = arith.constant 0 : index
    %swap3A_65 = vector.load %arg9[%swap3A, %swap3A_64] : memref<2048x128xf32, #tpu.memory_space<vmem>>, vector<2048x128xf32>
    tpu.vector_store %arg9[%swap3A, %swap3A_64], %add3A_63 {strides = array<i32>} : memref<2048x128xf32, #tpu.memory_space<vmem>>, vector<2048x128xf32>,
    return
  }
  func.func @transform_0(%arg0: i32) -> (i32, i32) {
    %c0_i32 = arith.constant 0 : i32
    %c0_i32_0 = arith.constant 0 : i32
    return %arg0, %c0_i32 : i32, i32
  }
  func.func @transform_1(%arg0: i32) -> (i32, i32) {
    %c0_i32 = arith.constant 0 : i32
    %c0_i32_0 = arith.constant 0 : i32
    return %arg0, %c0_i32 : i32, i32
  }
  func.func @transform_2(%arg0: i32) -> (i32, i32) {
    %c0_i32 = arith.constant 0 : i32
    %c0_i32_0 = arith.constant 0 : i32
    %c0_i32_1 = arith.constant 0 : i32
    return %c0_i32, %c0_i32_0 : i32, i32
  }
  func.func @transform_3(%arg0: i32) -> (i32, i32) {
    %c0_i32 = arith.constant 0 : i32
    %c0_i32_0 = arith.constant 0 : i32
    %c0_i32_1 = arith.constant 0 : i32
    return %c0_i32, %c0_i32_0 : i32, i32
  }
  func.func @transform_4(%arg0: i32) -> (i32, i32) {
    %c0_i32 = arith.constant 0 : i32
    %c0_i32_0 = arith.constant 0 : i32
    %c0_i32_1 = arith.constant 0 : i32
    return %c0_i32, %c0_i32_0 : i32, i32
  }
  func.func @transform_5(%arg0: i32) -> (i32, i32) {
    %c0_i32 = arith.constant 0 : i32
    %c0_i32_0 = arith.constant 0 : i32
    %c0_i32_1 = arith.constant 0 : i32
    return %c0_i32, %c0_i32_0 : i32, i32
  }
  func.func @transform_6(%arg0: i32) -> (i32, i32) {
    %c0_i32 = arith.constant 0 : i32
    %c0_i32_0 = arith.constant 0 : i32
    %c0_i32_1 = arith.constant 0 : i32
    return %c0_i32, %c0_i32_0 : i32, i32
  }
  func.func @transform_7(%arg0: i32) -> (i32, i32) {
    %c0_i32 = arith.constant 0 : i32
    %c0_i32_0 = arith.constant 0 : i32
    %c0_i32_1 = arith.constant 0 : i32
    return %c0_i32, %c0_i32_0 : i32, i32
  }
  func.func @transform_8(%arg0: i32) -> (i32, i32) {
    %c0_i32 = arith.constant 0 : i32
    %c0_i32_0 = arith.constant 0 : i32
    return %arg0, %c0_i32 : i32, i32
  }
}

</mosaic_0001>

<sc_bundles>
// kernel: kernel.10.cloned.1.call-start
scs
__scs_entry_jumppad:
0x0: {  	(pc) =	sbr.rel $0x88, $3  }
0x1: {  	(tag) =	ssettag $0x0;
	lr =	simm.s32 $0x1  }
0x2: {  	[smem:$0x3F97] =	sst lr;
	_ =	strace $0xD0000000  }
0x3: {  	_ = 	snop  }
0x4: {  	_ = 	snop  }
0x5: {  	_ = 	snop  }
0x6: {  	_ = 	snop  }
0x7: {  	_ = 	snop  }
__scs_overlays_trampoline_lowered:
0x8: {  	[smem:$0x3FA6] =	sst s0  }
0x9: {  	[smem:$0x3FA7] =	sst s1  }
0xa: {  	[smem:$0x3FA8] =	sst s2  }
0xb: {  	[smem:$0x3FA9] =	sst s3  }
0xc: {  	[smem:$0x3FAA] =	sst s4  }
0xd: {  	[smem:$0x3FAB] =	sst s5  }
0xe: {  	[smem:$0x3FAC] =	sst s6  }
0xf: {  	[smem:$0x3FAD] =	sst s7  }
0x10: {  	[smem:$0x3FAE] =	sst s8  }
0x11: {  	[smem:$0x3FAF] =	sst s9;
	s0 =	simm.s32 @!p0 $0x0  }
0x12: {  	s1 =	sld [smem:$0x3F95];
	s0 =	simm.s32 @p0 $0x1  }
0x13: {  	[smem:$0x3FB0] =	sst s0;
	s0 =	simm.s32 @!p1 $0x0  }
0x14: {  	s2 =	sld [smem:$0x3F94];
	s0 =	simm.s32 @p1 $0x1  }
0x15: {  	[smem:$0x3FB1] =	sst s0;
	s0 =	simm.s32 @!p2 $0x0  }
0x16: {  	s3 =	sld [smem:$0x3FDB];
	s0 =	simm.s32 @p2 $0x1  }
0x17: {  	s4 =	simm.s32 $0x1BF5;
	[smem:$0x3FB3] =	sst s0  }
0x18: {  	s0 =	sld [smem:$0x3F96];
	_ =	swait.ge [sflag:s4], $0x0  }
0x19: {  	s7 =	sld [smem:$0x3F97]  }
0x1a: {  	s8 =	sadd.s32 $0xFFFFE003, lr  }
0x1b: {  	s9 =	sadd.s32 $0xFFFFFEF7, lr;
	s5 =	simm.s32 $0xFFFFFFFF;
	p2 =	slt.u32 s8, $0xFFFFF086  }
0x1c: {  	p1 =	slt.u32 s9, $0xF7A;
	s5 =	simm.s32 @!p2 $0x0  }
0x1d: {  	s5 =	simm.s32 @p1 $0x1;
	p0 =	seq.s32 s7, s2  }
0x1e: {  	s7 =	smul.u32 @!p0 $0xF7A, s2;
	p2 =	seq.s32 @!p0 s5, $0x0  }
0x1f: {  	s9 =	smul.u32 $0xF7A, s1;
	s8 =	simm.s32 @!p0 $0x1BF5;
	p2 =	por !p2, p0  }
0x20: {  	[sflag:s8] =	ssyncset.s32 @!p0 $0xFFFFF086;
	s6 =	sadd.s32 @!p0 s3, s7;
	s7 =	simm.s32 @!p0 $0x108  }
0x21: {  	s3 =	sadd.s32 s3, s9;
	s6 =	sadd.s32 @!p0 $0x88, s6;
	s7 =	simm.s32 @p2 $0x1082  }
0x22: {  	[simem:s7], [sflag:s8] =	dma.local @!p0 [hbm:s6], $0xF7A  }
0x23: {  	s9 =	sor.u32 $0xD0000000, s2;
	s6 =	simm.s32 $0x108;
	_ =	swait.ge @!p0 [sflag:s8], $0x0  }
0x24: {  	s3 =	sadd.s32 $0x88, s3;
	s6 =	simm.s32 @!p1 $0x1082;
	[sflag:s4] =	ssyncset.s32 $0xFFFFF086  }
0x25: {  	[simem:s6], [sflag:s4] =	dma.local [hbm:s3], $0xF7A  }
0x26: {  	[smem:$0x3F97] =	sst s1;
	(tag) =	ssettag s2;
	_ =	strace s9  }
0x27: {  	s1 =	sld [smem:$0x3FA7]  }
0x28: {  	s2 =	sld [smem:$0x3FA8]  }
0x29: {  	s4 =	sld [smem:$0x3FAA]  }
0x2a: {  	p0 =	seq.s32 s5, $0x0;
	s5 =	sld [smem:$0x3FAB]  }
0x2b: {  	s6 =	sld [smem:$0x3FAC]  }
0x2c: {  	s7 =	sld [smem:$0x3FAD]  }
0x2d: {  	s3 =	simm.s32 $0x108;
	s8 =	sld [smem:$0x3FAE]  }
0x2e: {  	s3 =	simm.s32 @!p0 $0x1082;
	s9 =	sld [smem:$0x3FAF]  }
0x2f: {  	lr =	sadd.s32 s0, s3;
	s0 =	sld [smem:$0x3FA6]  }
0x30: {  	s3 =	sld [smem:$0x3FA9]  }
0x31: {  	[smem:$0x3FB2] =	sst s10  }
0x32: {  	s10 =	sld [smem:$0x3FB0];
	_ =	sdelay $0x3  }
0x33: {  	p0 =	seq.s32 s10, $0x1;
	s10 =	sld [smem:$0x3FB2];
	_ =	sdelay $0x3  }
0x34: {  	[smem:$0x3FB2] =	sst s10  }
0x35: {  	s10 =	sld [smem:$0x3FB1];
	_ =	sdelay $0x3  }
0x36: {  	p1 =	seq.s32 s10, $0x1;
	s10 =	sld [smem:$0x3FB2];
	_ =	sdelay $0x3  }
0x37: {  	[smem:$0x3FB2] =	sst s10  }
0x38: {  	s10 =	sld [smem:$0x3FB3]  }
0x39: {  	_ = 	snop;
	(pc) =	sbr.ind lr, $3  }
0x3a: {  	_ = 	snop  }
0x3b: {  	_ = 	snop  }
0x3c: {  	p2 =	seq.s32 s10, $0x1;
	s10 =	sld [smem:$0x3FB2]  }
0x3d: {  	_ =	shalt  }
0x3e: {  	_ =	shalt  }
0x3f: {  	_ =	shalt  }
0x40: {  	_ =	shalt  }
0x41: {  	_ =	shalt  }
0x42: {  	_ =	shalt  }
0x43: {  	_ =	shalt  }
0x44: {  	_ =	shalt  }
0x45: {  	_ =	shalt  }
0x46: {  	_ =	shalt  }
0x47: {  	_ =	shalt  }
0x48: {  	_ =	shalt  }
0x49: {  	_ =	shalt  }
0x4a: {  	_ =	shalt  }
0x4b: {  	_ =	shalt  }
0x4c: {  	_ =	shalt  }
0x4d: {  	_ =	shalt  }
0x4e: {  	_ =	shalt  }
0x4f: {  	_ =	shalt  }
0x50: {  	_ =	shalt  }
0x51: {  	_ =	shalt  }
0x52: {  	_ =	shalt  }
0x53: {  	_ =	shalt  }
0x54: {  	_ =	shalt  }
0x55: {  	_ =	shalt  }
0x56: {  	_ =	shalt  }
0x57: {  	_ =	shalt  }
0x58: {  	_ =	shalt  }
0x59: {  	_ =	shalt  }
0x5a: {  	_ =	shalt  }
0x5b: {  	_ =	shalt  }
0x5c: {  	_ =	shalt  }
0x5d: {  	_ =	shalt  }
0x5e: {  	_ =	shalt  }
0x5f: {  	_ =	shalt  }
0x60: {  	_ =	shalt  }
0x61: {  	_ =	shalt  }
0x62: {  	_ =	shalt  }
0x63: {  	_ =	shalt  }
0x64: {  	_ =	shalt  }
0x65: {  	_ =	shalt  }
0x66: {  	_ =	shalt  }
0x67: {  	_ =	shalt  }
0x68: {  	_ =	shalt  }
0x69: {  	_ =	shalt  }
0x6a: {  	_ =	shalt  }
0x6b: {  	_ =	shalt  }
0x6c: {  	_ =	shalt  }
0x6d: {  	_ =	shalt  }
0x6e: {  	_ =	shalt  }
0x6f: {  	_ =	shalt  }
0x70: {  	_ =	shalt  }
0x71: {  	_ =	shalt  }
0x72: {  	_ =	shalt  }
0x73: {  	_ =	shalt  }
0x74: {  	_ =	shalt  }
0x75: {  	_ =	shalt  }
0x76: {  	_ =	shalt  }
0x77: {  	_ =	shalt  }
0x78: {  	_ =	shalt  }
0x79: {  	_ =	shalt  }
0x7a: {  	_ =	shalt  }
0x7b: {  	_ =	shalt  }
0x7c: {  	_ =	shalt  }
0x7d: {  	_ =	shalt  }
0x7e: {  	_ =	shalt  }
0x7f: {  	_ =	shalt  }
0x80: {  	_ =	shalt  }
0x81: {  	_ =	shalt  }
0x82: {  	_ =	shalt  }
0x83: {  	_ =	shalt  }
0x84: {  	_ =	shalt  }
0x85: {  	_ =	shalt  }
0x86: {  	_ =	shalt  }
0x87: {  	_ =	shalt  }
.Lfunc_end0:
.L_simem_size_0:
called_computation.1_lowered:
.L_overlay_start_0:
0x88: {  	s2 =	sld [smem:$0x3FD9]  }
0x89: {  	s3 =	sld [smem:$0x3FFE];
	_ =	sdelay $0x1  }
0x8a: {  	s1 =	srdreg.scid  }
0x8b: {  	s0 =	sand.u32 $0x1, s1  }
0x8c: {  	s17 =	sshll.u32 s0, $0xA;
	s2 =	sadd.s32 s3, s2  }
0x8d: {  	s2 =	sadd.s32 s2, s17  }
0x8e: {  	[smem:$0x3FBE] =	sst s2  }
0x8f: {  	_ = 	snop  }
0x90: {  	s2 =	sld [smem:$0x3FD0];
	(tm) =	ssettm $0x1  }
0x91: {  	s18 =	sld [smem:$0x3FFB];
	_ =	sdelay $0x3  }
0x92: {  	_ =	strace s18  }
0x93: {  	s3 =	sld [smem:$0x3FFC];
	_ =	sdelay $0x3  }
0x94: {  	_ =	strace s3  }
0x95: {  	s3 =	sld [smem:$0x3FFD];
	_ =	sdelay $0x3  }
0x96: {  	_ =	strace s3  }
0x97: {  	_ =	strace $0x8FFFFFFF  }
0x98: {  	s19 =	sld [smem:$0x3FDB];
	_ =	sdelay $0x1  }
0x99: {  	s4 =	simm.s32 $_scs_section_size  }
0x9a: {  	s5 =	simm.s32 $_size__tile_overlayer_lowered;
	s6 =	simm.s32 $_tile_overlayer_lowered  }
0x9b: {  	s22 =	simm.s32 $0x1BFF;
	s21 =	sshll.u32 s6, $0x1;
	s3 =	sadd.s32 s4, s19  }
0x9c: {  	s7 =	simm.s32 $0x0;
	s20 =	sshll.u32 s5, $0x1;
	s5 =	sadd.s32 s21, s3  }
0x9d: {  	[timem:s7], [sflag:s22] =	dma.local [hbm:s5], s20  }
0x9e: {  	_ =	swait.ge [sflag:s22], s20  }
0x9f: {  	s4 =	ssub.s32 $0x0, s20;
	[sflag:s22] =	ssyncset.done $0x0  }
0xa0: {  	[sflag:s22] =	ssyncadd.s32 s4;
	_ =	sdelay $0x1  }
0xa1: {  	s23 =	simm.s32 $0x1B8B  }
0xa2: {  	_ =	swait.ge [sflag:s23], $0x1  }
0xa3: {  	[sflag:s23] =	ssyncset.done $0x0  }
0xa4: {  	s25 =	simm.s32 $0x1B8E;
	s24 =	sld [smem:$0x3FFE];
	[sflag:s23] =	ssyncadd.s32 $0xFFFFFFFF  }
0xa5: {  	s26 =	simm.s32 $execute0_lowered;
	[smem:$0x3FD2] =	sst s25  }
0xa6: {  	s5 =	sshll.u32 s26, $0x1;
	_ =	strace $0x80000049;
	[dreg:$0x1] =	wrdreg $0xFFFFFFFF  }
0xa7: {  	s28 =	simm.s32 $_size_execute0_lowered;
	s3 =	sadd.s32 s3, s5;
	[dreg:$0x0] =	wrdreg $0x0  }
0xa8: {  	s5 =	sshll.u32 s28, $0x1;
	[dreg:$0x2] =	wrdreg s3  }
0xa9: {  	[dreg:$0x3] =	wrdreg s5  }
0xaa: {  	[dreg:$0x4] =	wrdreg $0xC0  }
0xab: {  	_ =	task [dreg:s7], $0x5FFFF  }
0xac: {  	[dreg:$0x1] =	wrdreg $0xFFFFFFFF  }
0xad: {  	[dreg:$0x0] =	wrdreg $0x60  }
0xae: {  	[dreg:$0x2] =	wrdreg s24  }
0xaf: {  	[dreg:$0x3] =	wrdreg s2  }
0xb0: {  	[dreg:$0x4] =	wrdreg $0x9  }
0xb1: {  	_ =	task.clear_ibuf [dreg:s7], $0x5FFFF;
	_ =	strace $0x90000049  }
0xb2: {  	s29 =	simm.s32 $0x9;
	_ =	strace $0x8000004B  }
0xb3: {  	_ =	swait.ge [sflag:s29], $0x1  }
0xb4: {  	[sflag:s29] =	ssyncadd.s32 $0xFFFFFFFF  }
0xb5: {  	_ =	strace $0x9000004B  }
0xb6: {  	_ =	sfence  }
0xb7: {  	s30 =	sld [smem:$0x0];
	_ =	sdelay $0x2  }
0xb8: {  	s31 =	sshll.u32 s1, $0xD;
	s1 =	sshrl.u32 s1, $0x2  }
0xb9: {  	s3 =	sand.u32 $0x4000, s31;
	s1 =	sadd.s32 s1, s30  }
0xba: {  	s0 =	sor.u32 s3, s0;
	s1 =	sshll.u32 s1, $0x11  }
0xbb: {  	s0 =	sor.u32 s1, s0  }
0xbc: {  	s0 =	sadd.s32 $0x8F2B, s0  }
0xbd: {  	[sflag:s0] =	ssyncadd.remote.s32 $0x1  }
0xbe: {  	_ =	sfence.sel $0xFFFF  }
0xbf: {  	[dreg:$0x0] =	wrdreg $0xFFFFFFFF;
	(pc) =	sbr.abs _section_cstart, $3  }
0xc0: {  	[dreg:$0x1] =	wrdreg $0xFFFFFFFF  }
0xc1: {  	_ =	task.clear_ibuf [dreg:s7], $0x2FFFF;
	_ =	strace $0x9FFFFFFF  }
0xc2: {  	(tm) =	ssettm $0x7FFFFFFF  }
0xc3: {  	_ =	shalt  }
tec
execute0_lowered:
.L_overlay_start_1:
0x0: {  	(tag) =	ssettag $0x1  }
0x1: {  	s0 =	rddreg [dreg:$0x0];
	s1 =	simm.s32 $0x0  }
0x2: {  	s24 =	srdreg.scid;
	s3 =	stileid.u32;
	s9 =	simm.s32 $0x2  }
0x3: {  	s11 =	simm.s32 $0x32;
	s28 =	simm.s32 $0x1C0;
	s29 =	simm.s32 $0x6B80  }
0x4: {  	s30 =	simm.s32 $0x1F8;
	s31 =	simm.s32 $0x7800;
	s8 =	simm.s32 $0x268  }
0x5: {  	s10 =	simm.s32 $0x9D80;
	s12 =	simm.s32 $0x2D8;
	s13 =	simm.s32 $0xAA00  }
0x6: {  	s14 =	simm.s32 $0x310;
	s15 =	simm.s32 $0xB680;
	s16 =	simm.s32 $0x348  }
0x7: {  	s17 =	simm.s32 $0xC300;
	s18 =	simm.s32 $0x1;
	s19 =	simm.s32 $0xCF80  }
0x8: {  	s21 =	simm.s32 $0x0;
	[smem:$0x7FF] =	sst s1;
	s1 =	sand.u32 $0x1, s24  }
0x9: {  	s4 =	sadd.s32 $0x1A4600, s0;
	s5 =	sadd.s32 $0x1A00, s0;
	s6 =	sadd.s32 $0x1DA00, s0  }
0xa: {  	s26 =	sshll.u32 s3, $0xA;
	s3 =	simm.s32 $0x8480;
	s2 =	ssub.s32 $0x2, s1  }
0xb: {  	_ =	strace $0x8000004A;
	s1 =	sshll.u32 s1, $0x9;
	s25 =	sshrl.u32 s2, $0x1  }
0xc: {  	s7 =	sor.u32 s1, s26;
	s26 =	simm.s32 $0x5F00;
	s0 =	ssub.s32 s2, s25  }
0xd: {  	s1 =	simm.s32 $0x9100;
	s25 =	simm.s32 $0x188;
	s0 =	smax.u32 s0, $0x1  }
0xe: {  	s2 =	simm.s32 $0x2A0;
	[dreg:$0x3] =	wrdreg s0;
	s0 =	simm.s32 $0x230  }
.LBB2_1:
0xf: {  	[dreg:$0x4] =	wrdreg s21;
	s20 =	simm.s32 $0x0  }
.LBB2_2:
0x10: {  	s21 =	sshll.u32 s20, $0x4  }
0x11: {  	s22 =	sadd.s32 s7, s21  }
0x12: {  	s21 =	smul.u32 $0x7, s22;
	_ =	sdelay $0x1  }
0x13: {  	s23 =	sadd.s32 s5, s21;
	s21 =	simm.s32 $0x0  }
0x14: {  	[tilespmem:s21], [sflag:$0x2] =	stream.linear.gather [hbm4b:s23+s21], $0x380, $0x38;
	[tilespmem:$0xD380] =	vst v63  }
0x15: {  	_ =	swait.ge [sflag:s9], $0x380  }
0x16: {  	[sflag:s9] =	ssyncset.done $0x0  }
0x17: {  	[sflag:s9] =	ssyncadd.s32 $0xFFFFFC80  }
0x18: {  	s22 =	sshll.u32 s22, $0x3;
	s24 =	rddreg [dreg:$0x1]  }
0x19: {  	s23 =	sadd.s32 s24, s22;
	s24 =	simm.s32 $0x380  }
0x1a: {  	[tilespmem:s24], [sflag:$0x2] =	stream.linear.gather [hbm4b:s23+s21], $0x400, $0x38;
	[tilespmem:$0xD380] =	vst v63  }
0x1b: {  	_ =	swait.ge [sflag:s9], $0x400  }
0x1c: {  	[sflag:s9] =	ssyncset.done $0x0  }
0x1d: {  	s24 =	simm.s32 $0x780;
	[sflag:s9] =	ssyncadd.s32 $0xFFFFFC00  }
0x1e: {  	[tilespmem:s24], [sflag:$0x1] =	stream.indirect.gather [hbm4b:s4+s11], $0x40, s21, s11, $0xb8;
	[tilespmem:$0xD380] =	vst v63  }
0x1f: {  	s23 =	simm.s32 $0x38;
	s24 =	simm.s32 $0x1400  }
0x20: {  	[tilespmem:s24], [sflag:$0x1] =	stream.indirect.gather [hbm4b:s4+s11], $0x40, s23, s11, $0xb8;
	[tilespmem:$0xD380] =	vst v63  }
0x21: {  	s23 =	simm.s32 $0x70;
	s24 =	simm.s32 $0x2080  }
0x22: {  	[tilespmem:s24], [sflag:$0x1] =	stream.indirect.gather [hbm4b:s4+s11], $0x40, s23, s11, $0xb8;
	[tilespmem:$0xD380] =	vst v63  }
0x23: {  	s23 =	simm.s32 $0xA8;
	s24 =	simm.s32 $0x2D00  }
0x24: {  	[tilespmem:s24], [sflag:$0x1] =	stream.indirect.gather [hbm4b:s4+s11], $0x40, s23, s11, $0xb8;
	[tilespmem:$0xD380] =	vst v63  }
0x25: {  	s23 =	simm.s32 $0xE0;
	s24 =	simm.s32 $0x3980  }
0x26: {  	[tilespmem:s24], [sflag:$0x1] =	stream.indirect.gather [hbm4b:s4+s11], $0x40, s23, s11, $0xb8;
	[tilespmem:$0xD380] =	vst v63  }
0x27: {  	s23 =	simm.s32 $0x118;
	s24 =	simm.s32 $0x4600  }
0x28: {  	[tilespmem:s24], [sflag:$0x1] =	stream.indirect.gather [hbm4b:s4+s11], $0x40, s23, s11, $0xb8;
	[tilespmem:$0xD380] =	vst v63  }
0x29: {  	s23 =	simm.s32 $0x150;
	s24 =	simm.s32 $0x5280  }
0x2a: {  	[tilespmem:s24], [sflag:$0x1] =	stream.indirect.gather [hbm4b:s4+s11], $0x40, s23, s11, $0xb8;
	[tilespmem:$0xD380] =	vst v63  }
0x2b: {  	_ = 	snop  }
0x2c: {  	[tilespmem:s26], [sflag:$0x1] =	stream.indirect.gather [hbm4b:s4+s11], $0x40, s25, s11, $0xb8;
	[tilespmem:$0xD380] =	vst v63  }
0x2d: {  	_ = 	snop  }
0x2e: {  	[tilespmem:s29], [sflag:$0x1] =	stream.indirect.gather [hbm4b:s4+s11], $0x40, s28, s11, $0xb8;
	[tilespmem:$0xD380] =	vst v63  }
0x2f: {  	_ = 	snop  }
0x30: {  	[tilespmem:s31], [sflag:$0x1] =	stream.indirect.gather [hbm4b:s4+s11], $0x40, s30, s11, $0xb8;
	[tilespmem:$0xD380] =	vst v63  }
0x31: {  	_ = 	snop  }
0x32: {  	[tilespmem:s3], [sflag:$0x1] =	stream.indirect.gather [hbm4b:s4+s11], $0x40, s0, s11, $0xb8;
	[tilespmem:$0xD380] =	vst v63  }
0x33: {  	_ = 	snop  }
0x34: {  	[tilespmem:s1], [sflag:$0x1] =	stream.indirect.gather [hbm4b:s4+s11], $0x40, s8, s11, $0xb8;
	[tilespmem:$0xD380] =	vst v63  }
0x35: {  	_ = 	snop  }
0x36: {  	[tilespmem:s10], [sflag:$0x1] =	stream.indirect.gather [hbm4b:s4+s11], $0x40, s2, s11, $0xb8;
	[tilespmem:$0xD380] =	vst v63  }
0x37: {  	_ = 	snop  }
0x38: {  	[tilespmem:s13], [sflag:$0x1] =	stream.indirect.gather [hbm4b:s4+s11], $0x40, s12, s11, $0xb8;
	[tilespmem:$0xD380] =	vst v63  }
0x39: {  	_ = 	snop  }
0x3a: {  	[tilespmem:s15], [sflag:$0x1] =	stream.indirect.gather [hbm4b:s4+s11], $0x40, s14, s11, $0xb8;
	[tilespmem:$0xD380] =	vst v63  }
0x3b: {  	_ = 	snop  }
0x3c: {  	[tilespmem:s17], [sflag:$0x1] =	stream.indirect.gather [hbm4b:s4+s11], $0x40, s16, s11, $0xb8;
	[tilespmem:$0xD380] =	vst v63  }
0x3d: {  	_ =	swait.ge [sflag:s18], $0xC80  }
0x3e: {  	[sflag:s18] =	ssyncset.done $0x0  }
0x3f: {  	[sflag:s18] =	ssyncadd.s32 $0xFFFFF380  }
0x40: {  	_ =	swait.ge [sflag:s18], $0xC80  }
0x41: {  	[sflag:s18] =	ssyncset.done $0x0  }
0x42: {  	[sflag:s18] =	ssyncadd.s32 $0xFFFFF380  }
0x43: {  	_ =	swait.ge [sflag:s18], $0xC80  }
0x44: {  	[sflag:s18] =	ssyncset.done $0x0  }
0x45: {  	[sflag:s18] =	ssyncadd.s32 $0xFFFFF380  }
0x46: {  	_ =	swait.ge [sflag:s18], $0xC80  }
0x47: {  	[sflag:s18] =	ssyncset.done $0x0  }
0x48: {  	[sflag:s18] =	ssyncadd.s32 $0xFFFFF380  }
0x49: {  	_ =	swait.ge [sflag:s18], $0xC80  }
0x4a: {  	[sflag:s18] =	ssyncset.done $0x0  }
0x4b: {  	[sflag:s18] =	ssyncadd.s32 $0xFFFFF380  }
0x4c: {  	_ =	swait.ge [sflag:s18], $0xC80  }
0x4d: {  	[sflag:s18] =	ssyncset.done $0x0  }
0x4e: {  	[sflag:s18] =	ssyncadd.s32 $0xFFFFF380  }
0x4f: {  	_ =	swait.ge [sflag:s18], $0xC80  }
0x50: {  	[sflag:s18] =	ssyncset.done $0x0  }
0x51: {  	[sflag:s18] =	ssyncadd.s32 $0xFFFFF380  }
0x52: {  	_ =	swait.ge [sflag:s18], $0xC80  }
0x53: {  	[sflag:s18] =	ssyncset.done $0x0  }
0x54: {  	[sflag:s18] =	ssyncadd.s32 $0xFFFFF380  }
0x55: {  	_ =	swait.ge [sflag:s18], $0xC80  }
0x56: {  	[sflag:s18] =	ssyncset.done $0x0  }
0x57: {  	[sflag:s18] =	ssyncadd.s32 $0xFFFFF380  }
0x58: {  	_ =	swait.ge [sflag:s18], $0xC80  }
0x59: {  	[sflag:s18] =	ssyncset.done $0x0  }
0x5a: {  	[sflag:s18] =	ssyncadd.s32 $0xFFFFF380  }
0x5b: {  	_ =	swait.ge [sflag:s18], $0xC80  }
0x5c: {  	[sflag:s18] =	ssyncset.done $0x0  }
0x5d: {  	[sflag:s18] =	ssyncadd.s32 $0xFFFFF380  }
0x5e: {  	_ =	swait.ge [sflag:s18], $0xC80  }
0x5f: {  	[sflag:s18] =	ssyncset.done $0x0  }
0x60: {  	[sflag:s18] =	ssyncadd.s32 $0xFFFFF380  }
0x61: {  	_ =	swait.ge [sflag:s18], $0xC80  }
0x62: {  	[sflag:s18] =	ssyncset.done $0x0  }
0x63: {  	[sflag:s18] =	ssyncadd.s32 $0xFFFFF380  }
0x64: {  	_ =	swait.ge [sflag:s18], $0xC80  }
0x65: {  	[sflag:s18] =	ssyncset.done $0x0  }
0x66: {  	[sflag:s18] =	ssyncadd.s32 $0xFFFFF380  }
0x67: {  	_ =	swait.ge [sflag:s18], $0xC80  }
0x68: {  	[sflag:s18] =	ssyncset.done $0x0  }
0x69: {  	[sflag:s18] =	ssyncadd.s32 $0xFFFFF380  }
0x6a: {  	_ =	swait.ge [sflag:s18], $0xC80  }
0x6b: {  	[sflag:s18] =	ssyncset.done $0x0  }
0x6c: {  	[sflag:s18] =	ssyncadd.s32 $0xFFFFF380  }
.LBB2_3:
0x6d: {  	s23 =	sshll.u32 s21, $0x6  }
0x6e: {  	v3 =	vld [tilespmem:s23+$0x380]  }
0x6f: {  	s24 =	smul.u32 $0x3200, s21;
	v2 =	vld [tilespmem:s23+$0x390]  }
0x70: {  	v1 =	vld [tilespmem:s23+$0x3A0]  }
0x71: {  	v0 =	vld [tilespmem:s23+$0x3B0];
	s24 =	sshra.s32 s24, $0x2  }
0x72: {  	v4 =	vld [tilespmem:s24+$0x780]  }
0x73: {  	v5 =	vld [tilespmem:s24+$0x790]  }
0x74: {  	v8 =	vld [tilespmem:s24+$0x7A0]  }
0x75: {  	v9 =	vld [tilespmem:s24+$0x7B0]  }
0x76: {  	v11 =	vld [tilespmem:s24+$0x7C0]  }
0x77: {  	v12 =	vld [tilespmem:s24+$0x7D0]  }
0x78: {  	v13 =	vld [tilespmem:s24+$0x7E0]  }
0x79: {  	v14 =	vld [tilespmem:s24+$0x7F0]  }
0x7a: {  	v16 =	vld [tilespmem:s24+$0x800]  }
0x7b: {  	v17 =	vld [tilespmem:s24+$0x810]  }
0x7c: {  	v19 =	vld [tilespmem:s24+$0x820]  }
0x7d: {  	v20 =	vld [tilespmem:s24+$0x830]  }
0x7e: {  	v21 =	vld [tilespmem:s24+$0x840]  }
0x7f: {  	v24 =	vld [tilespmem:s24+$0x850]  }
0x80: {  	v25 =	vld [tilespmem:s24+$0x860]  }
0x81: {  	v26 =	vld [tilespmem:s24+$0x870]  }
0x82: {  	v29 =	vld [tilespmem:s24+$0x880]  }
0x83: {  	v30 =	vld [tilespmem:s24+$0x890]  }
0x84: {  	v33 =	vld [tilespmem:s24+$0x8A0]  }
0x85: {  	v34 =	vld [tilespmem:s24+$0x8B0]  }
0x86: {  	v35 =	vld [tilespmem:s24+$0x8C0]  }
0x87: {  	v36 =	vld [tilespmem:s24+$0x8D0]  }
0x88: {  	v37 =	vld [tilespmem:s24+$0x8E0]  }
0x89: {  	v38 =	vld [tilespmem:s24+$0x8F0]  }
0x8a: {  	v40 =	vld [tilespmem:s24+$0x900]  }
0x8b: {  	v41 =	vld [tilespmem:s24+$0x910]  }
0x8c: {  	v43 =	vld [tilespmem:s24+$0x920]  }
0x8d: {  	v48 =	vld [tilespmem:s24+$0x930]  }
0x8e: {  	v50 =	vld [tilespmem:s24+$0x940]  }
0x8f: {  	v51 =	vld [tilespmem:s24+$0x950]  }
0x90: {  	v52 =	vld [tilespmem:s24+$0x960]  }
0x91: {  	v53 =	vld [tilespmem:s24+$0x970]  }
0x92: {  	v54 =	vld [tilespmem:s24+$0x980]  }
0x93: {  	v55 =	vld [tilespmem:s24+$0x990]  }
0x94: {  	v56 =	vld [tilespmem:s24+$0x9A0]  }
0x95: {  	v57 =	vld [tilespmem:s24+$0x9B0]  }
0x96: {  	v58 =	vld [tilespmem:s24+$0x9C0]  }
0x97: {  	v44 =	vld [tilespmem:s24+$0x9D0]  }
0x98: {  	v45 =	vld [tilespmem:s24+$0x9E0]  }
0x99: {  	v49 =	vld [tilespmem:s24+$0x9F0]  }
0x9a: {  	v46 =	vld [tilespmem:s24+$0xA00]  }
0x9b: {  	v47 =	vld [tilespmem:s24+$0xA10]  }
0x9c: {  	v42 =	vld [tilespmem:s24+$0xA20]  }
0x9d: {  	v39 =	vld [tilespmem:s24+$0xA30]  }
0x9e: {  	v32 =	vld [tilespmem:s24+$0xA40]  }
0x9f: {  	v31 =	vld [tilespmem:s24+$0xA50]  }
0xa0: {  	v27 =	vld [tilespmem:s24+$0xA60]  }
0xa1: {  	v28 =	vld [tilespmem:s24+$0xA70]  }
0xa2: {  	v22 =	vld [tilespmem:s24+$0xA80]  }
0xa3: {  	v23 =	vld [tilespmem:s24+$0xA90]  }
0xa4: {  	v18 =	vld [tilespmem:s24+$0xAA0]  }
0xa5: {  	v63 =	vld [tilespmem:s24+$0xAE0]  }
0xa6: {  	v15 =	vld [tilespmem:s24+$0xAB0]  }
0xa7: {  	v10 =	vld [tilespmem:s24+$0xAC0];
	v59 =	vbroadcast v3, $0x0  }
0xa8: {  	v6 =	vld [tilespmem:s24+$0xAD0];
	v62 =	vbroadcast v3, $0x1  }
0xa9: {  	v7 =	vld [tilespmem:s24+$0xAF0];
	v60 =	vmul.f32 v4, v59  }
0xaa: {  	[tilespmem:$0x1FFE0] =	vst v63;
	v61 =	vmul.f32 v5, v59;
	v5 =	vld [tilespmem:s24+$0xB00];
	v63 =	vmul.f32 v11, v62  }
0xab: {  	v4 =	vmul.f32 v12, v62;
	v11 =	vld [tilespmem:s24+$0xB10];
	v8 =	vmul.f32 v8, v59;
	v60 =	vadd.f32 $0.0e+00, v60  }
0xac: {  	[tilespmem:$0x1FFF0] =	vst v0;
	v59 =	vmul.f32 v9, v59;
	v12 =	vld [tilespmem:s24+$0xB20];
	v0 =	vmul.f32 v13, v62  }
0xad: {  	v9 =	vld [tilespmem:s24+$0xB40];
	v61 =	vadd.f32 $0.0e+00, v61;
	v60 =	vadd.f32 v63, v60;
	v63 =	vbroadcast v3, $0x2  }
0xae: {  	v62 =	vmul.f32 v14, v62;
	v13 =	vld [tilespmem:s24+$0xB50];
	v8 =	vadd.f32 $0.0e+00, v8;
	v59 =	vadd.f32 $0.0e+00, v59  }
0xaf: {  	v14 =	vld [tilespmem:s24+$0xB60];
	v61 =	vadd.f32 v4, v61;
	v16 =	vmul.f32 v16, v63;
	v17 =	vmul.f32 v17, v63  }
0xb0: {  	v4 =	vld [tilespmem:s24+$0xB30];
	v0 =	vadd.f32 v0, v8;
	v8 =	vmul.f32 v19, v63;
	v19 =	vbroadcast v3, $0x3  }
0xb1: {  	v59 =	vadd.f32 v62, v59;
	v20 =	vmul.f32 v20, v63;
	v60 =	vadd.f32 v16, v60;
	v16 =	vld [tilespmem:s24+$0xB70]  }
0xb2: {  	v62 =	vbroadcast v3, $0x4;
	v61 =	vadd.f32 v17, v61;
	v21 =	vmul.f32 v21, v19;
	v17 =	vld [tilespmem:s24+$0xB80]  }
0xb3: {  	v8 =	vadd.f32 v8, v0;
	v59 =	vadd.f32 v20, v59;
	v20 =	vmul.f32 v24, v19;
	v0 =	vld [tilespmem:s24+$0xB90]  }
0xb4: {  	v63 =	vmul.f32 v30, v62;
	v24 =	vld [tilespmem:s24+$0xBA0];
	v60 =	vadd.f32 v21, v60  }
0xb5: {  	v21 =	vmul.f32 v25, v19;
	v19 =	vmul.f32 v26, v19;
	v26 =	vadd.f32 v20, v61;
	v20 =	vld [tilespmem:s24+$0xBB0]  }
0xb6: {  	v30 =	vmul.f32 v33, v62;
	v33 =	vbroadcast v3, $0x5;
	v25 =	vld [tilespmem:s24+$0xBD0]  }
0xb7: {  	v61 =	vmul.f32 v29, v62;
	v29 =	vld [tilespmem:s24+$0xBF0]  }
0xb8: {  	v34 =	vmul.f32 v34, v62;
	v62 =	vmul.f32 v36, v33;
	v36 =	vld [tilespmem:s24+$0xC20];
	v8 =	vadd.f32 v21, v8  }
0xb9: {  	v21 =	vld [tilespmem:s24+$0xBC0];
	v19 =	vadd.f32 v19, v59;
	v59 =	vadd.f32 v61, v60;
	v61 =	vmul.f32 v35, v33  }
0xba: {  	v60 =	vadd.f32 v63, v26;
	v26 =	vld [tilespmem:s24+$0xBE0];
	v35 =	vbroadcast v3, $0x6;
	v63 =	vmul.f32 v37, v33  }
0xbb: {  	v37 =	vmul.f32 v38, v33;
	v33 =	vld [tilespmem:s24+$0xC10];
	v8 =	vadd.f32 v30, v8;
	v59 =	vadd.f32 v61, v59  }
0xbc: {  	v30 =	vld [tilespmem:s24+$0xC00];
	v38 =	vadd.f32 v62, v60;
	v61 =	vmul.f32 v40, v35;
	v62 =	vmul.f32 v41, v35  }
0xbd: {  	v19 =	vadd.f32 v34, v19;
	v60 =	vmul.f32 v48, v35;
	v34 =	vld [tilespmem:s24+$0xC30];
	v48 =	vbroadcast v3, $0x8  }
0xbe: {  	v41 =	vld [tilespmem:s24+$0xC80];
	v8 =	vadd.f32 v63, v8;
	v63 =	vmul.f32 v43, v35;
	v43 =	vbroadcast v3, $0x7  }
0xbf: {  	v19 =	vadd.f32 v37, v19;
	v59 =	vadd.f32 v61, v59;
	v35 =	vld [tilespmem:s24+$0xC40]  }
0xc0: {  	v40 =	vadd.f32 v62, v38;
	v37 =	vld [tilespmem:s24+$0xC50];
	v57 =	vmul.f32 v57, v48;
	v61 =	vmul.f32 v50, v43  }
0xc1: {  	v38 =	vld [tilespmem:s24+$0xC60];
	v8 =	vadd.f32 v63, v8;
	v62 =	vmul.f32 v51, v43;
	v63 =	vmul.f32 v52, v43  }
0xc2: {  	v19 =	vadd.f32 v60, v19;
	v43 =	vmul.f32 v53, v43;
	v60 =	vmul.f32 v54, v48;
	v51 =	vld [tilespmem:s24+$0xD20]  }
0xc3: {  	v53 =	vld [tilespmem:s24+$0xD40];
	v50 =	vadd.f32 v61, v59;
	v59 =	vadd.f32 v62, v40;
	v61 =	vmul.f32 v55, v48  }
0xc4: {  	v54 =	vld [tilespmem:$0x1FFE0];
	v8 =	vadd.f32 v63, v8;
	v62 =	vmul.f32 v56, v48;
	v63 =	vbroadcast v3, $0x9  }
0xc5: {  	v40 =	vld [tilespmem:s24+$0xC70];
	v19 =	vadd.f32 v43, v19;
	v56 =	vbroadcast v2, $0x0;
	v50 =	vadd.f32 v60, v50  }
0xc6: {  	v43 =	vld [tilespmem:s24+$0xC90];
	v52 =	vadd.f32 v61, v59;
	v59 =	vmul.f32 v58, v63;
	v60 =	vmul.f32 v44, v63  }
0xc7: {  	v48 =	vld [tilespmem:s24+$0xCA0];
	v8 =	vadd.f32 v62, v8;
	v61 =	vbroadcast v3, $0xA;
	v62 =	vmul.f32 v45, v63  }
0xc8: {  	v19 =	vadd.f32 v57, v19;
	v44 =	vld [tilespmem:s24+$0xCB0];
	v49 =	vmul.f32 v49, v63;
	v58 =	vbroadcast v3, $0xB  }
0xc9: {  	v45 =	vld [tilespmem:s24+$0xCC0];
	v50 =	vadd.f32 v59, v50;
	v63 =	vmul.f32 v46, v61;
	v47 =	vmul.f32 v47, v61  }
0xca: {  	v52 =	vadd.f32 v60, v52;
	v46 =	vld [tilespmem:s24+$0xCD0];
	v57 =	vmul.f32 v42, v61;
	v60 =	vmul.f32 v39, v61  }
0xcb: {  	v8 =	vadd.f32 v62, v8;
	v42 =	vld [tilespmem:s24+$0xCE0];
	v61 =	vmul.f32 v32, v58;
	v31 =	vmul.f32 v31, v58  }
0xcc: {  	v19 =	vadd.f32 v49, v19;
	v39 =	vld [tilespmem:s24+$0xCF0];
	v62 =	vbroadcast v3, $0xC;
	v27 =	vmul.f32 v27, v58  }
0xcd: {  	v32 =	vld [tilespmem:s24+$0xD00];
	v28 =	vmul.f32 v28, v58;
	v58 =	vmul.f32 v17, v56;
	v59 =	vadd.f32 v63, v50  }
0xce: {  	v17 =	vld [tilespmem:s24+$0xE00];
	v47 =	vadd.f32 v47, v52;
	v22 =	vmul.f32 v22, v62;
	v23 =	vmul.f32 v23, v62  }
0xcf: {  	v8 =	vadd.f32 v57, v8;
	v52 =	vld [tilespmem:s24+$0xD10];
	v18 =	vmul.f32 v18, v62;
	v63 =	vbroadcast v3, $0xD  }
0xd0: {  	v19 =	vadd.f32 v60, v19;
	v15 =	vmul.f32 v15, v62;
	v62 =	vmul.f32 v20, v56;
	v20 =	vld [tilespmem:s24+$0xE40]  }
0xd1: {  	v50 =	vbroadcast v3, $0xE;
	v3 =	vbroadcast v3, $0xF;
	v31 =	vadd.f32 v31, v47;
	v47 =	vld [tilespmem:s24+$0xD30]  }
0xd2: {  	v60 =	vbroadcast v2, $0x1;
	v19 =	vadd.f32 v28, v19;
	v28 =	vld [tilespmem:s24+$0xD50];
	v10 =	vmul.f32 v10, v63  }
0xd3: {  	v8 =	vadd.f32 v27, v8;
	v27 =	vld [tilespmem:s24+$0xD80];
	v5 =	vmul.f32 v5, v50;
	v11 =	vmul.f32 v11, v50  }
0xd4: {  	v12 =	vmul.f32 v12, v50;
	v55 =	vmul.f32 v13, v3;
	v13 =	vld [tilespmem:s24+$0xDD0]  }
0xd5: {  	v4 =	vmul.f32 v4, v50;
	v57 =	vmul.f32 v14, v3;
	v14 =	vld [tilespmem:s24+$0xDE0]  }
0xd6: {  	v9 =	vmul.f32 v9, v3;
	v50 =	vmul.f32 v26, v60;
	v26 =	vld [tilespmem:s24+$0xE60]  }
0xd7: {  	v49 =	vadd.f32 v61, v59;
	v3 =	vmul.f32 v16, v3;
	v16 =	vmul.f32 v29, v60;
	v29 =	vld [tilespmem:s24+$0xE90]  }
0xd8: {  	v59 =	vmul.f32 v24, v56;
	v24 =	vmul.f32 v21, v60;
	v21 =	vld [tilespmem:s24+$0xED0]  }
0xd9: {  	v6 =	vmul.f32 v6, v63;
	v22 =	vadd.f32 v22, v49;
	v8 =	vadd.f32 v18, v8;
	v18 =	vld [tilespmem:s24+$0xD60]  }
0xda: {  	v7 =	vmul.f32 v7, v63;
	v23 =	vadd.f32 v23, v31;
	v15 =	vadd.f32 v15, v19;
	v31 =	vld [tilespmem:s24+$0xD70]  }
0xdb: {  	v0 =	vmul.f32 v0, v56;
	v19 =	vld [tilespmem:s24+$0xE30];
	v10 =	vadd.f32 v10, v22;
	v22 =	vmul.f32 v54, v63  }
0xdc: {  	v49 =	vbroadcast v2, $0x2;
	v6 =	vadd.f32 v6, v23;
	v23 =	vld [tilespmem:s24+$0xD90];
	v7 =	vadd.f32 v7, v15  }
0xdd: {  	v25 =	vmul.f32 v25, v60;
	v15 =	vld [tilespmem:s24+$0xDF0];
	v8 =	vadd.f32 v22, v8;
	v5 =	vadd.f32 v5, v10  }
0xde: {  	v54 =	vmul.f32 v30, v49;
	v30 =	vld [tilespmem:s24+$0xEA0];
	v6 =	vadd.f32 v11, v6;
	v4 =	vadd.f32 v4, v7  }
0xdf: {  	v56 =	vmul.f32 v36, v49;
	v36 =	vld [tilespmem:s24+$0xEC0];
	v8 =	vadd.f32 v12, v8;
	v5 =	vadd.f32 v9, v5  }
0xe0: {  	v22 =	vld [tilespmem:s24+$0xDA0];
	v6 =	vadd.f32 v55, v6;
	v3 =	vadd.f32 v3, v4;
	v55 =	vmul.f32 v33, v49  }
0xe1: {  	v10 =	vld [tilespmem:s24+$0xDB0];
	v8 =	vadd.f32 v57, v8;
	v61 =	vadd.f32 v58, v5;
	v57 =	vbroadcast v2, $0x3  }
0xe2: {  	v11 =	vld [tilespmem:s24+$0xDC0];
	v0 =	vadd.f32 v0, v6;
	v3 =	vadd.f32 v62, v3;
	v58 =	vmul.f32 v34, v49  }
0xe3: {  	v7 =	vld [tilespmem:s24+$0xE10];
	v63 =	vadd.f32 v59, v8;
	v4 =	vadd.f32 v24, v61;
	v59 =	vmul.f32 v35, v57  }
0xe4: {  	v9 =	vld [tilespmem:s24+$0xE20];
	v0 =	vadd.f32 v25, v0;
	v60 =	vmul.f32 v37, v57;
	v61 =	vbroadcast v2, $0x4  }
0xe5: {  	v12 =	vld [tilespmem:s24+$0xE70];
	v3 =	vadd.f32 v16, v3;
	v62 =	vmul.f32 v38, v57;
	v25 =	vmul.f32 v40, v57  }
0xe6: {  	v33 =	vld [tilespmem:s24+$0xF30];
	v6 =	vadd.f32 v50, v63;
	v63 =	vmul.f32 v41, v61;
	v40 =	vmul.f32 v43, v61  }
0xe7: {  	v34 =	vld [tilespmem:s24+$0xEB0];
	v4 =	vadd.f32 v54, v4;
	v41 =	vmul.f32 v48, v61;
	v43 =	vbroadcast v2, $0x5  }
0xe8: {  	v5 =	vld [tilespmem:s24+$0x1110];
	v0 =	vadd.f32 v55, v0;
	v44 =	vmul.f32 v44, v61;
	v48 =	vbroadcast v2, $0x6  }
0xe9: {  	v24 =	vld [tilespmem:s24+$0xE50];
	v3 =	vadd.f32 v58, v3;
	v45 =	vmul.f32 v45, v43;
	v46 =	vmul.f32 v46, v43  }
0xea: {  	v16 =	vld [tilespmem:s24+$0xE80];
	v6 =	vadd.f32 v56, v6;
	v49 =	vmul.f32 v42, v43;
	v35 =	vmul.f32 v39, v43  }
0xeb: {  	v37 =	vld [tilespmem:s24+$0xEF0];
	v4 =	vadd.f32 v59, v4;
	v50 =	vmul.f32 v32, v48;
	v54 =	vmul.f32 v52, v48  }
0xec: {  	v38 =	vld [tilespmem:s24+$0xF00];
	v0 =	vadd.f32 v60, v0;
	v55 =	vmul.f32 v51, v48;
	v56 =	vbroadcast v2, $0x7  }
0xed: {  	v8 =	vld [tilespmem:s24+$0x1000];
	v3 =	vadd.f32 v25, v3;
	v57 =	vmul.f32 v47, v48;
	v60 =	vbroadcast v2, $0x8  }
0xee: {  	v25 =	vld [tilespmem:s24+$0xEE0];
	v6 =	vadd.f32 v62, v6;
	v4 =	vadd.f32 v63, v4;
	v58 =	vmul.f32 v53, v56  }
0xef: {  	v39 =	vld [tilespmem:s24+$0xF10];
	v0 =	vadd.f32 v40, v0;
	v59 =	vmul.f32 v28, v56;
	v61 =	vmul.f32 v18, v56  }
0xf0: {  	v32 =	vld [tilespmem:s24+$0xF40];
	v3 =	vadd.f32 v44, v3;
	v62 =	vmul.f32 v31, v56;
	v63 =	vmul.f32 v27, v60  }
0xf1: {  	v31 =	vld [tilespmem:s24+$0xF60];
	v23 =	vmul.f32 v23, v60;
	v4 =	vadd.f32 v45, v4;
	v45 =	vbroadcast v2, $0x9  }
0xf2: {  	v27 =	vld [tilespmem:s24+$0xF70];
	v44 =	vmul.f32 v22, v60;
	v6 =	vadd.f32 v41, v6;
	v0 =	vadd.f32 v46, v0  }
0xf3: {  	v40 =	vld [tilespmem:s24+$0xF80];
	v3 =	vadd.f32 v35, v3;
	v46 =	vmul.f32 v10, v60;
	v47 =	vmul.f32 v11, v45  }
0xf4: {  	v18 =	vld [tilespmem:s24+$0xFB0];
	v6 =	vadd.f32 v49, v6;
	v48 =	vmul.f32 v13, v45;
	v49 =	vbroadcast v2, $0xA  }
0xf5: {  	v22 =	vld [tilespmem:s24+$0xFE0];
	v4 =	vadd.f32 v50, v4;
	v50 =	vmul.f32 v14, v45;
	v51 =	vmul.f32 v15, v45  }
0xf6: {  	v41 =	vld [tilespmem:s24+$0xF20];
	v0 =	vadd.f32 v54, v0;
	v54 =	vbroadcast v2, $0xB;
	v52 =	vmul.f32 v17, v49  }
0xf7: {  	v35 =	vld [tilespmem:s24+$0xF50];
	v3 =	vadd.f32 v57, v3;
	v7 =	vmul.f32 v7, v49;
	v53 =	vmul.f32 v9, v49  }
0xf8: {  	v10 =	vld [tilespmem:s24+$0xF90];
	v6 =	vadd.f32 v55, v6;
	v55 =	vmul.f32 v19, v49;
	v56 =	vmul.f32 v20, v54  }
0xf9: {  	v11 =	vld [tilespmem:s24+$0xFA0];
	v4 =	vadd.f32 v58, v4;
	v57 =	vmul.f32 v24, v54;
	v58 =	vbroadcast v2, $0xC  }
0xfa: {  	v15 =	vld [tilespmem:s24+$0xFC0];
	v0 =	vadd.f32 v59, v0;
	v59 =	vmul.f32 v26, v54;
	v9 =	vmul.f32 v12, v54  }
0xfb: {  	v13 =	vld [tilespmem:s24+$0xFF0];
	v3 =	vadd.f32 v62, v3;
	v26 =	vbroadcast v1, $0x3;
	v60 =	vmul.f32 v16, v58  }
0xfc: {  	v14 =	vld [tilespmem:s24+$0x1060];
	v6 =	vadd.f32 v61, v6;
	v61 =	vmul.f32 v29, v58;
	v62 =	vmul.f32 v30, v58  }
0xfd: {  	v17 =	vld [tilespmem:s24+$0xFD0];
	v4 =	vadd.f32 v63, v4;
	v63 =	vbroadcast v2, $0xD;
	v28 =	vmul.f32 v34, v58  }
0xfe: {  	v19 =	vld [tilespmem:s24+$0x1010];
	v0 =	vadd.f32 v23, v0;
	v34 =	vbroadcast v2, $0xE;
	v2 =	vbroadcast v2, $0xF  }
0xff: {  	v12 =	vld [tilespmem:s24+$0x1020];
	v3 =	vadd.f32 v46, v3;
	v29 =	vmul.f32 v36, v63;
	v30 =	vmul.f32 v21, v63  }
0x100: {  	v20 =	vld [tilespmem:s24+$0x1030];
	v6 =	vadd.f32 v44, v6;
	v36 =	vmul.f32 v25, v63;
	v23 =	vmul.f32 v37, v63  }
0x101: {  	v24 =	vld [tilespmem:s24+$0x1040];
	v4 =	vadd.f32 v47, v4;
	v42 =	vmul.f32 v38, v34;
	v43 =	vmul.f32 v39, v34  }
0x102: {  	v46 =	vld [tilespmem:s24+$0x10A0];
	v0 =	vadd.f32 v48, v0;
	v45 =	vmul.f32 v41, v34;
	v47 =	vmul.f32 v33, v34  }
0x103: {  	v3 =	vadd.f32 v51, v3;
	v21 =	vld [tilespmem:s24+$0x1070];
	v49 =	vmul.f32 v32, v2;
	v51 =	vbroadcast v1, $0x0  }
0x104: {  	v25 =	vld [tilespmem:s24+$0x1080];
	v38 =	vbroadcast v1, $0x4;
	v6 =	vadd.f32 v50, v6;
	v50 =	vmul.f32 v35, v2  }
0x105: {  	v44 =	vld [tilespmem:s24+$0x1090];
	v4 =	vadd.f32 v52, v4;
	v52 =	vmul.f32 v31, v2;
	v2 =	vmul.f32 v27, v2  }
0x106: {  	v48 =	vld [tilespmem:s24+$0x10B0];
	v0 =	vadd.f32 v7, v0;
	v10 =	vmul.f32 v10, v51;
	v54 =	vmul.f32 v11, v51  }
0x107: {  	v32 =	vld [tilespmem:s24+$0x1100];
	v3 =	vadd.f32 v55, v3;
	v55 =	vbroadcast v1, $0x1;
	v35 =	vmul.f32 v24, v26  }
0x108: {  	v34 =	vld [tilespmem:s24+$0x1170];
	v6 =	vadd.f32 v53, v6;
	v4 =	vadd.f32 v56, v4;
	v53 =	vmul.f32 v40, v51  }
0x109: {  	v39 =	vld [tilespmem:s24+$0x1190];
	v0 =	vadd.f32 v57, v0;
	v57 =	vmul.f32 v18, v51;
	v58 =	vmul.f32 v15, v55  }
0x10a: {  	v41 =	vld [tilespmem:s24+$0x11A0];
	v3 =	vadd.f32 v9, v3;
	v11 =	vmul.f32 v13, v55;
	v40 =	vmul.f32 v14, v26  }
0x10b: {  	v27 =	vld [tilespmem:s24+$0x10E0];
	v48 =	vmul.f32 v48, v38;
	v6 =	vadd.f32 v59, v6;
	v4 =	vadd.f32 v60, v4  }
0x10c: {  	v9 =	vld [tilespmem:s24+$0x1050];
	v0 =	vadd.f32 v61, v0;
	v3 =	vadd.f32 v28, v3;
	v60 =	vbroadcast v1, $0x2  }
0x10d: {  	v31 =	vld [tilespmem:s24+$0x10F0];
	v59 =	vmul.f32 v17, v55;
	v61 =	vmul.f32 v22, v55;
	v6 =	vadd.f32 v62, v6  }
0x10e: {  	v18 =	vld [tilespmem:s24+$0x1150];
	v4 =	vadd.f32 v29, v4;
	v62 =	vmul.f32 v8, v60;
	v63 =	vmul.f32 v19, v60  }
0x10f: {  	v24 =	vld [tilespmem:s24+$0x1320];
	v0 =	vadd.f32 v30, v0;
	v22 =	vmul.f32 v12, v60;
	v33 =	vmul.f32 v20, v60  }
0x110: {  	v13 =	vld [tilespmem:s24+$0x1140];
	v3 =	vadd.f32 v23, v3;
	v12 =	vmul.f32 v21, v26;
	v60 =	vbroadcast v1, $0x7  }
0x111: {  	v23 =	vld [tilespmem:s24+$0x10C0];
	v37 =	vmul.f32 v9, v26;
	v6 =	vadd.f32 v36, v6;
	v4 =	vadd.f32 v42, v4  }
0x112: {  	v30 =	vld [tilespmem:s24+$0x10D0];
	v0 =	vadd.f32 v43, v0;
	v3 =	vadd.f32 v47, v3;
	v42 =	vmul.f32 v25, v38  }
0x113: {  	v51 =	vld [tilespmem:s24+$0x11E0];
	v43 =	vmul.f32 v44, v38;
	v29 =	vmul.f32 v18, v60;
	v6 =	vadd.f32 v45, v6  }
0x114: {  	v17 =	vld [tilespmem:s24+$0x1130];
	v4 =	vadd.f32 v49, v4;
	v45 =	vmul.f32 v46, v38;
	v46 =	vbroadcast v1, $0x5  }
0x115: {  	v28 =	vld [tilespmem:s24+$0x1240];
	v0 =	vadd.f32 v50, v0;
	v2 =	vadd.f32 v2, v3;
	v38 =	vbroadcast v1, $0x9  }
0x116: {  	v19 =	vld [tilespmem:s24+$0x1160];
	v6 =	vadd.f32 v52, v6;
	v56 =	vadd.f32 v53, v4;
	v50 =	vmul.f32 v23, v46  }
0x117: {  	v36 =	vld [tilespmem:s24+$0x1180];
	v0 =	vadd.f32 v10, v0;
	v52 =	vmul.f32 v30, v46;
	v53 =	vbroadcast v1, $0x6  }
0x118: {  	v10 =	vld [tilespmem:s24+$0x1120];
	v2 =	vadd.f32 v57, v2;
	v55 =	vmul.f32 v27, v46;
	v27 =	vmul.f32 v13, v60  }
0x119: {  	v44 =	vld [tilespmem:s24+$0x11B0];
	v30 =	vbroadcast v1, $0x8;
	v6 =	vadd.f32 v54, v6;
	v3 =	vadd.f32 v58, v56  }
0x11a: {  	v47 =	vld [tilespmem:s24+$0x11C0];
	v0 =	vadd.f32 v59, v0;
	v2 =	vadd.f32 v11, v2;
	v57 =	vmul.f32 v32, v53  }
0x11b: {  	v49 =	vld [tilespmem:s24+$0x11D0];
	v5 =	vmul.f32 v5, v53;
	v32 =	vmul.f32 v19, v60;
	v6 =	vadd.f32 v61, v6  }
0x11c: {  	v54 =	vld [tilespmem:s24+$0x11F0];
	v3 =	vadd.f32 v62, v3;
	v0 =	vadd.f32 v63, v0;
	v62 =	vmul.f32 v17, v53  }
0x11d: {  	v56 =	vld [tilespmem:s24+$0x1200];
	v2 =	vadd.f32 v33, v2;
	v59 =	vmul.f32 v10, v53;
	v10 =	vmul.f32 v34, v60  }
0x11e: {  	v58 =	vld [tilespmem:s24+$0x1210];
	v34 =	vmul.f32 v36, v30;
	v6 =	vadd.f32 v22, v6;
	v3 =	vadd.f32 v35, v3  }
0x11f: {  	v61 =	vld [tilespmem:s24+$0x1220];
	v0 =	vadd.f32 v37, v0;
	v2 =	vadd.f32 v12, v2;
	v22 =	vmul.f32 v31, v46  }
0x120: {  	v36 =	vld [tilespmem:s24+$0x1270];
	v35 =	vmul.f32 v39, v30;
	v37 =	vmul.f32 v41, v30;
	v6 =	vadd.f32 v40, v6  }
0x121: {  	v31 =	vld [tilespmem:s24+$0x1250];
	v3 =	vadd.f32 v42, v3;
	v40 =	vmul.f32 v44, v30;
	v42 =	vmul.f32 v47, v38  }
0x122: {  	v63 =	vld [tilespmem:s24+$0x1230];
	v0 =	vadd.f32 v43, v0;
	v44 =	vmul.f32 v49, v38;
	v47 =	vmul.f32 v51, v38  }
0x123: {  	v33 =	vld [tilespmem:s24+$0x1260];
	v2 =	vadd.f32 v48, v2;
	v48 =	vmul.f32 v54, v38;
	v54 =	vbroadcast v1, $0xB  }
0x124: {  	v39 =	vld [tilespmem:s24+$0x1280];
	v6 =	vadd.f32 v45, v6;
	v3 =	vadd.f32 v50, v3;
	v45 =	vbroadcast v1, $0xA  }
0x125: {  	v41 =	vld [tilespmem:s24+$0x1290];
	v0 =	vadd.f32 v52, v0;
	v2 =	vadd.f32 v22, v2;
	v23 =	vmul.f32 v36, v54  }
0x126: {  	v46 =	vld [tilespmem:s24+$0x12B0];
	v60 =	vmul.f32 v31, v54;
	v6 =	vadd.f32 v55, v6;
	v50 =	vmul.f32 v56, v45  }
0x127: {  	v43 =	vld [tilespmem:s24+$0x12A0];
	v3 =	vadd.f32 v57, v3;
	v51 =	vmul.f32 v58, v45;
	v53 =	vmul.f32 v61, v45  }
0x128: {  	v49 =	vld [tilespmem:s24+$0x12C0];
	v0 =	vadd.f32 v5, v0;
	v56 =	vmul.f32 v63, v45;
	v58 =	vmul.f32 v28, v54  }
0x129: {  	v52 =	vld [tilespmem:s24+$0x12D0];
	v2 =	vadd.f32 v62, v2;
	v61 =	vbroadcast v1, $0xC;
	v63 =	vmul.f32 v33, v54  }
0x12a: {  	v55 =	vld [tilespmem:s24+$0x12E0];
	v28 =	vbroadcast v1, $0xD;
	v22 =	vadd.f32 v59, v6;
	v3 =	vadd.f32 v27, v3  }
0x12b: {  	v57 =	vld [tilespmem:s24+$0x12F0];
	v0 =	vadd.f32 v29, v0;
	v2 =	vadd.f32 v10, v2;
	v25 =	vmul.f32 v39, v61  }
0x12c: {  	v62 =	vld [tilespmem:s24+$0x1310];
	v10 =	vmul.f32 v41, v61;
	v27 =	vmul.f32 v43, v61;
	v5 =	vadd.f32 v32, v22  }
0x12d: {  	v26 =	vld [tilespmem:s24+$0x1330];
	v30 =	vmul.f32 v46, v61;
	v3 =	vadd.f32 v34, v3;
	v0 =	vadd.f32 v35, v0  }
0x12e: {  	v31 =	vld [tilespmem:s24+$0x1350];
	v2 =	vadd.f32 v40, v2;
	v32 =	vmul.f32 v49, v28;
	v34 =	vmul.f32 v52, v28  }
0x12f: {  	v33 =	vld [tilespmem:s24+$0x1360];
	v35 =	vbroadcast v1, $0xE;
	v1 =	vbroadcast v1, $0xF;
	v5 =	vadd.f32 v37, v5  }
0x130: {  	v59 =	vld [tilespmem:s24+$0x1300];
	v8 =	vmul.f32 v57, v28;
	v3 =	vadd.f32 v42, v3;
	v0 =	vadd.f32 v44, v0  }
0x131: {  	v29 =	vld [tilespmem:s24+$0x1340];
	v2 =	vadd.f32 v48, v2;
	v37 =	vmul.f32 v55, v28;
	v40 =	vmul.f32 v62, v35  }
0x132: {  	v36 =	vld [tilespmem:s24+$0x1370];
	v42 =	vmul.f32 v24, v35;
	v44 =	vmul.f32 v26, v35;
	v3 =	vadd.f32 v50, v3  }
0x133: {  	v49 =	vld [tilespmem:$0x1FFF0];
	v48 =	vmul.f32 v31, v1;
	v5 =	vadd.f32 v47, v5;
	v0 =	vadd.f32 v51, v0  }
0x134: {  	v52 =	vmul.f32 v33, v1;
	v2 =	vadd.f32 v56, v2;
	v3 =	vadd.f32 v58, v3  }
0x135: {  	v38 =	vld [tilespmem:s24+$0x1380];
	v39 =	vmul.f32 v59, v35;
	v5 =	vadd.f32 v53, v5;
	v0 =	vadd.f32 v60, v0  }
0x136: {  	v41 =	vld [tilespmem:s24+$0x1390];
	v46 =	vmul.f32 v29, v1;
	v2 =	vadd.f32 v23, v2;
	v3 =	vadd.f32 v25, v3  }
0x137: {  	v43 =	vld [tilespmem:s24+$0x13A0];
	v1 =	vmul.f32 v36, v1;
	v5 =	vadd.f32 v63, v5;
	v0 =	vadd.f32 v10, v0  }
0x138: {  	v45 =	vld [tilespmem:s24+$0x13B0];
	v50 =	vbroadcast v49, $0x0;
	v2 =	vadd.f32 v30, v2;
	v3 =	vadd.f32 v32, v3  }
0x139: {  	v47 =	vld [tilespmem:s24+$0x13C0];
	v55 =	vbroadcast v49, $0x1;
	v5 =	vadd.f32 v27, v5;
	v0 =	vadd.f32 v34, v0  }
0x13a: {  	v51 =	vld [tilespmem:s24+$0x13D0];
	v54 =	vmul.f32 v38, v50;
	v2 =	vadd.f32 v8, v2;
	v3 =	vadd.f32 v39, v3  }
0x13b: {  	v56 =	vld [tilespmem:s24+$0x13F0];
	v57 =	vmul.f32 v41, v50;
	v5 =	vadd.f32 v37, v5;
	v0 =	vadd.f32 v40, v0  }
0x13c: {  	v53 =	vld [tilespmem:s24+$0x13E0];
	v58 =	vmul.f32 v43, v50;
	v2 =	vadd.f32 v44, v2;
	v3 =	vadd.f32 v46, v3  }
0x13d: {  	v60 =	vmul.f32 v45, v50;
	v5 =	vadd.f32 v42, v5;
	v0 =	vadd.f32 v48, v0  }
0x13e: {  	v59 =	vmul.f32 v47, v55;
	v1 =	vadd.f32 v1, v2;
	v3 =	vadd.f32 v54, v3  }
0x13f: {  	v61 =	vmul.f32 v51, v55;
	v5 =	vadd.f32 v52, v5;
	v0 =	vadd.f32 v57, v0  }
0x140: {  	p0 =	sne.s32 s21, $0xF;
	v63 =	vmul.f32 v56, v55;
	v1 =	vadd.f32 v60, v1;
	v3 =	vadd.f32 v59, v3  }
.Ltmp0:
0x141: {  	v62 =	vmul.f32 v53, v55;
	v4 =	vadd.f32 v58, v5;
	v0 =	vadd.f32 v61, v0;
	(pc) =	sbr.rel @p0 .LBB2_3-.Ltmp0, $4  }
0x142: {  	v1 =	vadd.f32 v63, v1;
	[tilespmem:s23+$0xCF80] =	vst v3  }
0x143: {  	v4 =	vadd.f32 v62, v4;
	[tilespmem:s23+$0xCF90] =	vst v0  }
0x144: {  	[tilespmem:s23+$0xCFB0] =	vst v1  }
0x145: {  	s21 =	sadd.s32 $0x1, s21;
	[tilespmem:s23+$0xCFA0] =	vst v4  }
0x146: {  	s20 =	sadd.s32 $0x1, s20  }
0x147: {  	p0 =	sne.s32 s20, $0x20  }
.Ltmp1:
0x148: {  	s21 =	sadd.s32 s6, s22;
	s24 =	simm.s32 $0x0;
	(pc) =	sbr.rel @p0 .LBB2_2-.Ltmp1, $4  }
0x149: {  	[hbm4b:s21+s24] =	stream.linear.scatter [tilespmem:s19], [sflag:$0x2], $0x400, $0x38;
	[tilespmem:$0xD380] =	vst v63  }
0x14a: {  	_ =	swait.ge [sflag:s9], $0x400  }
0x14b: {  	[sflag:s9] =	ssyncset.done $0x0  }
0x14c: {  	[sflag:s9] =	ssyncadd.s32 $0xFFFFFC00  }
0x14d: {  	s21 =	rddreg [dreg:$0x4]  }
0x14e: {  	s20 =	rddreg [dreg:$0x3];
	s21 =	sadd.s32 $0x1, s21  }
0x14f: {  	p0 =	sne.s32 s21, s20  }
.Ltmp2:
0x150: {  	_ = 	snop;
	(pc) =	sbr.rel @p0 .LBB2_1-.Ltmp2, $1  }
0x151: {  	_ =	sdelay $0x3  }
0x152: {  	_ =	sfence.sel $0x180000  }
0x153: {  	[bflag:$0x0] =	sbarrier.arrive $0xFFFF  }
0x154: {  	_ =	strace $0x9000004A  }
0x155: {  	s0 =	stileid.u32;
	[bflag:$0x2] =	sbarrier.arrive $0xFFFF  }
0x156: {  	p0 =	sne.s32 s0, $0x0;
	s0 =	rddreg [dreg:$0x2]  }
0x157: {  	s0 =	sadd.s32 @!p0 $0x100000, s0  }
0x158: {  	[sflag:s0] =	ssyncadd.tile.s32 @!p0 $0x1;
	_ =	shalt  }
.Lfunc_end2:
_tile_overlayer_lowered:
.L_overlay_start_2:
0x159: {  	(tag) =	ssettag $0x2  }
0x15a: {  	s0 =	rddreg [dreg:$0x0];
	s2 =	stileid.u32  }
0x15b: {  	s1 =	rddreg [dreg:$0x1];
	p0 =	sne.s32 s2, $0x0  }
0x15c: {  	s3 =	rddreg [dreg:$0x2];
	[bflag:$0x3] =	sbarrier.arrive $0xFFFF;
	s2 =	simm.s32 @!p0 $0x1C02  }
0x15d: {  	[timem:s3], [sflag:s2] =	dma.local @!p0 [hbm:s0], s1  }
0x15e: {  	s0 =	simm.s32 @!p0 $0x2  }
0x15f: {  	_ =	swait.ge @!p0 [sflag:s0], s1  }
0x160: {  	s1 =	ssub.s32 @!p0 $0x0, s1;
	[sflag:s0] =	ssyncset.done @!p0 $0x0  }
0x161: {  	[sflag:s0] =	ssyncadd.s32 @!p0 s1  }
0x162: {  	[bflag:$0x3] =	sbarrier.arrive $0xFFFF  }
0x163: {  	_ =	shalt  }

// kernel: kernel.7.cloned.1.call-start
scs
__scs_entry_jumppad:
0x0: {  	(pc) =	sbr.rel $0x88, $3  }
0x1: {  	(tag) =	ssettag $0x0;
	lr =	simm.s32 $0x1  }
0x2: {  	[smem:$0x3F97] =	sst lr;
	_ =	strace $0xD0000000  }
0x3: {  	_ = 	snop  }
0x4: {  	_ = 	snop  }
0x5: {  	_ = 	snop  }
0x6: {  	_ = 	snop  }
0x7: {  	_ = 	snop  }
__scs_overlays_trampoline_lowered:
0x8: {  	[smem:$0x3FA6] =	sst s0  }
0x9: {  	[smem:$0x3FA7] =	sst s1  }
0xa: {  	[smem:$0x3FA8] =	sst s2  }
0xb: {  	[smem:$0x3FA9] =	sst s3  }
0xc: {  	[smem:$0x3FAA] =	sst s4  }
0xd: {  	[smem:$0x3FAB] =	sst s5  }
0xe: {  	[smem:$0x3FAC] =	sst s6  }
0xf: {  	[smem:$0x3FAD] =	sst s7  }
0x10: {  	[smem:$0x3FAE] =	sst s8  }
0x11: {  	[smem:$0x3FAF] =	sst s9;
	s0 =	simm.s32 @!p0 $0x0  }
0x12: {  	s1 =	sld [smem:$0x3F95];
	s0 =	simm.s32 @p0 $0x1  }
0x13: {  	[smem:$0x3FB0] =	sst s0;
	s0 =	simm.s32 @!p1 $0x0  }
0x14: {  	s2 =	sld [smem:$0x3F94];
	s0 =	simm.s32 @p1 $0x1  }
0x15: {  	[smem:$0x3FB1] =	sst s0;
	s0 =	simm.s32 @!p2 $0x0  }
0x16: {  	s3 =	sld [smem:$0x3FDB];
	s0 =	simm.s32 @p2 $0x1  }
0x17: {  	s4 =	simm.s32 $0x1BF5;
	[smem:$0x3FB3] =	sst s0  }
0x18: {  	s0 =	sld [smem:$0x3F96];
	_ =	swait.ge [sflag:s4], $0x0  }
0x19: {  	s7 =	sld [smem:$0x3F97]  }
0x1a: {  	s8 =	sadd.s32 $0xFFFFE003, lr  }
0x1b: {  	s9 =	sadd.s32 $0xFFFFFEF7, lr;
	s5 =	simm.s32 $0xFFFFFFFF;
	p2 =	slt.u32 s8, $0xFFFFF086  }
0x1c: {  	p1 =	slt.u32 s9, $0xF7A;
	s5 =	simm.s32 @!p2 $0x0  }
0x1d: {  	s5 =	simm.s32 @p1 $0x1;
	p0 =	seq.s32 s7, s2  }
0x1e: {  	s7 =	smul.u32 @!p0 $0xF7A, s2;
	p2 =	seq.s32 @!p0 s5, $0x0  }
0x1f: {  	s9 =	smul.u32 $0xF7A, s1;
	s8 =	simm.s32 @!p0 $0x1BF5;
	p2 =	por !p2, p0  }
0x20: {  	[sflag:s8] =	ssyncset.s32 @!p0 $0xFFFFF086;
	s6 =	sadd.s32 @!p0 s3, s7;
	s7 =	simm.s32 @!p0 $0x108  }
0x21: {  	s3 =	sadd.s32 s3, s9;
	s6 =	sadd.s32 @!p0 $0x88, s6;
	s7 =	simm.s32 @p2 $0x1082  }
0x22: {  	[simem:s7], [sflag:s8] =	dma.local @!p0 [hbm:s6], $0xF7A  }
0x23: {  	s9 =	sor.u32 $0xD0000000, s2;
	s6 =	simm.s32 $0x108;
	_ =	swait.ge @!p0 [sflag:s8], $0x0  }
0x24: {  	s3 =	sadd.s32 $0x88, s3;
	s6 =	simm.s32 @!p1 $0x1082;
	[sflag:s4] =	ssyncset.s32 $0xFFFFF086  }
0x25: {  	[simem:s6], [sflag:s4] =	dma.local [hbm:s3], $0xF7A  }
0x26: {  	[smem:$0x3F97] =	sst s1;
	(tag) =	ssettag s2;
	_ =	strace s9  }
0x27: {  	s1 =	sld [smem:$0x3FA7]  }
0x28: {  	s2 =	sld [smem:$0x3FA8]  }
0x29: {  	s4 =	sld [smem:$0x3FAA]  }
0x2a: {  	p0 =	seq.s32 s5, $0x0;
	s5 =	sld [smem:$0x3FAB]  }
0x2b: {  	s6 =	sld [smem:$0x3FAC]  }
0x2c: {  	s7 =	sld [smem:$0x3FAD]  }
0x2d: {  	s3 =	simm.s32 $0x108;
	s8 =	sld [smem:$0x3FAE]  }
0x2e: {  	s3 =	simm.s32 @!p0 $0x1082;
	s9 =	sld [smem:$0x3FAF]  }
0x2f: {  	lr =	sadd.s32 s0, s3;
	s0 =	sld [smem:$0x3FA6]  }
0x30: {  	s3 =	sld [smem:$0x3FA9]  }
0x31: {  	[smem:$0x3FB2] =	sst s10  }
0x32: {  	s10 =	sld [smem:$0x3FB0];
	_ =	sdelay $0x3  }
0x33: {  	p0 =	seq.s32 s10, $0x1;
	s10 =	sld [smem:$0x3FB2];
	_ =	sdelay $0x3  }
0x34: {  	[smem:$0x3FB2] =	sst s10  }
0x35: {  	s10 =	sld [smem:$0x3FB1];
	_ =	sdelay $0x3  }
0x36: {  	p1 =	seq.s32 s10, $0x1;
	s10 =	sld [smem:$0x3FB2];
	_ =	sdelay $0x3  }
0x37: {  	[smem:$0x3FB2] =	sst s10  }
0x38: {  	s10 =	sld [smem:$0x3FB3]  }
0x39: {  	_ = 	snop;
	(pc) =	sbr.ind lr, $3  }
0x3a: {  	_ = 	snop  }
0x3b: {  	_ = 	snop  }
0x3c: {  	p2 =	seq.s32 s10, $0x1;
	s10 =	sld [smem:$0x3FB2]  }
0x3d: {  	_ =	shalt  }
0x3e: {  	_ =	shalt  }
0x3f: {  	_ =	shalt  }
0x40: {  	_ =	shalt  }
0x41: {  	_ =	shalt  }
0x42: {  	_ =	shalt  }
0x43: {  	_ =	shalt  }
0x44: {  	_ =	shalt  }
0x45: {  	_ =	shalt  }
0x46: {  	_ =	shalt  }
0x47: {  	_ =	shalt  }
0x48: {  	_ =	shalt  }
0x49: {  	_ =	shalt  }
0x4a: {  	_ =	shalt  }
0x4b: {  	_ =	shalt  }
0x4c: {  	_ =	shalt  }
0x4d: {  	_ =	shalt  }
0x4e: {  	_ =	shalt  }
0x4f: {  	_ =	shalt  }
0x50: {  	_ =	shalt  }
0x51: {  	_ =	shalt  }
0x52: {  	_ =	shalt  }
0x53: {  	_ =	shalt  }
0x54: {  	_ =	shalt  }
0x55: {  	_ =	shalt  }
0x56: {  	_ =	shalt  }
0x57: {  	_ =	shalt  }
0x58: {  	_ =	shalt  }
0x59: {  	_ =	shalt  }
0x5a: {  	_ =	shalt  }
0x5b: {  	_ =	shalt  }
0x5c: {  	_ =	shalt  }
0x5d: {  	_ =	shalt  }
0x5e: {  	_ =	shalt  }
0x5f: {  	_ =	shalt  }
0x60: {  	_ =	shalt  }
0x61: {  	_ =	shalt  }
0x62: {  	_ =	shalt  }
0x63: {  	_ =	shalt  }
0x64: {  	_ =	shalt  }
0x65: {  	_ =	shalt  }
0x66: {  	_ =	shalt  }
0x67: {  	_ =	shalt  }
0x68: {  	_ =	shalt  }
0x69: {  	_ =	shalt  }
0x6a: {  	_ =	shalt  }
0x6b: {  	_ =	shalt  }
0x6c: {  	_ =	shalt  }
0x6d: {  	_ =	shalt  }
0x6e: {  	_ =	shalt  }
0x6f: {  	_ =	shalt  }
0x70: {  	_ =	shalt  }
0x71: {  	_ =	shalt  }
0x72: {  	_ =	shalt  }
0x73: {  	_ =	shalt  }
0x74: {  	_ =	shalt  }
0x75: {  	_ =	shalt  }
0x76: {  	_ =	shalt  }
0x77: {  	_ =	shalt  }
0x78: {  	_ =	shalt  }
0x79: {  	_ =	shalt  }
0x7a: {  	_ =	shalt  }
0x7b: {  	_ =	shalt  }
0x7c: {  	_ =	shalt  }
0x7d: {  	_ =	shalt  }
0x7e: {  	_ =	shalt  }
0x7f: {  	_ =	shalt  }
0x80: {  	_ =	shalt  }
0x81: {  	_ =	shalt  }
0x82: {  	_ =	shalt  }
0x83: {  	_ =	shalt  }
0x84: {  	_ =	shalt  }
0x85: {  	_ =	shalt  }
0x86: {  	_ =	shalt  }
0x87: {  	_ =	shalt  }
.Lfunc_end0:
.L_simem_size_0:
called_computation_lowered:
.L_overlay_start_0:
0x88: {  	s2 =	sld [smem:$0x3FD9]  }
0x89: {  	s3 =	sld [smem:$0x3FFE];
	_ =	sdelay $0x1  }
0x8a: {  	s1 =	srdreg.scid  }
0x8b: {  	s0 =	sand.u32 $0x1, s1  }
0x8c: {  	s17 =	sshll.u32 s0, $0xA;
	s2 =	sadd.s32 s3, s2  }
0x8d: {  	s2 =	sadd.s32 s2, s17  }
0x8e: {  	[smem:$0x3FBE] =	sst s2  }
0x8f: {  	_ = 	snop  }
0x90: {  	s2 =	sld [smem:$0x3FD0];
	(tm) =	ssettm $0x1  }
0x91: {  	s18 =	sld [smem:$0x3FFB];
	_ =	sdelay $0x3  }
0x92: {  	_ =	strace s18  }
0x93: {  	s3 =	sld [smem:$0x3FFC];
	_ =	sdelay $0x3  }
0x94: {  	_ =	strace s3  }
0x95: {  	s3 =	sld [smem:$0x3FFD];
	_ =	sdelay $0x3  }
0x96: {  	_ =	strace s3  }
0x97: {  	_ =	strace $0x8FFFFFFF  }
0x98: {  	s19 =	sld [smem:$0x3FDB];
	_ =	sdelay $0x1  }
0x99: {  	s4 =	simm.s32 $_scs_section_size  }
0x9a: {  	s5 =	simm.s32 $_size__tile_overlayer_lowered;
	s6 =	simm.s32 $_tile_overlayer_lowered  }
0x9b: {  	s22 =	simm.s32 $0x1BFF;
	s21 =	sshll.u32 s6, $0x1;
	s3 =	sadd.s32 s4, s19  }
0x9c: {  	s7 =	simm.s32 $0x0;
	s20 =	sshll.u32 s5, $0x1;
	s5 =	sadd.s32 s21, s3  }
0x9d: {  	[timem:s7], [sflag:s22] =	dma.local [hbm:s5], s20  }
0x9e: {  	_ =	swait.ge [sflag:s22], s20  }
0x9f: {  	s4 =	ssub.s32 $0x0, s20;
	[sflag:s22] =	ssyncset.done $0x0  }
0xa0: {  	[sflag:s22] =	ssyncadd.s32 s4;
	_ =	sdelay $0x1  }
0xa1: {  	s23 =	simm.s32 $0x1B8B  }
0xa2: {  	_ =	swait.ge [sflag:s23], $0x1  }
0xa3: {  	[sflag:s23] =	ssyncset.done $0x0  }
0xa4: {  	s25 =	simm.s32 $0x1B8E;
	s24 =	sld [smem:$0x3FFE];
	[sflag:s23] =	ssyncadd.s32 $0xFFFFFFFF  }
0xa5: {  	s26 =	simm.s32 $execute0_lowered;
	[smem:$0x3FD2] =	sst s25  }
0xa6: {  	s5 =	sshll.u32 s26, $0x1;
	_ =	strace $0x80000046;
	[dreg:$0x1] =	wrdreg $0xFFFFFFFF  }
0xa7: {  	s28 =	simm.s32 $_size_execute0_lowered;
	s3 =	sadd.s32 s3, s5;
	[dreg:$0x0] =	wrdreg $0x0  }
0xa8: {  	s5 =	sshll.u32 s28, $0x1;
	[dreg:$0x2] =	wrdreg s3  }
0xa9: {  	[dreg:$0x3] =	wrdreg s5  }
0xaa: {  	[dreg:$0x4] =	wrdreg $0xC0  }
0xab: {  	_ =	task [dreg:s7], $0x5FFFF  }
0xac: {  	[dreg:$0x1] =	wrdreg $0xFFFFFFFF  }
0xad: {  	[dreg:$0x0] =	wrdreg $0x60  }
0xae: {  	[dreg:$0x2] =	wrdreg s24  }
0xaf: {  	[dreg:$0x3] =	wrdreg s2  }
0xb0: {  	[dreg:$0x4] =	wrdreg $0x9  }
0xb1: {  	_ =	task.clear_ibuf [dreg:s7], $0x5FFFF;
	_ =	strace $0x90000046  }
0xb2: {  	s29 =	simm.s32 $0x9;
	_ =	strace $0x80000048  }
0xb3: {  	_ =	swait.ge [sflag:s29], $0x1  }
0xb4: {  	[sflag:s29] =	ssyncadd.s32 $0xFFFFFFFF  }
0xb5: {  	_ =	strace $0x90000048  }
0xb6: {  	_ =	sfence  }
0xb7: {  	s30 =	sld [smem:$0x0];
	_ =	sdelay $0x2  }
0xb8: {  	s31 =	sshll.u32 s1, $0xD;
	s1 =	sshrl.u32 s1, $0x2  }
0xb9: {  	s3 =	sand.u32 $0x4000, s31;
	s1 =	sadd.s32 s1, s30  }
0xba: {  	s0 =	sor.u32 s3, s0;
	s1 =	sshll.u32 s1, $0x11  }
0xbb: {  	s0 =	sor.u32 s1, s0  }
0xbc: {  	s0 =	sadd.s32 $0x8F2B, s0  }
0xbd: {  	[sflag:s0] =	ssyncadd.remote.s32 $0x1  }
0xbe: {  	_ =	sfence.sel $0xFFFF  }
0xbf: {  	[dreg:$0x0] =	wrdreg $0xFFFFFFFF;
	(pc) =	sbr.abs _section_cstart, $3  }
0xc0: {  	[dreg:$0x1] =	wrdreg $0xFFFFFFFF  }
0xc1: {  	_ =	task.clear_ibuf [dreg:s7], $0x2FFFF;
	_ =	strace $0x9FFFFFFF  }
0xc2: {  	(tm) =	ssettm $0x7FFFFFFF  }
0xc3: {  	_ =	shalt  }
tec
execute0_lowered:
.L_overlay_start_1:
0x0: {  	(tag) =	ssettag $0x1  }
0x1: {  	s4 =	rddreg [dreg:$0x0];
	s1 =	srdreg.scid  }
0x2: {  	s0 =	stileid.u32;
	s10 =	rddreg [dreg:$0x1]  }
0x3: {  	s2 =	simm.s32 $0x0;
	s14 =	simm.s32 $0x186A0;
	s15 =	simm.s32 $0x19FA0  }
0x4: {  	s16 =	simm.s32 $0x0;
	s3 =	sand.u32 $0x1, s1;
	s5 =	sshll.u32 s0, $0x1  }
0x5: {  	s1 =	rddreg [dreg:$0x2];
	s5 =	sor.u32 s3, s5;
	s6 =	ssub.s32 $0x2, s3  }
0x6: {  	[smem:$0x7FF] =	sst s2;
	s5 =	smul.u32 $0x6400, s5;
	s7 =	sshrl.u32 s6, $0x1  }
0x7: {  	s11 =	sadd.s32 $0x18B600, s4;
	_ =	strace $0x80000047;
	s12 =	ssub.s32 s6, s7  }
0x8: {  	s3 =	sadd.s32 $0x188400, s4;
	s8 =	sshrl.u32 s5, $0x3;
	s12 =	smax.u32 s12, $0x1  }
0x9: {  	s31 =	sadd.s32 $0x320, s8;
	s4 =	sadd.s32 s10, s8;
	s5 =	sadd.s32 s11, s8  }
0xa: {  	s9 =	sadd.s32 $0x640, s8;
	s13 =	sadd.s32 $0x960, s8;
	s6 =	sadd.s32 s10, s31  }
0xb: {  	s7 =	sadd.s32 s11, s31;
	s8 =	sadd.s32 s10, s9;
	s9 =	sadd.s32 s11, s9  }
0xc: {  	s10 =	sadd.s32 s10, s13;
	s11 =	sadd.s32 s11, s13;
	s13 =	simm.s32 $0x1  }
.LBB2_1:
0xd: {  	[tilespmem:s2], [sflag:$0x1] =	stream.linear.gather [hbm4b:s3+s2], $0x186A0, $0x38;
	[tilespmem:$0x1B8A0] =	vst v63  }
0xe: {  	_ =	swait.ge [sflag:s13], $0x186A0  }
0xf: {  	[sflag:s13] =	ssyncset.done $0x0  }
0x10: {  	[sflag:s13] =	ssyncadd.s32 $0xFFFE7960  }
0x11: {  	[tilespmem:s14], [sflag:$0x1] =	stream.linear.gather [hbm4b:s4+s2], $0x1900, $0x38;
	[tilespmem:$0x1B8A0] =	vst v63  }
0x12: {  	_ =	swait.ge [sflag:s13], $0x1900  }
0x13: {  	[sflag:s13] =	ssyncset.done $0x0  }
0x14: {  	s17 =	simm.s32 $0x0;
	[sflag:s13] =	ssyncadd.s32 $0xFFFFE700  }
0x15: {  	v0 =	vld [tilespmem:s17+$0x186A0];
	_ =	sdelay $0x7  }
0x16: {  	s18 =	simm.s32 $0x10;
	s19 =	simm.s32 $0x80;
	v0 =	vld.idx.msk [tilespmem:v0+s2+$0x0], $0xffff  }
.LBB2_2:
0x17: {  	p0 =	sne.s32 s19, $0x63C0;
	v1 =	vld [tilespmem:s18+$0x186A0];
	_ =	sdelay $0x3  }
.Ltmp0:
0x18: {  	(pc) =	sbr.rel @p0 .LBB2_2-.Ltmp0, $2  }
0x19: {  	[tilespmem:s17+$0x19FA0] =	vst v0;
	s17 =	smov.u32 s18;
	_ =	sdelay $0x2  }
0x1a: {  	s18 =	sshra.s32 s19, $0x2;
	s19 =	sadd.s32 $0x40, s19;
	v0 =	vld.idx.msk [tilespmem:v1+s2+$0x0], $0xffff  }
0x1b: {  	v1 =	vld [tilespmem:s18+$0x186A0];
	_ =	sdelay $0x6  }
0x1c: {  	[tilespmem:s17+$0x19FA0] =	vst v0  }
0x1d: {  	v0 =	vld.idx.msk [tilespmem:v1+s2+$0x0], $0xffff;
	_ =	sdelay $0x4  }
0x1e: {  	s31 =	simm.s32 $0x0;
	[tilespmem:s18+$0x19FA0] =	vst v0  }
0x1f: {  	[hbm4b:s5+s31] =	stream.linear.scatter [tilespmem:s15], [sflag:$0x1], $0x1900, $0x38;
	[tilespmem:$0x1B8A0] =	vst v63  }
0x20: {  	_ =	swait.ge [sflag:s13], $0x1900  }
0x21: {  	[sflag:s13] =	ssyncset.done $0x0  }
0x22: {  	[sflag:s13] =	ssyncadd.s32 $0xFFFFE700  }
0x23: {  	[tilespmem:s14], [sflag:$0x1] =	stream.linear.gather [hbm4b:s6+s31], $0x1900, $0x38;
	[tilespmem:$0x1B8A0] =	vst v63  }
0x24: {  	_ =	swait.ge [sflag:s13], $0x1900  }
0x25: {  	[sflag:s13] =	ssyncset.done $0x0  }
0x26: {  	s17 =	simm.s32 $0x0;
	[sflag:s13] =	ssyncadd.s32 $0xFFFFE700  }
0x27: {  	v0 =	vld [tilespmem:s17+$0x186A0];
	_ =	sdelay $0x7  }
0x28: {  	s19 =	simm.s32 $0x80;
	s18 =	simm.s32 $0x10;
	v0 =	vld.idx.msk [tilespmem:v0+s2+$0x0], $0xffff  }
.LBB2_4:
0x29: {  	p0 =	sne.s32 s19, $0x63C0;
	v1 =	vld [tilespmem:s18+$0x186A0];
	_ =	sdelay $0x3  }
.Ltmp1:
0x2a: {  	(pc) =	sbr.rel @p0 .LBB2_4-.Ltmp1, $2  }
0x2b: {  	[tilespmem:s17+$0x19FA0] =	vst v0;
	s17 =	smov.u32 s18;
	_ =	sdelay $0x2  }
0x2c: {  	s18 =	sshra.s32 s19, $0x2;
	s19 =	sadd.s32 $0x40, s19;
	v0 =	vld.idx.msk [tilespmem:v1+s2+$0x0], $0xffff  }
0x2d: {  	v1 =	vld [tilespmem:s18+$0x186A0];
	_ =	sdelay $0x6  }
0x2e: {  	[tilespmem:s17+$0x19FA0] =	vst v0  }
0x2f: {  	v0 =	vld.idx.msk [tilespmem:v1+s2+$0x0], $0xffff;
	_ =	sdelay $0x4  }
0x30: {  	s31 =	simm.s32 $0x0;
	[tilespmem:s18+$0x19FA0] =	vst v0  }
0x31: {  	[hbm4b:s7+s31] =	stream.linear.scatter [tilespmem:s15], [sflag:$0x1], $0x1900, $0x38;
	[tilespmem:$0x1B8A0] =	vst v63  }
0x32: {  	_ =	swait.ge [sflag:s13], $0x1900  }
0x33: {  	[sflag:s13] =	ssyncset.done $0x0  }
0x34: {  	[sflag:s13] =	ssyncadd.s32 $0xFFFFE700  }
0x35: {  	[tilespmem:s14], [sflag:$0x1] =	stream.linear.gather [hbm4b:s8+s31], $0x1900, $0x38;
	[tilespmem:$0x1B8A0] =	vst v63  }
0x36: {  	_ =	swait.ge [sflag:s13], $0x1900  }
0x37: {  	[sflag:s13] =	ssyncset.done $0x0  }
0x38: {  	s17 =	simm.s32 $0x0;
	[sflag:s13] =	ssyncadd.s32 $0xFFFFE700  }
0x39: {  	v0 =	vld [tilespmem:s17+$0x186A0];
	_ =	sdelay $0x7  }
0x3a: {  	s19 =	simm.s32 $0x80;
	s18 =	simm.s32 $0x10;
	v0 =	vld.idx.msk [tilespmem:v0+s2+$0x0], $0xffff  }
.LBB2_6:
0x3b: {  	p0 =	sne.s32 s19, $0x63C0;
	v1 =	vld [tilespmem:s18+$0x186A0];
	_ =	sdelay $0x3  }
.Ltmp2:
0x3c: {  	(pc) =	sbr.rel @p0 .LBB2_6-.Ltmp2, $2  }
0x3d: {  	[tilespmem:s17+$0x19FA0] =	vst v0;
	s17 =	smov.u32 s18;
	_ =	sdelay $0x2  }
0x3e: {  	s18 =	sshra.s32 s19, $0x2;
	s19 =	sadd.s32 $0x40, s19;
	v0 =	vld.idx.msk [tilespmem:v1+s2+$0x0], $0xffff  }
0x3f: {  	v1 =	vld [tilespmem:s18+$0x186A0];
	_ =	sdelay $0x6  }
0x40: {  	[tilespmem:s17+$0x19FA0] =	vst v0  }
0x41: {  	v0 =	vld.idx.msk [tilespmem:v1+s2+$0x0], $0xffff;
	_ =	sdelay $0x4  }
0x42: {  	s31 =	simm.s32 $0x0;
	[tilespmem:s18+$0x19FA0] =	vst v0  }
0x43: {  	[hbm4b:s9+s31] =	stream.linear.scatter [tilespmem:s15], [sflag:$0x1], $0x1900, $0x38;
	[tilespmem:$0x1B8A0] =	vst v63  }
0x44: {  	_ =	swait.ge [sflag:s13], $0x1900  }
0x45: {  	[sflag:s13] =	ssyncset.done $0x0  }
0x46: {  	[sflag:s13] =	ssyncadd.s32 $0xFFFFE700  }
0x47: {  	[tilespmem:s14], [sflag:$0x1] =	stream.linear.gather [hbm4b:s10+s31], $0x1900, $0x38;
	[tilespmem:$0x1B8A0] =	vst v63  }
0x48: {  	_ =	swait.ge [sflag:s13], $0x1900  }
0x49: {  	[sflag:s13] =	ssyncset.done $0x0  }
0x4a: {  	s17 =	simm.s32 $0x0;
	[sflag:s13] =	ssyncadd.s32 $0xFFFFE700  }
0x4b: {  	v0 =	vld [tilespmem:s17+$0x186A0];
	_ =	sdelay $0x7  }
0x4c: {  	s19 =	simm.s32 $0x80;
	s18 =	simm.s32 $0x10;
	v0 =	vld.idx.msk [tilespmem:v0+s2+$0x0], $0xffff  }
.LBB2_8:
0x4d: {  	p0 =	sne.s32 s19, $0x63C0;
	v1 =	vld [tilespmem:s18+$0x186A0];
	_ =	sdelay $0x3  }
.Ltmp3:
0x4e: {  	(pc) =	sbr.rel @p0 .LBB2_8-.Ltmp3, $2  }
0x4f: {  	[tilespmem:s17+$0x19FA0] =	vst v0;
	s17 =	smov.u32 s18;
	_ =	sdelay $0x2  }
0x50: {  	s18 =	sshra.s32 s19, $0x2;
	s19 =	sadd.s32 $0x40, s19;
	v0 =	vld.idx.msk [tilespmem:v1+s2+$0x0], $0xffff  }
0x51: {  	v1 =	vld [tilespmem:s18+$0x186A0];
	_ =	sdelay $0x6  }
0x52: {  	[tilespmem:s17+$0x19FA0] =	vst v0  }
0x53: {  	v0 =	vld.idx.msk [tilespmem:v1+s2+$0x0], $0xffff;
	_ =	sdelay $0x2  }
0x54: {  	s16 =	sadd.s32 $0x1, s16  }
0x55: {  	p0 =	sne.s32 s16, s12  }
.Ltmp4:
0x56: {  	[tilespmem:s18+$0x19FA0] =	vst v0;
	(pc) =	sbr.rel @p0 .LBB2_1-.Ltmp4, $4  }
0x57: {  	[hbm4b:s11+s2] =	stream.linear.scatter [tilespmem:s15], [sflag:$0x1], $0x1900, $0x38;
	[tilespmem:$0x1B8A0] =	vst v63  }
0x58: {  	_ =	swait.ge [sflag:s13], $0x1900  }
0x59: {  	[sflag:s13] =	ssyncset.done $0x0  }
0x5a: {  	[sflag:s13] =	ssyncadd.s32 $0xFFFFE700  }
0x5b: {  	_ =	sfence.sel $0x180000  }
0x5c: {  	[bflag:$0x0] =	sbarrier.arrive $0xFFFF  }
0x5d: {  	p0 =	sne.s32 s0, $0x0;
	_ =	strace $0x90000047  }
0x5e: {  	s0 =	sadd.s32 @!p0 $0x100000, s1;
	[bflag:$0x2] =	sbarrier.arrive $0xFFFF  }
0x5f: {  	[sflag:s0] =	ssyncadd.tile.s32 @!p0 $0x1;
	_ =	shalt  }
.Lfunc_end2:
_tile_overlayer_lowered:
.L_overlay_start_2:
0x60: {  	(tag) =	ssettag $0x2  }
0x61: {  	s0 =	rddreg [dreg:$0x0];
	s2 =	stileid.u32  }
0x62: {  	s1 =	rddreg [dreg:$0x1];
	p0 =	sne.s32 s2, $0x0  }
0x63: {  	s3 =	rddreg [dreg:$0x2];
	[bflag:$0x3] =	sbarrier.arrive $0xFFFF;
	s2 =	simm.s32 @!p0 $0x1C01  }
0x64: {  	[timem:s3], [sflag:s2] =	dma.local @!p0 [hbm:s0], s1  }
0x65: {  	s0 =	simm.s32 @!p0 $0x1  }
0x66: {  	_ =	swait.ge @!p0 [sflag:s0], s1  }
0x67: {  	s1 =	ssub.s32 @!p0 $0x0, s1;
	[sflag:s0] =	ssyncset.done @!p0 $0x0  }
0x68: {  	[sflag:s0] =	ssyncadd.s32 @!p0 s1  }
0x69: {  	[bflag:$0x3] =	sbarrier.arrive $0xFFFF  }
0x6a: {  	_ =	shalt  }

</sc_bundles>
